<compile_context>
chip_gen: v7x
topology: tpu7x:2x2x1
jax: 0.10.2.dev20260603
libtpu: 0.0.44.dev20260713+nightly
codegen_flags: <defaults>
</compile_context>

<pallas_src>
import functools

import jax
import jax.numpy as jnp
from jax import lax
from jax.experimental import pallas as pl
from jax.experimental.pallas import tpu as pltpu
from jax.experimental.pallas import tpu_sc as plsc

_TN = 1024
_GROUPS = 8
_EPS = 1e-5
_GW = 128
_TT = 1024


def _nn_body(ptsT_ref, cT_ref, feats_ref, temb_ref, W_ref, b_ref, g_ref, bt_ref,
             idx_ref, zfin_ref, z_ref, cnt_ref):
    M = cT_ref.shape[1]
    OC = W_ref.shape[0]
    NT = idx_ref.shape[1]
    N = NT * _TN
    b = pl.program_id(0)
    j = pl.program_id(1)

    @pl.when(j == 0)
    def _init():
        z_ref[...] = jnp.dot(W_ref[...], feats_ref[0],
                             preferred_element_type=jnp.float32) + b_ref[...]
        cnt_ref[...] = jnp.zeros_like(cnt_ref)

    @pl.when(j < NT)
    def _tile():
        p = ptsT_ref[0]
        cT = cT_ref[0]
        pn2 = jnp.sum(p * p, axis=1, keepdims=True)
        cn2 = jnp.sum(cT * cT, axis=1).reshape(1, M)
        e = lax.dot_general(p, cT, (((1,), (1,)), ((), ())),
                            preferred_element_type=jnp.float32)
        score = (pn2 + cn2) - 2.0 * e
        idx = jnp.argmin(score, axis=1).reshape(1, _TN)
        idx_ref[0, pl.ds(j, 1), :] = idx + b * M
        iota_m = lax.broadcasted_iota(jnp.int32, (_TN, M), 1)
        onehot = (iota_m == idx.reshape(_TN, 1)).astype(jnp.float32)
        cnt_ref[...] += jnp.sum(onehot, axis=0, keepdims=True)

    @pl.when(j == NT)
    def _epilogue():
        cpg = OC // _GROUPS
        G = (lax.broadcasted_iota(jnp.int32, (_GROUPS, OC), 1) // cpg
             == lax.broadcasted_iota(jnp.int32, (_GROUPS, OC), 0)).astype(jnp.float32)
        GT = (lax.broadcasted_iota(jnp.int32, (OC, _GROUPS), 0) // cpg
              == lax.broadcasted_iota(jnp.int32, (OC, _GROUPS), 1)).astype(jnp.float32)
        z = z_ref[...]
        cnt = cnt_ref[...]
        s1 = jnp.sum(z * cnt, axis=1, keepdims=True)
        s2 = jnp.sum(z * z * cnt, axis=1, keepdims=True)
        denom = float(N * cpg)
        gmean = jnp.dot(G, s1, preferred_element_type=jnp.float32) / denom
        gm2 = jnp.dot(G, s2, preferred_element_type=jnp.float32) / denom
        gscale = lax.rsqrt(gm2 - gmean * gmean + _EPS)
        mean_c = jnp.dot(GT, gmean, preferred_element_type=jnp.float32)
        scale_c = jnp.dot(GT, gscale, preferred_element_type=jnp.float32)
        a = g_ref[...] * scale_c
        c0 = bt_ref[...] - g_ref[...] * scale_c * mean_c
        yn = z * a + c0
        zfin_ref[0] = yn * jax.nn.sigmoid(yn)


def _nn_and_table(ptsT, cT, feats, temb, W, b2, g2, bt2):
    B, N, _ = ptsT.shape
    M = cT.shape[1]
    C = feats.shape[1]
    OC = W.shape[0]
    NT = N // _TN
    last = NT - 1
    idx, zfin = pl.pallas_call(
        _nn_body,
        grid=(B, NT + 1),
        in_specs=[
            pl.BlockSpec((1, _TN, 3), lambda i, j: (i, jnp.minimum(j, last), 0)),
            pl.BlockSpec((1, M, 3), lambda i, j: (i, 0, 0)),
            pl.BlockSpec((1, C, M), lambda i, j: (i, 0, 0)),
            pl.BlockSpec((1, C, M), lambda i, j: (i, 0, 0)),
            pl.BlockSpec((OC, C), lambda i, j: (0, 0)),
            pl.BlockSpec((OC, 1), lambda i, j: (0, 0)),
            pl.BlockSpec((OC, 1), lambda i, j: (0, 0)),
            pl.BlockSpec((OC, 1), lambda i, j: (0, 0)),
        ],
        out_specs=[
            pl.BlockSpec((1, NT, _TN), lambda i, j: (i, 0, 0)),
            pl.BlockSpec((1, OC, M), lambda i, j: (i, 0, 0)),
        ],
        out_shape=[
            jax.ShapeDtypeStruct((B, NT, _TN), jnp.int32),
            jax.ShapeDtypeStruct((B, OC, M), jnp.float32),
        ],
        scratch_shapes=[
            pltpu.VMEM((OC, M), jnp.float32),
            pltpu.VMEM((1, M), jnp.float32),
        ],
    )(ptsT, cT, feats, temb, W, b2, g2, bt2)
    return idx, zfin


def _sc_gather(tbl, idx_flat):
    BN = idx_flat.shape[0]
    D = tbl.shape[1]
    idx2 = idx_flat.reshape(1, BN)
    mesh = plsc.VectorSubcoreMesh(core_axis_name="core", subcore_axis_name="subcore")

    @functools.partial(
        pl.kernel,
        out_type=jax.ShapeDtypeStruct((BN, D), jnp.float32),
        mesh=mesh,
    )
    def k(tbl_hbm, i_hbm, o_hbm):
        def body(i_vmem, o_vmem):
            pltpu.sync_copy(tbl_hbm.at[i_vmem.at[0]], o_vmem)

        pltpu.emit_pipeline(
            body,
            grid=(BN // _GW,),
            in_specs=[pl.BlockSpec((1, _GW), index_map=lambda i: (0, i))],
            out_specs=[pl.BlockSpec((_GW, D), index_map=lambda i: (i, 0))],
            core_axis_name=("core", "subcore"),
            dimension_semantics=(pltpu.PARALLEL,),
        )(i_hbm, o_hbm)

    return k(tbl, idx2)


def _tr_body(rows_ref, out_ref, tout_ref):
    OC = out_ref.shape[1]
    r = rows_ref[0]
    t = lax.transpose(r, (1, 0))
    out_ref[0] = t[0:OC]
    tout_ref[0] = t[OC:]


def _split_transpose(rows, B, N, OC):
    NT2 = N // _TT
    rows3 = rows.reshape(B, N, 2 * OC)
    return pl.pallas_call(
        _tr_body,
        grid=(B, NT2),
        in_specs=[pl.BlockSpec((1, _TT, 2 * OC), lambda i, j: (i, j, 0))],
        out_specs=[
            pl.BlockSpec((1, OC, _TT), lambda i, j: (i, 0, j)),
            pl.BlockSpec((1, OC, _TT), lambda i, j: (i, 0, j)),
        ],
        out_shape=[
            jax.ShapeDtypeStruct((B, OC, N), jnp.float32),
            jax.ShapeDtypeStruct((B, OC, N), jnp.float32),
        ],
    )(rows3)


def kernel(points_coords, centers_coords, centers_features, temb, W, b, gamma, beta):
    B, _, N = points_coords.shape
    M = centers_coords.shape[2]
    OC = W.shape[0]

    ptsT = jnp.transpose(points_coords, (0, 2, 1))
    cT = jnp.transpose(centers_coords, (0, 2, 1))
    b2 = b.reshape(OC, 1)
    g2 = gamma.reshape(OC, 1)
    bt2 = beta.reshape(OC, 1)

    outs, touts = [], []
    for i in range(B):
        idx, zfin = _nn_and_table(
            ptsT[i:i + 1], cT[i:i + 1], centers_features[i:i + 1],
            temb[i:i + 1], W, b2, g2, bt2)
        tbl = jnp.concatenate([zfin, temb[i:i + 1]], axis=1)
        tbl = jnp.transpose(tbl, (0, 2, 1)).reshape(M, 2 * OC)
        rows = _sc_gather(tbl, idx.reshape(N))
        o, t = _split_transpose(rows, 1, N, OC)
        outs.append(o)
        touts.append(t)
    out = jnp.concatenate(outs, axis=0)
    tout = jnp.concatenate(touts, axis=0)
    return (out, points_coords, tout)

# --- scband reference (transcript-rebuilt; emitter-appended) ---
"""Pipeline reference for scband-point-net-fpmodule-70153995813277 (READ-ONLY COPY).

The authoritative reference and input builder live on the scoring server;
editing this copy changes nothing except your own understanding.
"""

import jax, jax.numpy as jnp
import numpy as np

B, N, M, C = 4, 8192, 1024, 64
OC = 64
GROUPS = 8
EPS = 1e-5


def setup_inputs(seed: int = 0) -> dict:
    key = jax.random.key(seed)
    k1, k2, k3, k4, k5 = jax.random.split(key, 5)
    points_coords = jax.random.normal(k1, (B, 3, N), dtype=jnp.float32)
    centers_coords = jax.random.normal(k2, (B, 3, M), dtype=jnp.float32)
    centers_features = jax.random.normal(k3, (B, C, M), dtype=jnp.float32)
    temb = jax.random.normal(k4, (B, C, M), dtype=jnp.float32)
    W = jax.random.normal(k5, (OC, C), dtype=jnp.float32) * 0.05
    b = jnp.zeros((OC,), dtype=jnp.float32)
    gamma = jnp.ones((OC,), dtype=jnp.float32)
    beta = jnp.zeros((OC,), dtype=jnp.float32)
    return {"points_coords": points_coords, "centers_coords": centers_coords,
            "centers_features": centers_features, "temb": temb,
            "W": W, "b": b, "gamma": gamma, "beta": beta}


def _nn_interpolate(points_coords, centers_coords, centers_features):
    # points_coords: [B,3,N], centers_coords: [B,3,M], centers_features: [B,Cf,M]
    p = jnp.transpose(points_coords, (0, 2, 1))  # [B,N,3]
    c = jnp.transpose(centers_coords, (0, 2, 1))  # [B,M,3]
    # squared euclidean distance (argmin identical to argmin of cdist p=2)
    d2 = (jnp.sum(p * p, axis=-1)[:, :, None]
          + jnp.sum(c * c, axis=-1)[:, None, :]
          - 2.0 * jnp.einsum('bnd,bmd->bnm', p, c))  # [B,N,M]
    nearest_idx = jnp.argmin(d2, axis=2)  # [B,N]
    Cf = centers_features.shape[1]
    idx = jnp.broadcast_to(nearest_idx[:, None, :], (centers_features.shape[0], Cf, nearest_idx.shape[1]))
    return jnp.take_along_axis(centers_features, idx, axis=2)  # [B,Cf,N]


def _shared_mlp(x, W, b, gamma, beta):
    # Conv1d kernel 1 == pointwise matmul
    y = jnp.einsum('oi,bin->bon', W, x) + b[None, :, None]
    # GroupNorm(8, OC)
    Bd, Cd, Nd = y.shape
    yg = y.reshape(Bd, GROUPS, Cd // GROUPS, Nd)
    mean = jnp.mean(yg, axis=(2, 3), keepdims=True)
    var = jnp.var(yg, axis=(2, 3), keepdims=True)
    yg = (yg - mean) / jnp.sqrt(var + EPS)
    y = yg.reshape(Bd, Cd, Nd)
    y = y * gamma[None, :, None] + beta[None, :, None]
    # Swish
    return y * jax.nn.sigmoid(y)


def reference(points_coords, centers_coords, centers_features, temb, W, b, gamma, beta):
    interpolated_features = _nn_interpolate(points_coords, centers_coords, centers_features)
    interpolated_temb = _nn_interpolate(points_coords, centers_coords, temb)
    out = _shared_mlp(interpolated_features, W, b, gamma, beta)
    return (out, points_coords, interpolated_temb)

if __name__ == "__main__":
    import jax
    _d = setup_inputs()
    print(jax.jit(kernel)(*tuple(_d.values())))

</pallas_src>

<mosaic_0001>
#map = affine_map<(d0, d1) -> (0, 0)>
module attributes {stable_mosaic.version = 14 : i64} {
  func.func @k(%arg0: i32, %arg1: i32, %arg2: memref<1024x128xf32, #tpu.memory_space<hbm>>, %arg3: memref<1x8192xi32, #tpu.memory_space<hbm>>, %arg4: memref<8192x128xf32, #tpu.memory_space<hbm>>) attributes {dimension_semantics = [#tpu.dimension_semantics<core_parallel>, #tpu.dimension_semantics<subcore_parallel>], iteration_bounds = array<i64: 2, 16>, scalar_prefetch = 0 : i64, scratch_operands = 0 : i64, tpu.core_type = #tpu.core_type<sc_vector_subcore>, window_params = [{transform_indices = #map}, {transform_indices = #map}, {transform_indices = #map}]} {
    %mul3A = arith.constant 1 : i32
    %mul3A_0 = arith.muli %arg1, %mul3A : i32
    %add3A = arith.constant 0 : i32
    %add3A_1 = arith.addi %add3A, %mul3A_0 : i32
    %mul3A_2 = arith.constant 16 : i32
    %mul3A_3 = arith.muli %arg0, %mul3A_2 : i32
    %add3A_4 = arith.addi %add3A_1, %mul3A_3 : i32
    %mul3A_5 = arith.constant 2 : i32
    %mul3A_6 = arith.muli %add3A_4, %mul3A_5 : i32
    "tpu.region"() ({
      %run_scoped3A = memref.alloca() : memref<2x1x128xi32, #tpu.memory_space<vmem>>
      %run_scoped3A_7 = tpu.sem_alloc : memref<2x!tpu.dma_semaphore, #tpu.memory_space<semaphore_mem>>
      %run_scoped3A_8 = memref.alloca() : memref<2x128x128xf32, #tpu.memory_space<vmem>>
      %run_scoped3A_9 = tpu.sem_alloc : memref<2x!tpu.dma_semaphore, #tpu.memory_space<semaphore_mem>>
      %add3A_10 = arith.constant 0 : i32
      %add3A_11 = arith.addi %add3A_10, %mul3A_6 : i32
      %select_n3A = arith.constant true
      %select_n3A_12 = arith.constant 0 : i32
      %select_n3A_13 = arith.constant -1 : i32
      %select_n3A_14 = arith.select %select_n3A, %select_n3A_13, %select_n3A_12 : i32
      %eq3A = arith.constant -1 : i32
      %eq3A_15 = arith.cmpi eq, %select_n3A_14, %eq3A : i32
      %select_n3A_16 = arith.constant 1 : i32
      %select_n3A_17 = arith.select %eq3A_15, %select_n3A_16, %select_n3A_14 : i32
      %add3A_18 = arith.addi %select_n3A_17, %mul3A_6 : i32
      %select_n3A_19 = arith.constant true
      %select_n3A_20 = arith.constant 0 : i32
      %select_n3A_21 = arith.constant 1 : i32
      %select_n3A_22 = arith.select %select_n3A_19, %select_n3A_21, %select_n3A_20 : i32
      %eq3A_23 = arith.constant 2 : i32
      %eq3A_24 = arith.cmpi eq, %select_n3A_22, %eq3A_23 : i32
      %select_n3A_25 = arith.constant 0 : i32
      %select_n3A_26 = arith.select %eq3A_24, %select_n3A_25, %select_n3A_22 : i32
      %add3A_27 = arith.addi %select_n3A_26, %mul3A_6 : i32
      %add3A_28 = arith.constant 1 : i32
      %add3A_29 = arith.addi %select_n3A_26, %add3A_28 : i32
      %select_n3A_30 = arith.constant true
      %select_n3A_31 = arith.select %select_n3A_30, %add3A_29, %select_n3A_26 : i32
      %eq3A_32 = arith.constant 2 : i32
      %eq3A_33 = arith.cmpi eq, %select_n3A_31, %eq3A_32 : i32
      %select_n3A_34 = arith.constant 0 : i32
      %select_n3A_35 = arith.select %eq3A_33, %select_n3A_34, %select_n3A_31 : i32
      %add3A_36 = arith.addi %select_n3A_35, %mul3A_6 : i32
      "tpu.trace_start"() <{level = 10 : i32, message = "ep_initialize_0"}> : () -> ()
      %rem3A = arith.constant 0 : i32
      %rem3A_37 = arith.constant 2 : i32
      %rem3A_38 = arith.remui %rem3A, %rem3A_37 : i32
      %mul3A_39 = arith.constant 128 : i32
      %mul3A_40 = arith.muli %mul3A_39, %add3A_11 : i32
      %dma_start3A = arith.constant 0 : i32
      %dma_start3A_41 = arith.constant 0 : i32
      %dma_start3A_42 = tpu.memref_slice %run_scoped3A[%rem3A_38, %dma_start3A, %dma_start3A_41] : memref<2x1x128xi32, #tpu.memory_space<vmem>> -> memref<1x1x128xi32, #tpu.memory_space<vmem>>
      %dma_start3A_43 = tpu.memref_squeeze %dma_start3A_42 : memref<1x1x128xi32, #tpu.memory_space<vmem>> -> memref<1x128xi32, #tpu.memory_space<vmem>>
      %dma_start3A_44 = arith.constant 0 : i32
      %dma_start3A_45 = tpu.memref_slice %arg3[%dma_start3A_44, %mul3A_40] : memref<1x8192xi32, #tpu.memory_space<hbm>> -> memref<1x128xi32, #tpu.memory_space<hbm>>
      %dma_start3A_46 = tpu.memref_slice %run_scoped3A_7[%rem3A_38] : memref<2x!tpu.dma_semaphore, #tpu.memory_space<semaphore_mem>> -> memref<1x!tpu.dma_semaphore, #tpu.memory_space<semaphore_mem>>
      %dma_start3A_47 = tpu.memref_squeeze %dma_start3A_46 : memref<1x!tpu.dma_semaphore, #tpu.memory_space<semaphore_mem>> -> memref<!tpu.dma_semaphore, #tpu.memory_space<semaphore_mem>>
      %dma_start3A_48 = arith.constant 0 : i32
      %dma_start3A_49 = arith.constant 0 : i32
      %dma_start3A_50 = tpu.memref_slice %run_scoped3A[%rem3A_38, %dma_start3A_48, %dma_start3A_49] : memref<2x1x128xi32, #tpu.memory_space<vmem>> -> memref<1x1x128xi32, #tpu.memory_space<vmem>>
      %dma_start3A_51 = tpu.memref_squeeze %dma_start3A_50 : memref<1x1x128xi32, #tpu.memory_space<vmem>> -> memref<1x128xi32, #tpu.memory_space<vmem>>
      %dma_start3A_52 = arith.constant 0 : i32
      %dma_start3A_53 = tpu.memref_slice %arg3[%dma_start3A_52, %mul3A_40] : memref<1x8192xi32, #tpu.memory_space<hbm>> -> memref<1x128xi32, #tpu.memory_space<hbm>>
      tpu.enqueue_dma source(%dma_start3A_53 : memref<1x128xi32, #tpu.memory_space<hbm>>) target(%dma_start3A_51 : memref<1x128xi32, #tpu.memory_space<vmem>>) target_semaphore(%dma_start3A_47 : memref<!tpu.dma_semaphore, #tpu.memory_space<semaphore_mem>>)
      %add3A_54 = arith.constant 0 : i32
      %add3A_55 = arith.constant 1 : i32
      %add3A_56 = arith.addi %add3A_54, %add3A_55 : i32
      %select_n3A_57 = arith.constant true
      %select_n3A_58 = arith.constant 0 : i32
      %select_n3A_59 = arith.select %select_n3A_57, %add3A_56, %select_n3A_58 : i32
      "tpu.trace_stop"() : () -> ()
      %scan3A = arith.constant 0 : i32
      %scan3A_60 = arith.constant 0 : i32
      %scan3A_61 = arith.constant 0 : i32
      %scan3A_62 = arith.constant 0 : i32
      %scan3A_63 = arith.constant 0 : i32
      %scan3A_64 = arith.constant 2 : i32
      %scan3A_65 = arith.addi %scan3A_63, %scan3A_64 : i32
      %scan3A_66 = arith.constant 1 : i32
      %scan3A_67:5 = scf.for %scan3A_121 = %scan3A_63 to %scan3A_65 step %scan3A_66 iter_args(%scan3A_122 = %select_n3A_59, %scan3A_123 = %scan3A, %scan3A_124 = %scan3A_60, %scan3A_125 = %scan3A_61, %scan3A_126 = %scan3A_62) -> (i32, i32, i32, i32, i32)  : i32 {
        %eq3A_127 = arith.constant 0 : i32
        %eq3A_128 = arith.cmpi eq, %scan3A_121, %eq3A_127 : i32
        %eq3A_129 = arith.constant 1 : i32
        %eq3A_130 = arith.cmpi eq, %scan3A_121, %eq3A_129 : i32
        %add3A_131 = arith.addi %scan3A_126, %mul3A_6 : i32
        %sub3A_132 = arith.constant 1 : i32
        %sub3A_133 = arith.subi %scan3A_126, %sub3A_132 : i32
        %select_n3A_134 = arith.constant true
        %select_n3A_135 = arith.select %select_n3A_134, %sub3A_133, %scan3A_126 : i32
        %eq3A_136 = arith.constant -1 : i32
        %eq3A_137 = arith.cmpi eq, %select_n3A_135, %eq3A_136 : i32
        %select_n3A_138 = arith.constant 1 : i32
        %select_n3A_139 = arith.select %eq3A_137, %select_n3A_138, %select_n3A_135 : i32
        %add3A_140 = arith.addi %select_n3A_139, %mul3A_6 : i32
        %add3A_141 = arith.constant 1 : i32
        %add3A_142 = arith.addi %scan3A_126, %add3A_141 : i32
        %select_n3A_143 = arith.constant true
        %select_n3A_144 = arith.select %select_n3A_143, %add3A_142, %scan3A_126 : i32
        %eq3A_145 = arith.constant 2 : i32
        %eq3A_146 = arith.cmpi eq, %select_n3A_144, %eq3A_145 : i32
        %select_n3A_147 = arith.constant 0 : i32
        %select_n3A_148 = arith.select %eq3A_146, %select_n3A_147, %select_n3A_144 : i32
        %add3A_149 = arith.addi %select_n3A_148, %mul3A_6 : i32
        %add3A_150 = arith.constant 1 : i32
        %add3A_151 = arith.addi %select_n3A_148, %add3A_150 : i32
        %select_n3A_152 = arith.constant true
        %select_n3A_153 = arith.select %select_n3A_152, %add3A_151, %select_n3A_148 : i32
        %eq3A_154 = arith.constant 2 : i32
        %eq3A_155 = arith.cmpi eq, %select_n3A_153, %eq3A_154 : i32
        %select_n3A_156 = arith.constant 0 : i32
        %select_n3A_157 = arith.select %eq3A_155, %select_n3A_156, %select_n3A_153 : i32
        %add3A_158 = arith.addi %select_n3A_157, %mul3A_6 : i32
        %ne3A = arith.cmpi ne, %add3A_131, %add3A_149 : i32
        %or3A = arith.constant false
        %or3A_159 = arith.ori %or3A, %ne3A : i1
        %ge3A = arith.constant 1 : i32
        %ge3A_160 = arith.cmpi sge, %scan3A_121, %ge3A : i32
        %not3A = arith.constant true
        %not3A_161 = arith.xori %ge3A_160, %not3A : i1
        %and3A = arith.andi %or3A_159, %not3A_161 : i1
        %convert_element_type3A = arith.extui %and3A : i1 to i32
        %cond3A = arith.constant 0 : i32
        %cond3A_162 = arith.cmpi ne, %convert_element_type3A, %cond3A : i32
        scf.if %cond3A_162 {
          "tpu.trace_start"() <{level = 10 : i32, message = "ep_copy_in"}> : () -> ()
          %rem3A_264 = arith.constant 2 : i32
          %rem3A_265 = arith.remui %scan3A_122, %rem3A_264 : i32
          %mul3A_266 = arith.constant 128 : i32
          %mul3A_267 = arith.muli %mul3A_266, %add3A_149 : i32
          %dma_start3A_268 = arith.constant 0 : i32
          %dma_start3A_269 = arith.constant 0 : i32
          %dma_start3A_270 = tpu.memref_slice %run_scoped3A[%rem3A_265, %dma_start3A_268, %dma_start3A_269] : memref<2x1x128xi32, #tpu.memory_space<vmem>> -> memref<1x1x128xi32, #tpu.memory_space<vmem>>
          %dma_start3A_271 = tpu.memref_squeeze %dma_start3A_270 : memref<1x1x128xi32, #tpu.memory_space<vmem>> -> memref<1x128xi32, #tpu.memory_space<vmem>>
          %dma_start3A_272 = arith.constant 0 : i32
          %dma_start3A_273 = tpu.memref_slice %arg3[%dma_start3A_272, %mul3A_267] : memref<1x8192xi32, #tpu.memory_space<hbm>> -> memref<1x128xi32, #tpu.memory_space<hbm>>
          %dma_start3A_274 = tpu.memref_slice %run_scoped3A_7[%rem3A_265] : memref<2x!tpu.dma_semaphore, #tpu.memory_space<semaphore_mem>> -> memref<1x!tpu.dma_semaphore, #tpu.memory_space<semaphore_mem>>
          %dma_start3A_275 = tpu.memref_squeeze %dma_start3A_274 : memref<1x!tpu.dma_semaphore, #tpu.memory_space<semaphore_mem>> -> memref<!tpu.dma_semaphore, #tpu.memory_space<semaphore_mem>>
          %dma_start3A_276 = arith.constant 0 : i32
          %dma_start3A_277 = arith.constant 0 : i32
          %dma_start3A_278 = tpu.memref_slice %run_scoped3A[%rem3A_265, %dma_start3A_276, %dma_start3A_277] : memref<2x1x128xi32, #tpu.memory_space<vmem>> -> memref<1x1x128xi32, #tpu.memory_space<vmem>>
          %dma_start3A_279 = tpu.memref_squeeze %dma_start3A_278 : memref<1x1x128xi32, #tpu.memory_space<vmem>> -> memref<1x128xi32, #tpu.memory_space<vmem>>
          %dma_start3A_280 = arith.constant 0 : i32
          %dma_start3A_281 = tpu.memref_slice %arg3[%dma_start3A_280, %mul3A_267] : memref<1x8192xi32, #tpu.memory_space<hbm>> -> memref<1x128xi32, #tpu.memory_space<hbm>>
          tpu.enqueue_dma source(%dma_start3A_281 : memref<1x128xi32, #tpu.memory_space<hbm>>) target(%dma_start3A_279 : memref<1x128xi32, #tpu.memory_space<vmem>>) target_semaphore(%dma_start3A_275 : memref<!tpu.dma_semaphore, #tpu.memory_space<semaphore_mem>>)
          "tpu.trace_stop"() : () -> ()
        } else {
        }
        %and3A_163 = arith.constant true
        %and3A_164 = arith.andi %and3A, %and3A_163 : i1
        %add3A_165 = arith.constant 1 : i32
        %add3A_166 = arith.addi %scan3A_122, %add3A_165 : i32
        %select_n3A_167 = arith.select %and3A_164, %add3A_166, %scan3A_122 : i32
        %ne3A_168 = arith.cmpi ne, %add3A_131, %add3A_149 : i32
        %or3A_169 = arith.constant false
        %or3A_170 = arith.ori %or3A_169, %ne3A_168 : i1
        %or3A_171 = arith.constant false
        %or3A_172 = arith.ori %or3A_170, %or3A_171 : i1
        %ge3A_173 = arith.constant 1 : i32
        %ge3A_174 = arith.cmpi sge, %scan3A_121, %ge3A_173 : i32
        %not3A_175 = arith.constant true
        %not3A_176 = arith.xori %ge3A_174, %not3A_175 : i1
        %and3A_177 = arith.andi %or3A_172, %not3A_176 : i1
        %ne3A_178 = arith.cmpi ne, %add3A_131, %add3A_140 : i32
        %or3A_179 = arith.constant false
        %or3A_180 = arith.ori %or3A_179, %ne3A_178 : i1
        %or3A_181 = arith.ori %or3A_180, %eq3A_128 : i1
        %convert_element_type3A_182 = arith.extui %or3A_181 : i1 to i32
        %cond3A_183 = arith.constant 0 : i32
        %cond3A_184 = arith.cmpi ne, %convert_element_type3A_182, %cond3A_183 : i32
        scf.if %cond3A_184 {
          "tpu.trace_start"() <{level = 10 : i32, message = "ep_wait_in"}> : () -> ()
          %mul3A_264 = arith.constant 128 : i32
          %mul3A_265 = arith.muli %mul3A_264, %add3A_131 : i32
          %rem3A_266 = arith.constant 2 : i32
          %rem3A_267 = arith.remui %scan3A_123, %rem3A_266 : i32
          %dma_wait3A_268 = arith.constant 0 : i32
          %dma_wait3A_269 = arith.constant 0 : i32
          %dma_wait3A_270 = tpu.memref_slice %run_scoped3A[%rem3A_267, %dma_wait3A_268, %dma_wait3A_269] : memref<2x1x128xi32, #tpu.memory_space<vmem>> -> memref<1x1x128xi32, #tpu.memory_space<vmem>>
          %dma_wait3A_271 = tpu.memref_squeeze %dma_wait3A_270 : memref<1x1x128xi32, #tpu.memory_space<vmem>> -> memref<1x128xi32, #tpu.memory_space<vmem>>
          %dma_wait3A_272 = arith.constant 0 : i32
          %dma_wait3A_273 = tpu.memref_slice %arg3[%dma_wait3A_272, %mul3A_265] : memref<1x8192xi32, #tpu.memory_space<hbm>> -> memref<1x128xi32, #tpu.memory_space<hbm>>
          %dma_wait3A_274 = tpu.memref_slice %run_scoped3A_7[%rem3A_267] : memref<2x!tpu.dma_semaphore, #tpu.memory_space<semaphore_mem>> -> memref<1x!tpu.dma_semaphore, #tpu.memory_space<semaphore_mem>>
          %dma_wait3A_275 = tpu.memref_squeeze %dma_wait3A_274 : memref<1x!tpu.dma_semaphore, #tpu.memory_space<semaphore_mem>> -> memref<!tpu.dma_semaphore, #tpu.memory_space<semaphore_mem>>
          %dma_wait3A_276 = arith.constant 0 : i32
          %dma_wait3A_277 = arith.constant 0 : i32
          %dma_wait3A_278 = tpu.memref_slice %run_scoped3A[%rem3A_267, %dma_wait3A_276, %dma_wait3A_277] : memref<2x1x128xi32, #tpu.memory_space<vmem>> -> memref<1x1x128xi32, #tpu.memory_space<vmem>>
          %dma_wait3A_279 = tpu.memref_squeeze %dma_wait3A_278 : memref<1x1x128xi32, #tpu.memory_space<vmem>> -> memref<1x128xi32, #tpu.memory_space<vmem>>
          %dma_wait3A_280 = arith.constant 0 : i32
          %dma_wait3A_281 = tpu.memref_slice %arg3[%dma_wait3A_280, %mul3A_265] : memref<1x8192xi32, #tpu.memory_space<hbm>> -> memref<1x128xi32, #tpu.memory_space<hbm>>
          tpu.wait_dma2 semaphore(%dma_wait3A_275 : memref<!tpu.dma_semaphore, #tpu.memory_space<semaphore_mem>>) src(%dma_wait3A_281 : memref<1x128xi32, #tpu.memory_space<hbm>>) dst(%dma_wait3A_279 : memref<1x128xi32, #tpu.memory_space<vmem>>)
          "tpu.trace_stop"() : () -> ()
        } else {
        }
        %ne3A_185 = arith.cmpi ne, %add3A_131, %add3A_140 : i32
        %or3A_186 = arith.constant false
        %or3A_187 = arith.ori %or3A_186, %ne3A_185 : i1
        %or3A_188 = arith.constant false
        %or3A_189 = arith.ori %or3A_187, %or3A_188 : i1
        %or3A_190 = arith.ori %or3A_189, %eq3A_128 : i1
        %convert_element_type3A_191 = arith.extui %or3A_190 : i1 to i32
        %cond3A_192 = arith.constant 0 : i32
        %cond3A_193 = arith.cmpi ne, %convert_element_type3A_191, %cond3A_192 : i32
        scf.if %cond3A_193 {
        } else {
        }
        %rem3A_194 = arith.constant 2 : i32
        %rem3A_195 = arith.remui %scan3A_123, %rem3A_194 : i32
        %rem3A_196 = arith.constant 2 : i32
        %rem3A_197 = arith.remui %scan3A_124, %rem3A_196 : i32
        %run_scoped3A_198 = arith.constant 0 : i32
        "tpu.trace_start"() <{level = 10 : i32, message = "ep_run_kernel"}> : () -> ()
        "tpu.region"() ({
          %run_scoped3A_264 = tpu.sem_alloc : memref<!tpu.dma_semaphore, #tpu.memory_space<semaphore_mem>>
          %dma_start3A_265 = arith.constant 0 : i32
          %dma_start3A_266 = arith.constant 0 : i32
          %dma_start3A_267 = tpu.memref_slice %run_scoped3A_8[%rem3A_197, %dma_start3A_265, %dma_start3A_266] : memref<2x128x128xf32, #tpu.memory_space<vmem>> -> memref<1x128x128xf32, #tpu.memory_space<vmem>>
          %dma_start3A_268 = tpu.memref_squeeze %dma_start3A_267 : memref<1x128x128xf32, #tpu.memory_space<vmem>> -> memref<128x128xf32, #tpu.memory_space<vmem>>
          %dma_start3A_269 = arith.constant 0 : i32
          %dma_start3A_270 = arith.constant 0 : i32
          %dma_start3A_271 = tpu.memref_slice %run_scoped3A[%rem3A_195, %dma_start3A_269, %dma_start3A_270] : memref<2x1x128xi32, #tpu.memory_space<vmem>> -> memref<1x1x128xi32, #tpu.memory_space<vmem>>
          %dma_start3A_272 = tpu.memref_squeeze %dma_start3A_271 : memref<1x1x128xi32, #tpu.memory_space<vmem>> -> memref<1x128xi32, #tpu.memory_space<vmem>>
          %dma_start3A_273 = arith.constant 0 : i32
          %dma_start3A_274 = tpu.memref_slice %dma_start3A_272[%run_scoped3A_198, %dma_start3A_273] : memref<1x128xi32, #tpu.memory_space<vmem>> -> memref<1x128xi32, #tpu.memory_space<vmem>>
          %dma_start3A_275 = tpu.memref_squeeze %dma_start3A_274 : memref<1x128xi32, #tpu.memory_space<vmem>> -> memref<128xi32, #tpu.memory_space<vmem>>
          %dma_start3A_276 = arith.constant 0 : i32
          %dma_start3A_277 = arith.constant 0 : i32
          %dma_start3A_278 = tpu.memref_slice %arg2[%dma_start3A_276, %dma_start3A_277] : memref<1024x128xf32, #tpu.memory_space<hbm>> -> memref<1024x128xf32, #tpu.memory_space<hbm>>
          tpu.enqueue_indirect_dma source(%dma_start3A_278 : memref<1024x128xf32, #tpu.memory_space<hbm>>) target(%dma_start3A_268 : memref<128x128xf32, #tpu.memory_space<vmem>>) offsets(%dma_start3A_275 : memref<128xi32, #tpu.memory_space<vmem>>) semaphore(%run_scoped3A_264 : memref<!tpu.dma_semaphore, #tpu.memory_space<semaphore_mem>>)
          %dma_wait3A_279 = arith.constant 0 : i32
          %dma_wait3A_280 = arith.constant 0 : i32
          %dma_wait3A_281 = tpu.memref_slice %run_scoped3A_8[%rem3A_197, %dma_wait3A_279, %dma_wait3A_280] : memref<2x128x128xf32, #tpu.memory_space<vmem>> -> memref<1x128x128xf32, #tpu.memory_space<vmem>>
          %dma_wait3A_282 = tpu.memref_squeeze %dma_wait3A_281 : memref<1x128x128xf32, #tpu.memory_space<vmem>> -> memref<128x128xf32, #tpu.memory_space<vmem>>
          %dma_wait3A_283 = arith.constant 0 : i32
          %dma_wait3A_284 = arith.constant 0 : i32
          %dma_wait3A_285 = tpu.memref_slice %run_scoped3A[%rem3A_195, %dma_wait3A_283, %dma_wait3A_284] : memref<2x1x128xi32, #tpu.memory_space<vmem>> -> memref<1x1x128xi32, #tpu.memory_space<vmem>>
          %dma_wait3A_286 = tpu.memref_squeeze %dma_wait3A_285 : memref<1x1x128xi32, #tpu.memory_space<vmem>> -> memref<1x128xi32, #tpu.memory_space<vmem>>
          %dma_wait3A_287 = arith.constant 0 : i32
          %dma_wait3A_288 = tpu.memref_slice %dma_wait3A_286[%run_scoped3A_198, %dma_wait3A_287] : memref<1x128xi32, #tpu.memory_space<vmem>> -> memref<1x128xi32, #tpu.memory_space<vmem>>
          %dma_wait3A_289 = tpu.memref_squeeze %dma_wait3A_288 : memref<1x128xi32, #tpu.memory_space<vmem>> -> memref<128xi32, #tpu.memory_space<vmem>>
          %dma_wait3A_290 = arith.constant 0 : i32
          %dma_wait3A_291 = arith.constant 0 : i32
          %dma_wait3A_292 = tpu.memref_slice %arg2[%dma_wait3A_290, %dma_wait3A_291] : memref<1024x128xf32, #tpu.memory_space<hbm>> -> memref<1024x128xf32, #tpu.memory_space<hbm>>
          tpu.wait_indirect_dma semaphore(%run_scoped3A_264 : memref<!tpu.dma_semaphore, #tpu.memory_space<semaphore_mem>>) src(%dma_wait3A_292 : memref<1024x128xf32, #tpu.memory_space<hbm>>) dst(%dma_wait3A_282 : memref<128x128xf32, #tpu.memory_space<vmem>>)
          tpu.yield
        }) : () -> ()
        "tpu.trace_stop"() : () -> ()
        %ne3A_199 = arith.cmpi ne, %add3A_131, %add3A_149 : i32
        %or3A_200 = arith.constant false
        %or3A_201 = arith.ori %or3A_200, %ne3A_199 : i1
        %or3A_202 = arith.ori %or3A_201, %eq3A_130 : i1
        %convert_element_type3A_203 = arith.extui %or3A_202 : i1 to i32
        %cond3A_204 = arith.constant 0 : i32
        %cond3A_205 = arith.cmpi ne, %convert_element_type3A_203, %cond3A_204 : i32
        scf.if %cond3A_205 {
        } else {
        }
        %and3A_206 = arith.constant false
        %and3A_207 = arith.andi %or3A_202, %and3A_206 : i1
        %ne3A_208 = arith.cmpi ne, %add3A_131, %add3A_149 : i32
        %or3A_209 = arith.constant false
        %or3A_210 = arith.ori %or3A_209, %ne3A_208 : i1
        %or3A_211 = arith.constant false
        %or3A_212 = arith.ori %or3A_210, %or3A_211 : i1
        %or3A_213 = arith.ori %or3A_212, %eq3A_130 : i1
        %convert_element_type3A_214 = arith.extui %or3A_213 : i1 to i32
        %cond3A_215 = arith.constant 0 : i32
        %cond3A_216 = arith.cmpi ne, %convert_element_type3A_214, %cond3A_215 : i32
        scf.if %cond3A_216 {
          "tpu.trace_start"() <{level = 10 : i32, message = "ep_copy_out"}> : () -> ()
          %rem3A_264 = arith.constant 2 : i32
          %rem3A_265 = arith.remui %scan3A_124, %rem3A_264 : i32
          %mul3A_266 = arith.constant 128 : i32
          %mul3A_267 = arith.muli %mul3A_266, %add3A_131 : i32
          %dma_start3A_268 = arith.constant 0 : i32
          %dma_start3A_269 = arith.constant 0 : i32
          %dma_start3A_270 = tpu.memref_slice %run_scoped3A_8[%rem3A_265, %dma_start3A_268, %dma_start3A_269] : memref<2x128x128xf32, #tpu.memory_space<vmem>> -> memref<1x128x128xf32, #tpu.memory_space<vmem>>
          %dma_start3A_271 = tpu.memref_squeeze %dma_start3A_270 : memref<1x128x128xf32, #tpu.memory_space<vmem>> -> memref<128x128xf32, #tpu.memory_space<vmem>>
          %dma_start3A_272 = arith.constant 0 : i32
          %dma_start3A_273 = tpu.memref_slice %arg4[%mul3A_267, %dma_start3A_272] : memref<8192x128xf32, #tpu.memory_space<hbm>> -> memref<128x128xf32, #tpu.memory_space<hbm>>
          %dma_start3A_274 = tpu.memref_slice %run_scoped3A_9[%rem3A_265] : memref<2x!tpu.dma_semaphore, #tpu.memory_space<semaphore_mem>> -> memref<1x!tpu.dma_semaphore, #tpu.memory_space<semaphore_mem>>
          %dma_start3A_275 = tpu.memref_squeeze %dma_start3A_274 : memref<1x!tpu.dma_semaphore, #tpu.memory_space<semaphore_mem>> -> memref<!tpu.dma_semaphore, #tpu.memory_space<semaphore_mem>>
          %dma_start3A_276 = arith.constant 0 : i32
          %dma_start3A_277 = tpu.memref_slice %arg4[%mul3A_267, %dma_start3A_276] : memref<8192x128xf32, #tpu.memory_space<hbm>> -> memref<128x128xf32, #tpu.memory_space<hbm>>
          %dma_start3A_278 = arith.constant 0 : i32
          %dma_start3A_279 = arith.constant 0 : i32
          %dma_start3A_280 = tpu.memref_slice %run_scoped3A_8[%rem3A_265, %dma_start3A_278, %dma_start3A_279] : memref<2x128x128xf32, #tpu.memory_space<vmem>> -> memref<1x128x128xf32, #tpu.memory_space<vmem>>
          %dma_start3A_281 = tpu.memref_squeeze %dma_start3A_280 : memref<1x128x128xf32, #tpu.memory_space<vmem>> -> memref<128x128xf32, #tpu.memory_space<vmem>>
          tpu.enqueue_dma source(%dma_start3A_281 : memref<128x128xf32, #tpu.memory_space<vmem>>) target(%dma_start3A_277 : memref<128x128xf32, #tpu.memory_space<hbm>>) target_semaphore(%dma_start3A_275 : memref<!tpu.dma_semaphore, #tpu.memory_space<semaphore_mem>>)
          "tpu.trace_stop"() : () -> ()
        } else {
        }
        %and3A_217 = arith.constant true
        %and3A_218 = arith.andi %or3A_213, %and3A_217 : i1
        %add3A_219 = arith.constant 1 : i32
        %add3A_220 = arith.addi %scan3A_124, %add3A_219 : i32
        %select_n3A_221 = arith.select %and3A_218, %add3A_220, %scan3A_124 : i32
        %ne3A_222 = arith.cmpi ne, %add3A_131, %add3A_140 : i32
        %or3A_223 = arith.constant false
        %or3A_224 = arith.ori %or3A_223, %ne3A_222 : i1
        %not3A_225 = arith.constant true
        %not3A_226 = arith.xori %eq3A_128, %not3A_225 : i1
        %and3A_227 = arith.andi %or3A_224, %not3A_226 : i1
        %convert_element_type3A_228 = arith.extui %and3A_227 : i1 to i32
        %cond3A_229 = arith.constant 0 : i32
        %cond3A_230 = arith.cmpi ne, %convert_element_type3A_228, %cond3A_229 : i32
        scf.if %cond3A_230 {
        } else {
        }
        %and3A_231 = arith.constant false
        %and3A_232 = arith.andi %and3A_227, %and3A_231 : i1
        %ne3A_233 = arith.cmpi ne, %add3A_131, %add3A_140 : i32
        %or3A_234 = arith.constant false
        %or3A_235 = arith.ori %or3A_234, %ne3A_233 : i1
        %or3A_236 = arith.constant false
        %or3A_237 = arith.ori %or3A_235, %or3A_236 : i1
        %not3A_238 = arith.constant true
        %not3A_239 = arith.xori %eq3A_128, %not3A_238 : i1
        %and3A_240 = arith.andi %or3A_237, %not3A_239 : i1
        %convert_element_type3A_241 = arith.extui %and3A_240 : i1 to i32
        %cond3A_242 = arith.constant 0 : i32
        %cond3A_243 = arith.cmpi ne, %convert_element_type3A_241, %cond3A_242 : i32
        scf.if %cond3A_243 {
          "tpu.trace_start"() <{level = 10 : i32, message = "ep_wait_out"}> : () -> ()
          %rem3A_264 = arith.constant 2 : i32
          %rem3A_265 = arith.remui %scan3A_125, %rem3A_264 : i32
          %mul3A_266 = arith.constant 128 : i32
          %mul3A_267 = arith.muli %mul3A_266, %add3A_140 : i32
          %dma_wait3A_268 = arith.constant 0 : i32
          %dma_wait3A_269 = arith.constant 0 : i32
          %dma_wait3A_270 = tpu.memref_slice %run_scoped3A_8[%rem3A_265, %dma_wait3A_268, %dma_wait3A_269] : memref<2x128x128xf32, #tpu.memory_space<vmem>> -> memref<1x128x128xf32, #tpu.memory_space<vmem>>
          %dma_wait3A_271 = tpu.memref_squeeze %dma_wait3A_270 : memref<1x128x128xf32, #tpu.memory_space<vmem>> -> memref<128x128xf32, #tpu.memory_space<vmem>>
          %dma_wait3A_272 = arith.constant 0 : i32
          %dma_wait3A_273 = tpu.memref_slice %arg4[%mul3A_267, %dma_wait3A_272] : memref<8192x128xf32, #tpu.memory_space<hbm>> -> memref<128x128xf32, #tpu.memory_space<hbm>>
          %dma_wait3A_274 = tpu.memref_slice %run_scoped3A_9[%rem3A_265] : memref<2x!tpu.dma_semaphore, #tpu.memory_space<semaphore_mem>> -> memref<1x!tpu.dma_semaphore, #tpu.memory_space<semaphore_mem>>
          %dma_wait3A_275 = tpu.memref_squeeze %dma_wait3A_274 : memref<1x!tpu.dma_semaphore, #tpu.memory_space<semaphore_mem>> -> memref<!tpu.dma_semaphore, #tpu.memory_space<semaphore_mem>>
          %dma_wait3A_276 = arith.constant 0 : i32
          %dma_wait3A_277 = tpu.memref_slice %arg4[%mul3A_267, %dma_wait3A_276] : memref<8192x128xf32, #tpu.memory_space<hbm>> -> memref<128x128xf32, #tpu.memory_space<hbm>>
          %dma_wait3A_278 = arith.constant 0 : i32
          %dma_wait3A_279 = arith.constant 0 : i32
          %dma_wait3A_280 = tpu.memref_slice %run_scoped3A_8[%rem3A_265, %dma_wait3A_278, %dma_wait3A_279] : memref<2x128x128xf32, #tpu.memory_space<vmem>> -> memref<1x128x128xf32, #tpu.memory_space<vmem>>
          %dma_wait3A_281 = tpu.memref_squeeze %dma_wait3A_280 : memref<1x128x128xf32, #tpu.memory_space<vmem>> -> memref<128x128xf32, #tpu.memory_space<vmem>>
          tpu.wait_dma2 semaphore(%dma_wait3A_275 : memref<!tpu.dma_semaphore, #tpu.memory_space<semaphore_mem>>) src(%dma_wait3A_281 : memref<128x128xf32, #tpu.memory_space<vmem>>) dst(%dma_wait3A_277 : memref<128x128xf32, #tpu.memory_space<hbm>>)
          "tpu.trace_stop"() : () -> ()
        } else {
        }
        %and3A_244 = arith.constant true
        %and3A_245 = arith.andi %and3A_240, %and3A_244 : i1
        %add3A_246 = arith.constant 1 : i32
        %add3A_247 = arith.addi %scan3A_125, %add3A_246 : i32
        %select_n3A_248 = arith.select %and3A_245, %add3A_247, %scan3A_125 : i32
        %ne3A_249 = arith.cmpi ne, %add3A_131, %add3A_149 : i32
        %or3A_250 = arith.constant false
        %or3A_251 = arith.ori %or3A_250, %ne3A_249 : i1
        %or3A_252 = arith.ori %or3A_251, %eq3A_130 : i1
        %add3A_253 = arith.constant 1 : i32
        %add3A_254 = arith.addi %scan3A_123, %add3A_253 : i32
        %select_n3A_255 = arith.select %or3A_252, %add3A_254, %scan3A_123 : i32
        %add3A_256 = arith.constant 1 : i32
        %add3A_257 = arith.addi %scan3A_126, %add3A_256 : i32
        %select_n3A_258 = arith.constant true
        %select_n3A_259 = arith.select %select_n3A_258, %add3A_257, %scan3A_126 : i32
        %eq3A_260 = arith.constant 2 : i32
        %eq3A_261 = arith.cmpi eq, %select_n3A_259, %eq3A_260 : i32
        %select_n3A_262 = arith.constant 0 : i32
        %select_n3A_263 = arith.select %eq3A_261, %select_n3A_262, %select_n3A_259 : i32
        scf.yield %select_n3A_167, %select_n3A_255, %select_n3A_221, %select_n3A_248, %select_n3A_263 : i32, i32, i32, i32, i32
      }
      %scan3A_68 = arith.constant 2 : i32
      %sub3A = arith.constant 1 : i32
      %sub3A_69 = arith.subi %scan3A_67#4, %sub3A : i32
      %select_n3A_70 = arith.constant true
      %select_n3A_71 = arith.select %select_n3A_70, %sub3A_69, %scan3A_67#4 : i32
      %eq3A_72 = arith.constant -1 : i32
      %eq3A_73 = arith.cmpi eq, %select_n3A_71, %eq3A_72 : i32
      %select_n3A_74 = arith.constant 1 : i32
      %select_n3A_75 = arith.select %eq3A_73, %select_n3A_74, %select_n3A_71 : i32
      %add3A_76 = arith.addi %select_n3A_75, %mul3A_6 : i32
      %sub3A_77 = arith.constant 1 : i32
      %sub3A_78 = arith.subi %select_n3A_75, %sub3A_77 : i32
      %select_n3A_79 = arith.constant true
      %select_n3A_80 = arith.select %select_n3A_79, %sub3A_78, %select_n3A_75 : i32
      %eq3A_81 = arith.constant -1 : i32
      %eq3A_82 = arith.cmpi eq, %select_n3A_80, %eq3A_81 : i32
      %select_n3A_83 = arith.constant 1 : i32
      %select_n3A_84 = arith.select %eq3A_82, %select_n3A_83, %select_n3A_80 : i32
      %add3A_85 = arith.addi %select_n3A_84, %mul3A_6 : i32
      %add3A_86 = arith.constant 1 : i32
      %add3A_87 = arith.addi %select_n3A_75, %add3A_86 : i32
      %select_n3A_88 = arith.constant true
      %select_n3A_89 = arith.select %select_n3A_88, %add3A_87, %select_n3A_75 : i32
      %eq3A_90 = arith.constant 2 : i32
      %eq3A_91 = arith.cmpi eq, %select_n3A_89, %eq3A_90 : i32
      %select_n3A_92 = arith.constant 0 : i32
      %select_n3A_93 = arith.select %eq3A_91, %select_n3A_92, %select_n3A_89 : i32
      %add3A_94 = arith.addi %select_n3A_93, %mul3A_6 : i32
      %add3A_95 = arith.constant 1 : i32
      %add3A_96 = arith.addi %select_n3A_93, %add3A_95 : i32
      %select_n3A_97 = arith.constant true
      %select_n3A_98 = arith.select %select_n3A_97, %add3A_96, %select_n3A_93 : i32
      %eq3A_99 = arith.constant 2 : i32
      %eq3A_100 = arith.cmpi eq, %select_n3A_98, %eq3A_99 : i32
      %select_n3A_101 = arith.constant 0 : i32
      %select_n3A_102 = arith.select %eq3A_100, %select_n3A_101, %select_n3A_98 : i32
      %add3A_103 = arith.addi %select_n3A_102, %mul3A_6 : i32
      "tpu.trace_start"() <{level = 10 : i32, message = "ep_finalize"}> : () -> ()
      %rem3A_104 = arith.constant 2 : i32
      %rem3A_105 = arith.remui %scan3A_67#3, %rem3A_104 : i32
      %mul3A_106 = arith.constant 128 : i32
      %mul3A_107 = arith.muli %mul3A_106, %add3A_76 : i32
      %dma_wait3A = arith.constant 0 : i32
      %dma_wait3A_108 = arith.constant 0 : i32
      %dma_wait3A_109 = tpu.memref_slice %run_scoped3A_8[%rem3A_105, %dma_wait3A, %dma_wait3A_108] : memref<2x128x128xf32, #tpu.memory_space<vmem>> -> memref<1x128x128xf32, #tpu.memory_space<vmem>>
      %dma_wait3A_110 = tpu.memref_squeeze %dma_wait3A_109 : memref<1x128x128xf32, #tpu.memory_space<vmem>> -> memref<128x128xf32, #tpu.memory_space<vmem>>
      %dma_wait3A_111 = arith.constant 0 : i32
      %dma_wait3A_112 = tpu.memref_slice %arg4[%mul3A_107, %dma_wait3A_111] : memref<8192x128xf32, #tpu.memory_space<hbm>> -> memref<128x128xf32, #tpu.memory_space<hbm>>
      %dma_wait3A_113 = tpu.memref_slice %run_scoped3A_9[%rem3A_105] : memref<2x!tpu.dma_semaphore, #tpu.memory_space<semaphore_mem>> -> memref<1x!tpu.dma_semaphore, #tpu.memory_space<semaphore_mem>>
      %dma_wait3A_114 = tpu.memref_squeeze %dma_wait3A_113 : memref<1x!tpu.dma_semaphore, #tpu.memory_space<semaphore_mem>> -> memref<!tpu.dma_semaphore, #tpu.memory_space<semaphore_mem>>
      %dma_wait3A_115 = arith.constant 0 : i32
      %dma_wait3A_116 = tpu.memref_slice %arg4[%mul3A_107, %dma_wait3A_115] : memref<8192x128xf32, #tpu.memory_space<hbm>> -> memref<128x128xf32, #tpu.memory_space<hbm>>
      %dma_wait3A_117 = arith.constant 0 : i32
      %dma_wait3A_118 = arith.constant 0 : i32
      %dma_wait3A_119 = tpu.memref_slice %run_scoped3A_8[%rem3A_105, %dma_wait3A_117, %dma_wait3A_118] : memref<2x128x128xf32, #tpu.memory_space<vmem>> -> memref<1x128x128xf32, #tpu.memory_space<vmem>>
      %dma_wait3A_120 = tpu.memref_squeeze %dma_wait3A_119 : memref<1x128x128xf32, #tpu.memory_space<vmem>> -> memref<128x128xf32, #tpu.memory_space<vmem>>
      tpu.wait_dma2 semaphore(%dma_wait3A_114 : memref<!tpu.dma_semaphore, #tpu.memory_space<semaphore_mem>>) src(%dma_wait3A_120 : memref<128x128xf32, #tpu.memory_space<vmem>>) dst(%dma_wait3A_116 : memref<128x128xf32, #tpu.memory_space<hbm>>)
      "tpu.trace_stop"() : () -> ()
      tpu.yield
    }) : () -> ()
    return
  }
}

#map = affine_map<(d0, d1) -> (0, 0)>
module attributes {stable_mosaic.version = 14 : i64} {
  func.func @k(%arg0: i32, %arg1: i32, %arg2: memref<1024x128xf32, #tpu.memory_space<hbm>>, %arg3: memref<1x8192xi32, #tpu.memory_space<hbm>>, %arg4: memref<8192x128xf32, #tpu.memory_space<hbm>>) attributes {dimension_semantics = [#tpu.dimension_semantics<core_parallel>, #tpu.dimension_semantics<subcore_parallel>], iteration_bounds = array<i64: 2, 16>, scalar_prefetch = 0 : i64, scratch_operands = 0 : i64, tpu.core_type = #tpu.core_type<sc_vector_subcore>, window_params = [{transform_indices = #map}, {transform_indices = #map}, {transform_indices = #map}]} {
    %mul3A = arith.constant 1 : i32
    %mul3A_0 = arith.muli %arg1, %mul3A : i32
    %add3A = arith.constant 0 : i32
    %add3A_1 = arith.addi %add3A, %mul3A_0 : i32
    %mul3A_2 = arith.constant 16 : i32
    %mul3A_3 = arith.muli %arg0, %mul3A_2 : i32
    %add3A_4 = arith.addi %add3A_1, %mul3A_3 : i32
    %mul3A_5 = arith.constant 2 : i32
    %mul3A_6 = arith.muli %add3A_4, %mul3A_5 : i32
    "tpu.region"() ({
      %run_scoped3A = memref.alloca() : memref<2x1x128xi32, #tpu.memory_space<vmem>>
      %run_scoped3A_7 = tpu.sem_alloc : memref<2x!tpu.dma_semaphore, #tpu.memory_space<semaphore_mem>>
      %run_scoped3A_8 = memref.alloca() : memref<2x128x128xf32, #tpu.memory_space<vmem>>
      %run_scoped3A_9 = tpu.sem_alloc : memref<2x!tpu.dma_semaphore, #tpu.memory_space<semaphore_mem>>
      %add3A_10 = arith.constant 0 : i32
      %add3A_11 = arith.addi %add3A_10, %mul3A_6 : i32
      %select_n3A = arith.constant true
      %select_n3A_12 = arith.constant 0 : i32
      %select_n3A_13 = arith.constant -1 : i32
      %select_n3A_14 = arith.select %select_n3A, %select_n3A_13, %select_n3A_12 : i32
      %eq3A = arith.constant -1 : i32
      %eq3A_15 = arith.cmpi eq, %select_n3A_14, %eq3A : i32
      %select_n3A_16 = arith.constant 1 : i32
      %select_n3A_17 = arith.select %eq3A_15, %select_n3A_16, %select_n3A_14 : i32
      %add3A_18 = arith.addi %select_n3A_17, %mul3A_6 : i32
      %select_n3A_19 = arith.constant true
      %select_n3A_20 = arith.constant 0 : i32
      %select_n3A_21 = arith.constant 1 : i32
      %select_n3A_22 = arith.select %select_n3A_19, %select_n3A_21, %select_n3A_20 : i32
      %eq3A_23 = arith.constant 2 : i32
      %eq3A_24 = arith.cmpi eq, %select_n3A_22, %eq3A_23 : i32
      %select_n3A_25 = arith.constant 0 : i32
      %select_n3A_26 = arith.select %eq3A_24, %select_n3A_25, %select_n3A_22 : i32
      %add3A_27 = arith.addi %select_n3A_26, %mul3A_6 : i32
      %add3A_28 = arith.constant 1 : i32
      %add3A_29 = arith.addi %select_n3A_26, %add3A_28 : i32
      %select_n3A_30 = arith.constant true
      %select_n3A_31 = arith.select %select_n3A_30, %add3A_29, %select_n3A_26 : i32
      %eq3A_32 = arith.constant 2 : i32
      %eq3A_33 = arith.cmpi eq, %select_n3A_31, %eq3A_32 : i32
      %select_n3A_34 = arith.constant 0 : i32
      %select_n3A_35 = arith.select %eq3A_33, %select_n3A_34, %select_n3A_31 : i32
      %add3A_36 = arith.addi %select_n3A_35, %mul3A_6 : i32
      "tpu.trace_start"() <{level = 10 : i32, message = "ep_initialize_0"}> : () -> ()
      %rem3A = arith.constant 0 : i32
      %rem3A_37 = arith.constant 2 : i32
      %rem3A_38 = arith.remui %rem3A, %rem3A_37 : i32
      %mul3A_39 = arith.constant 128 : i32
      %mul3A_40 = arith.muli %mul3A_39, %add3A_11 : i32
      %dma_start3A = arith.constant 0 : i32
      %dma_start3A_41 = arith.constant 0 : i32
      %dma_start3A_42 = tpu.memref_slice %run_scoped3A[%rem3A_38, %dma_start3A, %dma_start3A_41] : memref<2x1x128xi32, #tpu.memory_space<vmem>> -> memref<1x1x128xi32, #tpu.memory_space<vmem>>
      %dma_start3A_43 = tpu.memref_squeeze %dma_start3A_42 : memref<1x1x128xi32, #tpu.memory_space<vmem>> -> memref<1x128xi32, #tpu.memory_space<vmem>>
      %dma_start3A_44 = arith.constant 0 : i32
      %dma_start3A_45 = tpu.memref_slice %arg3[%dma_start3A_44, %mul3A_40] : memref<1x8192xi32, #tpu.memory_space<hbm>> -> memref<1x128xi32, #tpu.memory_space<hbm>>
      %dma_start3A_46 = tpu.memref_slice %run_scoped3A_7[%rem3A_38] : memref<2x!tpu.dma_semaphore, #tpu.memory_space<semaphore_mem>> -> memref<1x!tpu.dma_semaphore, #tpu.memory_space<semaphore_mem>>
      %dma_start3A_47 = tpu.memref_squeeze %dma_start3A_46 : memref<1x!tpu.dma_semaphore, #tpu.memory_space<semaphore_mem>> -> memref<!tpu.dma_semaphore, #tpu.memory_space<semaphore_mem>>
      %dma_start3A_48 = arith.constant 0 : i32
      %dma_start3A_49 = arith.constant 0 : i32
      %dma_start3A_50 = tpu.memref_slice %run_scoped3A[%rem3A_38, %dma_start3A_48, %dma_start3A_49] : memref<2x1x128xi32, #tpu.memory_space<vmem>> -> memref<1x1x128xi32, #tpu.memory_space<vmem>>
      %dma_start3A_51 = tpu.memref_squeeze %dma_start3A_50 : memref<1x1x128xi32, #tpu.memory_space<vmem>> -> memref<1x128xi32, #tpu.memory_space<vmem>>
      %dma_start3A_52 = arith.constant 0 : i32
      %dma_start3A_53 = tpu.memref_slice %arg3[%dma_start3A_52, %mul3A_40] : memref<1x8192xi32, #tpu.memory_space<hbm>> -> memref<1x128xi32, #tpu.memory_space<hbm>>
      tpu.enqueue_dma source(%dma_start3A_53 : memref<1x128xi32, #tpu.memory_space<hbm>>) target(%dma_start3A_51 : memref<1x128xi32, #tpu.memory_space<vmem>>) target_semaphore(%dma_start3A_47 : memref<!tpu.dma_semaphore, #tpu.memory_space<semaphore_mem>>)
      %add3A_54 = arith.constant 0 : i32
      %add3A_55 = arith.constant 1 : i32
      %add3A_56 = arith.addi %add3A_54, %add3A_55 : i32
      %select_n3A_57 = arith.constant true
      %select_n3A_58 = arith.constant 0 : i32
      %select_n3A_59 = arith.select %select_n3A_57, %add3A_56, %select_n3A_58 : i32
      "tpu.trace_stop"() : () -> ()
      %scan3A = arith.constant 0 : i32
      %scan3A_60 = arith.constant 0 : i32
      %scan3A_61 = arith.constant 0 : i32
      %scan3A_62 = arith.constant 0 : i32
      %scan3A_63 = arith.constant 0 : i32
      %scan3A_64 = arith.constant 2 : i32
      %scan3A_65 = arith.addi %scan3A_63, %scan3A_64 : i32
      %scan3A_66 = arith.constant 1 : i32
      %scan3A_67:5 = scf.for %scan3A_121 = %scan3A_63 to %scan3A_65 step %scan3A_66 iter_args(%scan3A_122 = %select_n3A_59, %scan3A_123 = %scan3A, %scan3A_124 = %scan3A_60, %scan3A_125 = %scan3A_61, %scan3A_126 = %scan3A_62) -> (i32, i32, i32, i32, i32)  : i32 {
        %eq3A_127 = arith.constant 0 : i32
        %eq3A_128 = arith.cmpi eq, %scan3A_121, %eq3A_127 : i32
        %eq3A_129 = arith.constant 1 : i32
        %eq3A_130 = arith.cmpi eq, %scan3A_121, %eq3A_129 : i32
        %add3A_131 = arith.addi %scan3A_126, %mul3A_6 : i32
        %sub3A_132 = arith.constant 1 : i32
        %sub3A_133 = arith.subi %scan3A_126, %sub3A_132 : i32
        %select_n3A_134 = arith.constant true
        %select_n3A_135 = arith.select %select_n3A_134, %sub3A_133, %scan3A_126 : i32
        %eq3A_136 = arith.constant -1 : i32
        %eq3A_137 = arith.cmpi eq, %select_n3A_135, %eq3A_136 : i32
        %select_n3A_138 = arith.constant 1 : i32
        %select_n3A_139 = arith.select %eq3A_137, %select_n3A_138, %select_n3A_135 : i32
        %add3A_140 = arith.addi %select_n3A_139, %mul3A_6 : i32
        %add3A_141 = arith.constant 1 : i32
        %add3A_142 = arith.addi %scan3A_126, %add3A_141 : i32
        %select_n3A_143 = arith.constant true
        %select_n3A_144 = arith.select %select_n3A_143, %add3A_142, %scan3A_126 : i32
        %eq3A_145 = arith.constant 2 : i32
        %eq3A_146 = arith.cmpi eq, %select_n3A_144, %eq3A_145 : i32
        %select_n3A_147 = arith.constant 0 : i32
        %select_n3A_148 = arith.select %eq3A_146, %select_n3A_147, %select_n3A_144 : i32
        %add3A_149 = arith.addi %select_n3A_148, %mul3A_6 : i32
        %add3A_150 = arith.constant 1 : i32
        %add3A_151 = arith.addi %select_n3A_148, %add3A_150 : i32
        %select_n3A_152 = arith.constant true
        %select_n3A_153 = arith.select %select_n3A_152, %add3A_151, %select_n3A_148 : i32
        %eq3A_154 = arith.constant 2 : i32
        %eq3A_155 = arith.cmpi eq, %select_n3A_153, %eq3A_154 : i32
        %select_n3A_156 = arith.constant 0 : i32
        %select_n3A_157 = arith.select %eq3A_155, %select_n3A_156, %select_n3A_153 : i32
        %add3A_158 = arith.addi %select_n3A_157, %mul3A_6 : i32
        %ne3A = arith.cmpi ne, %add3A_131, %add3A_149 : i32
        %or3A = arith.constant false
        %or3A_159 = arith.ori %or3A, %ne3A : i1
        %ge3A = arith.constant 1 : i32
        %ge3A_160 = arith.cmpi sge, %scan3A_121, %ge3A : i32
        %not3A = arith.constant true
        %not3A_161 = arith.xori %ge3A_160, %not3A : i1
        %and3A = arith.andi %or3A_159, %not3A_161 : i1
        %convert_element_type3A = arith.extui %and3A : i1 to i32
        %cond3A = arith.constant 0 : i32
        %cond3A_162 = arith.cmpi ne, %convert_element_type3A, %cond3A : i32
        scf.if %cond3A_162 {
          "tpu.trace_start"() <{level = 10 : i32, message = "ep_copy_in"}> : () -> ()
          %rem3A_264 = arith.constant 2 : i32
          %rem3A_265 = arith.remui %scan3A_122, %rem3A_264 : i32
          %mul3A_266 = arith.constant 128 : i32
          %mul3A_267 = arith.muli %mul3A_266, %add3A_149 : i32
          %dma_start3A_268 = arith.constant 0 : i32
          %dma_start3A_269 = arith.constant 0 : i32
          %dma_start3A_270 = tpu.memref_slice %run_scoped3A[%rem3A_265, %dma_start3A_268, %dma_start3A_269] : memref<2x1x128xi32, #tpu.memory_space<vmem>> -> memref<1x1x128xi32, #tpu.memory_space<vmem>>
          %dma_start3A_271 = tpu.memref_squeeze %dma_start3A_270 : memref<1x1x128xi32, #tpu.memory_space<vmem>> -> memref<1x128xi32, #tpu.memory_space<vmem>>
          %dma_start3A_272 = arith.constant 0 : i32
          %dma_start3A_273 = tpu.memref_slice %arg3[%dma_start3A_272, %mul3A_267] : memref<1x8192xi32, #tpu.memory_space<hbm>> -> memref<1x128xi32, #tpu.memory_space<hbm>>
          %dma_start3A_274 = tpu.memref_slice %run_scoped3A_7[%rem3A_265] : memref<2x!tpu.dma_semaphore, #tpu.memory_space<semaphore_mem>> -> memref<1x!tpu.dma_semaphore, #tpu.memory_space<semaphore_mem>>
          %dma_start3A_275 = tpu.memref_squeeze %dma_start3A_274 : memref<1x!tpu.dma_semaphore, #tpu.memory_space<semaphore_mem>> -> memref<!tpu.dma_semaphore, #tpu.memory_space<semaphore_mem>>
          %dma_start3A_276 = arith.constant 0 : i32
          %dma_start3A_277 = arith.constant 0 : i32
          %dma_start3A_278 = tpu.memref_slice %run_scoped3A[%rem3A_265, %dma_start3A_276, %dma_start3A_277] : memref<2x1x128xi32, #tpu.memory_space<vmem>> -> memref<1x1x128xi32, #tpu.memory_space<vmem>>
          %dma_start3A_279 = tpu.memref_squeeze %dma_start3A_278 : memref<1x1x128xi32, #tpu.memory_space<vmem>> -> memref<1x128xi32, #tpu.memory_space<vmem>>
          %dma_start3A_280 = arith.constant 0 : i32
          %dma_start3A_281 = tpu.memref_slice %arg3[%dma_start3A_280, %mul3A_267] : memref<1x8192xi32, #tpu.memory_space<hbm>> -> memref<1x128xi32, #tpu.memory_space<hbm>>
          tpu.enqueue_dma source(%dma_start3A_281 : memref<1x128xi32, #tpu.memory_space<hbm>>) target(%dma_start3A_279 : memref<1x128xi32, #tpu.memory_space<vmem>>) target_semaphore(%dma_start3A_275 : memref<!tpu.dma_semaphore, #tpu.memory_space<semaphore_mem>>)
          "tpu.trace_stop"() : () -> ()
        } else {
        }
        %and3A_163 = arith.constant true
        %and3A_164 = arith.andi %and3A, %and3A_163 : i1
        %add3A_165 = arith.constant 1 : i32
        %add3A_166 = arith.addi %scan3A_122, %add3A_165 : i32
        %select_n3A_167 = arith.select %and3A_164, %add3A_166, %scan3A_122 : i32
        %ne3A_168 = arith.cmpi ne, %add3A_131, %add3A_149 : i32
        %or3A_169 = arith.constant false
        %or3A_170 = arith.ori %or3A_169, %ne3A_168 : i1
        %or3A_171 = arith.constant false
        %or3A_172 = arith.ori %or3A_170, %or3A_171 : i1
        %ge3A_173 = arith.constant 1 : i32
        %ge3A_174 = arith.cmpi sge, %scan3A_121, %ge3A_173 : i32
        %not3A_175 = arith.constant true
        %not3A_176 = arith.xori %ge3A_174, %not3A_175 : i1
        %and3A_177 = arith.andi %or3A_172, %not3A_176 : i1
        %ne3A_178 = arith.cmpi ne, %add3A_131, %add3A_140 : i32
        %or3A_179 = arith.constant false
        %or3A_180 = arith.ori %or3A_179, %ne3A_178 : i1
        %or3A_181 = arith.ori %or3A_180, %eq3A_128 : i1
        %convert_element_type3A_182 = arith.extui %or3A_181 : i1 to i32
        %cond3A_183 = arith.constant 0 : i32
        %cond3A_184 = arith.cmpi ne, %convert_element_type3A_182, %cond3A_183 : i32
        scf.if %cond3A_184 {
          "tpu.trace_start"() <{level = 10 : i32, message = "ep_wait_in"}> : () -> ()
          %mul3A_264 = arith.constant 128 : i32
          %mul3A_265 = arith.muli %mul3A_264, %add3A_131 : i32
          %rem3A_266 = arith.constant 2 : i32
          %rem3A_267 = arith.remui %scan3A_123, %rem3A_266 : i32
          %dma_wait3A_268 = arith.constant 0 : i32
          %dma_wait3A_269 = arith.constant 0 : i32
          %dma_wait3A_270 = tpu.memref_slice %run_scoped3A[%rem3A_267, %dma_wait3A_268, %dma_wait3A_269] : memref<2x1x128xi32, #tpu.memory_space<vmem>> -> memref<1x1x128xi32, #tpu.memory_space<vmem>>
          %dma_wait3A_271 = tpu.memref_squeeze %dma_wait3A_270 : memref<1x1x128xi32, #tpu.memory_space<vmem>> -> memref<1x128xi32, #tpu.memory_space<vmem>>
          %dma_wait3A_272 = arith.constant 0 : i32
          %dma_wait3A_273 = tpu.memref_slice %arg3[%dma_wait3A_272, %mul3A_265] : memref<1x8192xi32, #tpu.memory_space<hbm>> -> memref<1x128xi32, #tpu.memory_space<hbm>>
          %dma_wait3A_274 = tpu.memref_slice %run_scoped3A_7[%rem3A_267] : memref<2x!tpu.dma_semaphore, #tpu.memory_space<semaphore_mem>> -> memref<1x!tpu.dma_semaphore, #tpu.memory_space<semaphore_mem>>
          %dma_wait3A_275 = tpu.memref_squeeze %dma_wait3A_274 : memref<1x!tpu.dma_semaphore, #tpu.memory_space<semaphore_mem>> -> memref<!tpu.dma_semaphore, #tpu.memory_space<semaphore_mem>>
          %dma_wait3A_276 = arith.constant 0 : i32
          %dma_wait3A_277 = arith.constant 0 : i32
          %dma_wait3A_278 = tpu.memref_slice %run_scoped3A[%rem3A_267, %dma_wait3A_276, %dma_wait3A_277] : memref<2x1x128xi32, #tpu.memory_space<vmem>> -> memref<1x1x128xi32, #tpu.memory_space<vmem>>
          %dma_wait3A_279 = tpu.memref_squeeze %dma_wait3A_278 : memref<1x1x128xi32, #tpu.memory_space<vmem>> -> memref<1x128xi32, #tpu.memory_space<vmem>>
          %dma_wait3A_280 = arith.constant 0 : i32
          %dma_wait3A_281 = tpu.memref_slice %arg3[%dma_wait3A_280, %mul3A_265] : memref<1x8192xi32, #tpu.memory_space<hbm>> -> memref<1x128xi32, #tpu.memory_space<hbm>>
          tpu.wait_dma2 semaphore(%dma_wait3A_275 : memref<!tpu.dma_semaphore, #tpu.memory_space<semaphore_mem>>) src(%dma_wait3A_281 : memref<1x128xi32, #tpu.memory_space<hbm>>) dst(%dma_wait3A_279 : memref<1x128xi32, #tpu.memory_space<vmem>>)
          "tpu.trace_stop"() : () -> ()
        } else {
        }
        %ne3A_185 = arith.cmpi ne, %add3A_131, %add3A_140 : i32
        %or3A_186 = arith.constant false
        %or3A_187 = arith.ori %or3A_186, %ne3A_185 : i1
        %or3A_188 = arith.constant false
        %or3A_189 = arith.ori %or3A_187, %or3A_188 : i1
        %or3A_190 = arith.ori %or3A_189, %eq3A_128 : i1
        %convert_element_type3A_191 = arith.extui %or3A_190 : i1 to i32
        %cond3A_192 = arith.constant 0 : i32
        %cond3A_193 = arith.cmpi ne, %convert_element_type3A_191, %cond3A_192 : i32
        scf.if %cond3A_193 {
        } else {
        }
        %rem3A_194 = arith.constant 2 : i32
        %rem3A_195 = arith.remui %scan3A_123, %rem3A_194 : i32
        %rem3A_196 = arith.constant 2 : i32
        %rem3A_197 = arith.remui %scan3A_124, %rem3A_196 : i32
        %run_scoped3A_198 = arith.constant 0 : i32
        "tpu.trace_start"() <{level = 10 : i32, message = "ep_run_kernel"}> : () -> ()
        "tpu.region"() ({
          %run_scoped3A_264 = tpu.sem_alloc : memref<!tpu.dma_semaphore, #tpu.memory_space<semaphore_mem>>
          %dma_start3A_265 = arith.constant 0 : i32
          %dma_start3A_266 = arith.constant 0 : i32
          %dma_start3A_267 = tpu.memref_slice %run_scoped3A_8[%rem3A_197, %dma_start3A_265, %dma_start3A_266] : memref<2x128x128xf32, #tpu.memory_space<vmem>> -> memref<1x128x128xf32, #tpu.memory_space<vmem>>
          %dma_start3A_268 = tpu.memref_squeeze %dma_start3A_267 : memref<1x128x128xf32, #tpu.memory_space<vmem>> -> memref<128x128xf32, #tpu.memory_space<vmem>>
          %dma_start3A_269 = arith.constant 0 : i32
          %dma_start3A_270 = arith.constant 0 : i32
          %dma_start3A_271 = tpu.memref_slice %run_scoped3A[%rem3A_195, %dma_start3A_269, %dma_start3A_270] : memref<2x1x128xi32, #tpu.memory_space<vmem>> -> memref<1x1x128xi32, #tpu.memory_space<vmem>>
          %dma_start3A_272 = tpu.memref_squeeze %dma_start3A_271 : memref<1x1x128xi32, #tpu.memory_space<vmem>> -> memref<1x128xi32, #tpu.memory_space<vmem>>
          %dma_start3A_273 = arith.constant 0 : i32
          %dma_start3A_274 = tpu.memref_slice %dma_start3A_272[%run_scoped3A_198, %dma_start3A_273] : memref<1x128xi32, #tpu.memory_space<vmem>> -> memref<1x128xi32, #tpu.memory_space<vmem>>
          %dma_start3A_275 = tpu.memref_squeeze %dma_start3A_274 : memref<1x128xi32, #tpu.memory_space<vmem>> -> memref<128xi32, #tpu.memory_space<vmem>>
          %dma_start3A_276 = arith.constant 0 : i32
          %dma_start3A_277 = arith.constant 0 : i32
          %dma_start3A_278 = tpu.memref_slice %arg2[%dma_start3A_276, %dma_start3A_277] : memref<1024x128xf32, #tpu.memory_space<hbm>> -> memref<1024x128xf32, #tpu.memory_space<hbm>>
          tpu.enqueue_indirect_dma source(%dma_start3A_278 : memref<1024x128xf32, #tpu.memory_space<hbm>>) target(%dma_start3A_268 : memref<128x128xf32, #tpu.memory_space<vmem>>) offsets(%dma_start3A_275 : memref<128xi32, #tpu.memory_space<vmem>>) semaphore(%run_scoped3A_264 : memref<!tpu.dma_semaphore, #tpu.memory_space<semaphore_mem>>)
          %dma_wait3A_279 = arith.constant 0 : i32
          %dma_wait3A_280 = arith.constant 0 : i32
          %dma_wait3A_281 = tpu.memref_slice %run_scoped3A_8[%rem3A_197, %dma_wait3A_279, %dma_wait3A_280] : memref<2x128x128xf32, #tpu.memory_space<vmem>> -> memref<1x128x128xf32, #tpu.memory_space<vmem>>
          %dma_wait3A_282 = tpu.memref_squeeze %dma_wait3A_281 : memref<1x128x128xf32, #tpu.memory_space<vmem>> -> memref<128x128xf32, #tpu.memory_space<vmem>>
          %dma_wait3A_283 = arith.constant 0 : i32
          %dma_wait3A_284 = arith.constant 0 : i32
          %dma_wait3A_285 = tpu.memref_slice %run_scoped3A[%rem3A_195, %dma_wait3A_283, %dma_wait3A_284] : memref<2x1x128xi32, #tpu.memory_space<vmem>> -> memref<1x1x128xi32, #tpu.memory_space<vmem>>
          %dma_wait3A_286 = tpu.memref_squeeze %dma_wait3A_285 : memref<1x1x128xi32, #tpu.memory_space<vmem>> -> memref<1x128xi32, #tpu.memory_space<vmem>>
          %dma_wait3A_287 = arith.constant 0 : i32
          %dma_wait3A_288 = tpu.memref_slice %dma_wait3A_286[%run_scoped3A_198, %dma_wait3A_287] : memref<1x128xi32, #tpu.memory_space<vmem>> -> memref<1x128xi32, #tpu.memory_space<vmem>>
          %dma_wait3A_289 = tpu.memref_squeeze %dma_wait3A_288 : memref<1x128xi32, #tpu.memory_space<vmem>> -> memref<128xi32, #tpu.memory_space<vmem>>
          %dma_wait3A_290 = arith.constant 0 : i32
          %dma_wait3A_291 = arith.constant 0 : i32
          %dma_wait3A_292 = tpu.memref_slice %arg2[%dma_wait3A_290, %dma_wait3A_291] : memref<1024x128xf32, #tpu.memory_space<hbm>> -> memref<1024x128xf32, #tpu.memory_space<hbm>>
          tpu.wait_indirect_dma semaphore(%run_scoped3A_264 : memref<!tpu.dma_semaphore, #tpu.memory_space<semaphore_mem>>) src(%dma_wait3A_292 : memref<1024x128xf32, #tpu.memory_space<hbm>>) dst(%dma_wait3A_282 : memref<128x128xf32, #tpu.memory_space<vmem>>)
          tpu.yield
        }) : () -> ()
        "tpu.trace_stop"() : () -> ()
        %ne3A_199 = arith.cmpi ne, %add3A_131, %add3A_149 : i32
        %or3A_200 = arith.constant false
        %or3A_201 = arith.ori %or3A_200, %ne3A_199 : i1
        %or3A_202 = arith.ori %or3A_201, %eq3A_130 : i1
        %convert_element_type3A_203 = arith.extui %or3A_202 : i1 to i32
        %cond3A_204 = arith.constant 0 : i32
        %cond3A_205 = arith.cmpi ne, %convert_element_type3A_203, %cond3A_204 : i32
        scf.if %cond3A_205 {
        } else {
        }
        %and3A_206 = arith.constant false
        %and3A_207 = arith.andi %or3A_202, %and3A_206 : i1
        %ne3A_208 = arith.cmpi ne, %add3A_131, %add3A_149 : i32
        %or3A_209 = arith.constant false
        %or3A_210 = arith.ori %or3A_209, %ne3A_208 : i1
        %or3A_211 = arith.constant false
        %or3A_212 = arith.ori %or3A_210, %or3A_211 : i1
        %or3A_213 = arith.ori %or3A_212, %eq3A_130 : i1
        %convert_element_type3A_214 = arith.extui %or3A_213 : i1 to i32
        %cond3A_215 = arith.constant 0 : i32
        %cond3A_216 = arith.cmpi ne, %convert_element_type3A_214, %cond3A_215 : i32
        scf.if %cond3A_216 {
          "tpu.trace_start"() <{level = 10 : i32, message = "ep_copy_out"}> : () -> ()
          %rem3A_264 = arith.constant 2 : i32
          %rem3A_265 = arith.remui %scan3A_124, %rem3A_264 : i32
          %mul3A_266 = arith.constant 128 : i32
          %mul3A_267 = arith.muli %mul3A_266, %add3A_131 : i32
          %dma_start3A_268 = arith.constant 0 : i32
          %dma_start3A_269 = arith.constant 0 : i32
          %dma_start3A_270 = tpu.memref_slice %run_scoped3A_8[%rem3A_265, %dma_start3A_268, %dma_start3A_269] : memref<2x128x128xf32, #tpu.memory_space<vmem>> -> memref<1x128x128xf32, #tpu.memory_space<vmem>>
          %dma_start3A_271 = tpu.memref_squeeze %dma_start3A_270 : memref<1x128x128xf32, #tpu.memory_space<vmem>> -> memref<128x128xf32, #tpu.memory_space<vmem>>
          %dma_start3A_272 = arith.constant 0 : i32
          %dma_start3A_273 = tpu.memref_slice %arg4[%mul3A_267, %dma_start3A_272] : memref<8192x128xf32, #tpu.memory_space<hbm>> -> memref<128x128xf32, #tpu.memory_space<hbm>>
          %dma_start3A_274 = tpu.memref_slice %run_scoped3A_9[%rem3A_265] : memref<2x!tpu.dma_semaphore, #tpu.memory_space<semaphore_mem>> -> memref<1x!tpu.dma_semaphore, #tpu.memory_space<semaphore_mem>>
          %dma_start3A_275 = tpu.memref_squeeze %dma_start3A_274 : memref<1x!tpu.dma_semaphore, #tpu.memory_space<semaphore_mem>> -> memref<!tpu.dma_semaphore, #tpu.memory_space<semaphore_mem>>
          %dma_start3A_276 = arith.constant 0 : i32
          %dma_start3A_277 = tpu.memref_slice %arg4[%mul3A_267, %dma_start3A_276] : memref<8192x128xf32, #tpu.memory_space<hbm>> -> memref<128x128xf32, #tpu.memory_space<hbm>>
          %dma_start3A_278 = arith.constant 0 : i32
          %dma_start3A_279 = arith.constant 0 : i32
          %dma_start3A_280 = tpu.memref_slice %run_scoped3A_8[%rem3A_265, %dma_start3A_278, %dma_start3A_279] : memref<2x128x128xf32, #tpu.memory_space<vmem>> -> memref<1x128x128xf32, #tpu.memory_space<vmem>>
          %dma_start3A_281 = tpu.memref_squeeze %dma_start3A_280 : memref<1x128x128xf32, #tpu.memory_space<vmem>> -> memref<128x128xf32, #tpu.memory_space<vmem>>
          tpu.enqueue_dma source(%dma_start3A_281 : memref<128x128xf32, #tpu.memory_space<vmem>>) target(%dma_start3A_277 : memref<128x128xf32, #tpu.memory_space<hbm>>) target_semaphore(%dma_start3A_275 : memref<!tpu.dma_semaphore, #tpu.memory_space<semaphore_mem>>)
          "tpu.trace_stop"() : () -> ()
        } else {
        }
        %and3A_217 = arith.constant true
        %and3A_218 = arith.andi %or3A_213, %and3A_217 : i1
        %add3A_219 = arith.constant 1 : i32
        %add3A_220 = arith.addi %scan3A_124, %add3A_219 : i32
        %select_n3A_221 = arith.select %and3A_218, %add3A_220, %scan3A_124 : i32
        %ne3A_222 = arith.cmpi ne, %add3A_131, %add3A_140 : i32
        %or3A_223 = arith.constant false
        %or3A_224 = arith.ori %or3A_223, %ne3A_222 : i1
        %not3A_225 = arith.constant true
        %not3A_226 = arith.xori %eq3A_128, %not3A_225 : i1
        %and3A_227 = arith.andi %or3A_224, %not3A_226 : i1
        %convert_element_type3A_228 = arith.extui %and3A_227 : i1 to i32
        %cond3A_229 = arith.constant 0 : i32
        %cond3A_230 = arith.cmpi ne, %convert_element_type3A_228, %cond3A_229 : i32
        scf.if %cond3A_230 {
        } else {
        }
        %and3A_231 = arith.constant false
        %and3A_232 = arith.andi %and3A_227, %and3A_231 : i1
        %ne3A_233 = arith.cmpi ne, %add3A_131, %add3A_140 : i32
        %or3A_234 = arith.constant false
        %or3A_235 = arith.ori %or3A_234, %ne3A_233 : i1
        %or3A_236 = arith.constant false
        %or3A_237 = arith.ori %or3A_235, %or3A_236 : i1
        %not3A_238 = arith.constant true
        %not3A_239 = arith.xori %eq3A_128, %not3A_238 : i1
        %and3A_240 = arith.andi %or3A_237, %not3A_239 : i1
        %convert_element_type3A_241 = arith.extui %and3A_240 : i1 to i32
        %cond3A_242 = arith.constant 0 : i32
        %cond3A_243 = arith.cmpi ne, %convert_element_type3A_241, %cond3A_242 : i32
        scf.if %cond3A_243 {
          "tpu.trace_start"() <{level = 10 : i32, message = "ep_wait_out"}> : () -> ()
          %rem3A_264 = arith.constant 2 : i32
          %rem3A_265 = arith.remui %scan3A_125, %rem3A_264 : i32
          %mul3A_266 = arith.constant 128 : i32
          %mul3A_267 = arith.muli %mul3A_266, %add3A_140 : i32
          %dma_wait3A_268 = arith.constant 0 : i32
          %dma_wait3A_269 = arith.constant 0 : i32
          %dma_wait3A_270 = tpu.memref_slice %run_scoped3A_8[%rem3A_265, %dma_wait3A_268, %dma_wait3A_269] : memref<2x128x128xf32, #tpu.memory_space<vmem>> -> memref<1x128x128xf32, #tpu.memory_space<vmem>>
          %dma_wait3A_271 = tpu.memref_squeeze %dma_wait3A_270 : memref<1x128x128xf32, #tpu.memory_space<vmem>> -> memref<128x128xf32, #tpu.memory_space<vmem>>
          %dma_wait3A_272 = arith.constant 0 : i32
          %dma_wait3A_273 = tpu.memref_slice %arg4[%mul3A_267, %dma_wait3A_272] : memref<8192x128xf32, #tpu.memory_space<hbm>> -> memref<128x128xf32, #tpu.memory_space<hbm>>
          %dma_wait3A_274 = tpu.memref_slice %run_scoped3A_9[%rem3A_265] : memref<2x!tpu.dma_semaphore, #tpu.memory_space<semaphore_mem>> -> memref<1x!tpu.dma_semaphore, #tpu.memory_space<semaphore_mem>>
          %dma_wait3A_275 = tpu.memref_squeeze %dma_wait3A_274 : memref<1x!tpu.dma_semaphore, #tpu.memory_space<semaphore_mem>> -> memref<!tpu.dma_semaphore, #tpu.memory_space<semaphore_mem>>
          %dma_wait3A_276 = arith.constant 0 : i32
          %dma_wait3A_277 = tpu.memref_slice %arg4[%mul3A_267, %dma_wait3A_276] : memref<8192x128xf32, #tpu.memory_space<hbm>> -> memref<128x128xf32, #tpu.memory_space<hbm>>
          %dma_wait3A_278 = arith.constant 0 : i32
          %dma_wait3A_279 = arith.constant 0 : i32
          %dma_wait3A_280 = tpu.memref_slice %run_scoped3A_8[%rem3A_265, %dma_wait3A_278, %dma_wait3A_279] : memref<2x128x128xf32, #tpu.memory_space<vmem>> -> memref<1x128x128xf32, #tpu.memory_space<vmem>>
          %dma_wait3A_281 = tpu.memref_squeeze %dma_wait3A_280 : memref<1x128x128xf32, #tpu.memory_space<vmem>> -> memref<128x128xf32, #tpu.memory_space<vmem>>
          tpu.wait_dma2 semaphore(%dma_wait3A_275 : memref<!tpu.dma_semaphore, #tpu.memory_space<semaphore_mem>>) src(%dma_wait3A_281 : memref<128x128xf32, #tpu.memory_space<vmem>>) dst(%dma_wait3A_277 : memref<128x128xf32, #tpu.memory_space<hbm>>)
          "tpu.trace_stop"() : () -> ()
        } else {
        }
        %and3A_244 = arith.constant true
        %and3A_245 = arith.andi %and3A_240, %and3A_244 : i1
        %add3A_246 = arith.constant 1 : i32
        %add3A_247 = arith.addi %scan3A_125, %add3A_246 : i32
        %select_n3A_248 = arith.select %and3A_245, %add3A_247, %scan3A_125 : i32
        %ne3A_249 = arith.cmpi ne, %add3A_131, %add3A_149 : i32
        %or3A_250 = arith.constant false
        %or3A_251 = arith.ori %or3A_250, %ne3A_249 : i1
        %or3A_252 = arith.ori %or3A_251, %eq3A_130 : i1
        %add3A_253 = arith.constant 1 : i32
        %add3A_254 = arith.addi %scan3A_123, %add3A_253 : i32
        %select_n3A_255 = arith.select %or3A_252, %add3A_254, %scan3A_123 : i32
        %add3A_256 = arith.constant 1 : i32
        %add3A_257 = arith.addi %scan3A_126, %add3A_256 : i32
        %select_n3A_258 = arith.constant true
        %select_n3A_259 = arith.select %select_n3A_258, %add3A_257, %scan3A_126 : i32
        %eq3A_260 = arith.constant 2 : i32
        %eq3A_261 = arith.cmpi eq, %select_n3A_259, %eq3A_260 : i32
        %select_n3A_262 = arith.constant 0 : i32
        %select_n3A_263 = arith.select %eq3A_261, %select_n3A_262, %select_n3A_259 : i32
        scf.yield %select_n3A_167, %select_n3A_255, %select_n3A_221, %select_n3A_248, %select_n3A_263 : i32, i32, i32, i32, i32
      }
      %scan3A_68 = arith.constant 2 : i32
      %sub3A = arith.constant 1 : i32
      %sub3A_69 = arith.subi %scan3A_67#4, %sub3A : i32
      %select_n3A_70 = arith.constant true
      %select_n3A_71 = arith.select %select_n3A_70, %sub3A_69, %scan3A_67#4 : i32
      %eq3A_72 = arith.constant -1 : i32
      %eq3A_73 = arith.cmpi eq, %select_n3A_71, %eq3A_72 : i32
      %select_n3A_74 = arith.constant 1 : i32
      %select_n3A_75 = arith.select %eq3A_73, %select_n3A_74, %select_n3A_71 : i32
      %add3A_76 = arith.addi %select_n3A_75, %mul3A_6 : i32
      %sub3A_77 = arith.constant 1 : i32
      %sub3A_78 = arith.subi %select_n3A_75, %sub3A_77 : i32
      %select_n3A_79 = arith.constant true
      %select_n3A_80 = arith.select %select_n3A_79, %sub3A_78, %select_n3A_75 : i32
      %eq3A_81 = arith.constant -1 : i32
      %eq3A_82 = arith.cmpi eq, %select_n3A_80, %eq3A_81 : i32
      %select_n3A_83 = arith.constant 1 : i32
      %select_n3A_84 = arith.select %eq3A_82, %select_n3A_83, %select_n3A_80 : i32
      %add3A_85 = arith.addi %select_n3A_84, %mul3A_6 : i32
      %add3A_86 = arith.constant 1 : i32
      %add3A_87 = arith.addi %select_n3A_75, %add3A_86 : i32
      %select_n3A_88 = arith.constant true
      %select_n3A_89 = arith.select %select_n3A_88, %add3A_87, %select_n3A_75 : i32
      %eq3A_90 = arith.constant 2 : i32
      %eq3A_91 = arith.cmpi eq, %select_n3A_89, %eq3A_90 : i32
      %select_n3A_92 = arith.constant 0 : i32
      %select_n3A_93 = arith.select %eq3A_91, %select_n3A_92, %select_n3A_89 : i32
      %add3A_94 = arith.addi %select_n3A_93, %mul3A_6 : i32
      %add3A_95 = arith.constant 1 : i32
      %add3A_96 = arith.addi %select_n3A_93, %add3A_95 : i32
      %select_n3A_97 = arith.constant true
      %select_n3A_98 = arith.select %select_n3A_97, %add3A_96, %select_n3A_93 : i32
      %eq3A_99 = arith.constant 2 : i32
      %eq3A_100 = arith.cmpi eq, %select_n3A_98, %eq3A_99 : i32
      %select_n3A_101 = arith.constant 0 : i32
      %select_n3A_102 = arith.select %eq3A_100, %select_n3A_101, %select_n3A_98 : i32
      %add3A_103 = arith.addi %select_n3A_102, %mul3A_6 : i32
      "tpu.trace_start"() <{level = 10 : i32, message = "ep_finalize"}> : () -> ()
      %rem3A_104 = arith.constant 2 : i32
      %rem3A_105 = arith.remui %scan3A_67#3, %rem3A_104 : i32
      %mul3A_106 = arith.constant 128 : i32
      %mul3A_107 = arith.muli %mul3A_106, %add3A_76 : i32
      %dma_wait3A = arith.constant 0 : i32
      %dma_wait3A_108 = arith.constant 0 : i32
      %dma_wait3A_109 = tpu.memref_slice %run_scoped3A_8[%rem3A_105, %dma_wait3A, %dma_wait3A_108] : memref<2x128x128xf32, #tpu.memory_space<vmem>> -> memref<1x128x128xf32, #tpu.memory_space<vmem>>
      %dma_wait3A_110 = tpu.memref_squeeze %dma_wait3A_109 : memref<1x128x128xf32, #tpu.memory_space<vmem>> -> memref<128x128xf32, #tpu.memory_space<vmem>>
      %dma_wait3A_111 = arith.constant 0 : i32
      %dma_wait3A_112 = tpu.memref_slice %arg4[%mul3A_107, %dma_wait3A_111] : memref<8192x128xf32, #tpu.memory_space<hbm>> -> memref<128x128xf32, #tpu.memory_space<hbm>>
      %dma_wait3A_113 = tpu.memref_slice %run_scoped3A_9[%rem3A_105] : memref<2x!tpu.dma_semaphore, #tpu.memory_space<semaphore_mem>> -> memref<1x!tpu.dma_semaphore, #tpu.memory_space<semaphore_mem>>
      %dma_wait3A_114 = tpu.memref_squeeze %dma_wait3A_113 : memref<1x!tpu.dma_semaphore, #tpu.memory_space<semaphore_mem>> -> memref<!tpu.dma_semaphore, #tpu.memory_space<semaphore_mem>>
      %dma_wait3A_115 = arith.constant 0 : i32
      %dma_wait3A_116 = tpu.memref_slice %arg4[%mul3A_107, %dma_wait3A_115] : memref<8192x128xf32, #tpu.memory_space<hbm>> -> memref<128x128xf32, #tpu.memory_space<hbm>>
      %dma_wait3A_117 = arith.constant 0 : i32
      %dma_wait3A_118 = arith.constant 0 : i32
      %dma_wait3A_119 = tpu.memref_slice %run_scoped3A_8[%rem3A_105, %dma_wait3A_117, %dma_wait3A_118] : memref<2x128x128xf32, #tpu.memory_space<vmem>> -> memref<1x128x128xf32, #tpu.memory_space<vmem>>
      %dma_wait3A_120 = tpu.memref_squeeze %dma_wait3A_119 : memref<1x128x128xf32, #tpu.memory_space<vmem>> -> memref<128x128xf32, #tpu.memory_space<vmem>>
      tpu.wait_dma2 semaphore(%dma_wait3A_114 : memref<!tpu.dma_semaphore, #tpu.memory_space<semaphore_mem>>) src(%dma_wait3A_120 : memref<128x128xf32, #tpu.memory_space<vmem>>) dst(%dma_wait3A_116 : memref<128x128xf32, #tpu.memory_space<hbm>>)
      "tpu.trace_stop"() : () -> ()
      tpu.yield
    }) : () -> ()
    return
  }
}

#map = affine_map<(d0, d1) -> (0, 0)>
module attributes {stable_mosaic.version = 14 : i64} {
  func.func @k(%arg0: i32, %arg1: i32, %arg2: memref<1024x128xf32, #tpu.memory_space<hbm>>, %arg3: memref<1x8192xi32, #tpu.memory_space<hbm>>, %arg4: memref<8192x128xf32, #tpu.memory_space<hbm>>) attributes {dimension_semantics = [#tpu.dimension_semantics<core_parallel>, #tpu.dimension_semantics<subcore_parallel>], iteration_bounds = array<i64: 2, 16>, scalar_prefetch = 0 : i64, scratch_operands = 0 : i64, tpu.core_type = #tpu.core_type<sc_vector_subcore>, window_params = [{transform_indices = #map}, {transform_indices = #map}, {transform_indices = #map}]} {
    %mul3A = arith.constant 1 : i32
    %mul3A_0 = arith.muli %arg1, %mul3A : i32
    %add3A = arith.constant 0 : i32
    %add3A_1 = arith.addi %add3A, %mul3A_0 : i32
    %mul3A_2 = arith.constant 16 : i32
    %mul3A_3 = arith.muli %arg0, %mul3A_2 : i32
    %add3A_4 = arith.addi %add3A_1, %mul3A_3 : i32
    %mul3A_5 = arith.constant 2 : i32
    %mul3A_6 = arith.muli %add3A_4, %mul3A_5 : i32
    "tpu.region"() ({
      %run_scoped3A = memref.alloca() : memref<2x1x128xi32, #tpu.memory_space<vmem>>
      %run_scoped3A_7 = tpu.sem_alloc : memref<2x!tpu.dma_semaphore, #tpu.memory_space<semaphore_mem>>
      %run_scoped3A_8 = memref.alloca() : memref<2x128x128xf32, #tpu.memory_space<vmem>>
      %run_scoped3A_9 = tpu.sem_alloc : memref<2x!tpu.dma_semaphore, #tpu.memory_space<semaphore_mem>>
      %add3A_10 = arith.constant 0 : i32
      %add3A_11 = arith.addi %add3A_10, %mul3A_6 : i32
      %select_n3A = arith.constant true
      %select_n3A_12 = arith.constant 0 : i32
      %select_n3A_13 = arith.constant -1 : i32
      %select_n3A_14 = arith.select %select_n3A, %select_n3A_13, %select_n3A_12 : i32
      %eq3A = arith.constant -1 : i32
      %eq3A_15 = arith.cmpi eq, %select_n3A_14, %eq3A : i32
      %select_n3A_16 = arith.constant 1 : i32
      %select_n3A_17 = arith.select %eq3A_15, %select_n3A_16, %select_n3A_14 : i32
      %add3A_18 = arith.addi %select_n3A_17, %mul3A_6 : i32
      %select_n3A_19 = arith.constant true
      %select_n3A_20 = arith.constant 0 : i32
      %select_n3A_21 = arith.constant 1 : i32
      %select_n3A_22 = arith.select %select_n3A_19, %select_n3A_21, %select_n3A_20 : i32
      %eq3A_23 = arith.constant 2 : i32
      %eq3A_24 = arith.cmpi eq, %select_n3A_22, %eq3A_23 : i32
      %select_n3A_25 = arith.constant 0 : i32
      %select_n3A_26 = arith.select %eq3A_24, %select_n3A_25, %select_n3A_22 : i32
      %add3A_27 = arith.addi %select_n3A_26, %mul3A_6 : i32
      %add3A_28 = arith.constant 1 : i32
      %add3A_29 = arith.addi %select_n3A_26, %add3A_28 : i32
      %select_n3A_30 = arith.constant true
      %select_n3A_31 = arith.select %select_n3A_30, %add3A_29, %select_n3A_26 : i32
      %eq3A_32 = arith.constant 2 : i32
      %eq3A_33 = arith.cmpi eq, %select_n3A_31, %eq3A_32 : i32
      %select_n3A_34 = arith.constant 0 : i32
      %select_n3A_35 = arith.select %eq3A_33, %select_n3A_34, %select_n3A_31 : i32
      %add3A_36 = arith.addi %select_n3A_35, %mul3A_6 : i32
      "tpu.trace_start"() <{level = 10 : i32, message = "ep_initialize_0"}> : () -> ()
      %rem3A = arith.constant 0 : i32
      %rem3A_37 = arith.constant 2 : i32
      %rem3A_38 = arith.remui %rem3A, %rem3A_37 : i32
      %mul3A_39 = arith.constant 128 : i32
      %mul3A_40 = arith.muli %mul3A_39, %add3A_11 : i32
      %dma_start3A = arith.constant 0 : i32
      %dma_start3A_41 = arith.constant 0 : i32
      %dma_start3A_42 = tpu.memref_slice %run_scoped3A[%rem3A_38, %dma_start3A, %dma_start3A_41] : memref<2x1x128xi32, #tpu.memory_space<vmem>> -> memref<1x1x128xi32, #tpu.memory_space<vmem>>
      %dma_start3A_43 = tpu.memref_squeeze %dma_start3A_42 : memref<1x1x128xi32, #tpu.memory_space<vmem>> -> memref<1x128xi32, #tpu.memory_space<vmem>>
      %dma_start3A_44 = arith.constant 0 : i32
      %dma_start3A_45 = tpu.memref_slice %arg3[%dma_start3A_44, %mul3A_40] : memref<1x8192xi32, #tpu.memory_space<hbm>> -> memref<1x128xi32, #tpu.memory_space<hbm>>
      %dma_start3A_46 = tpu.memref_slice %run_scoped3A_7[%rem3A_38] : memref<2x!tpu.dma_semaphore, #tpu.memory_space<semaphore_mem>> -> memref<1x!tpu.dma_semaphore, #tpu.memory_space<semaphore_mem>>
      %dma_start3A_47 = tpu.memref_squeeze %dma_start3A_46 : memref<1x!tpu.dma_semaphore, #tpu.memory_space<semaphore_mem>> -> memref<!tpu.dma_semaphore, #tpu.memory_space<semaphore_mem>>
      %dma_start3A_48 = arith.constant 0 : i32
      %dma_start3A_49 = arith.constant 0 : i32
      %dma_start3A_50 = tpu.memref_slice %run_scoped3A[%rem3A_38, %dma_start3A_48, %dma_start3A_49] : memref<2x1x128xi32, #tpu.memory_space<vmem>> -> memref<1x1x128xi32, #tpu.memory_space<vmem>>
      %dma_start3A_51 = tpu.memref_squeeze %dma_start3A_50 : memref<1x1x128xi32, #tpu.memory_space<vmem>> -> memref<1x128xi32, #tpu.memory_space<vmem>>
      %dma_start3A_52 = arith.constant 0 : i32
      %dma_start3A_53 = tpu.memref_slice %arg3[%dma_start3A_52, %mul3A_40] : memref<1x8192xi32, #tpu.memory_space<hbm>> -> memref<1x128xi32, #tpu.memory_space<hbm>>
      tpu.enqueue_dma source(%dma_start3A_53 : memref<1x128xi32, #tpu.memory_space<hbm>>) target(%dma_start3A_51 : memref<1x128xi32, #tpu.memory_space<vmem>>) target_semaphore(%dma_start3A_47 : memref<!tpu.dma_semaphore, #tpu.memory_space<semaphore_mem>>)
      %add3A_54 = arith.constant 0 : i32
      %add3A_55 = arith.constant 1 : i32
      %add3A_56 = arith.addi %add3A_54, %add3A_55 : i32
      %select_n3A_57 = arith.constant true
      %select_n3A_58 = arith.constant 0 : i32
      %select_n3A_59 = arith.select %select_n3A_57, %add3A_56, %select_n3A_58 : i32
      "tpu.trace_stop"() : () -> ()
      %scan3A = arith.constant 0 : i32
      %scan3A_60 = arith.constant 0 : i32
      %scan3A_61 = arith.constant 0 : i32
      %scan3A_62 = arith.constant 0 : i32
      %scan3A_63 = arith.constant 0 : i32
      %scan3A_64 = arith.constant 2 : i32
      %scan3A_65 = arith.addi %scan3A_63, %scan3A_64 : i32
      %scan3A_66 = arith.constant 1 : i32
      %scan3A_67:5 = scf.for %scan3A_121 = %scan3A_63 to %scan3A_65 step %scan3A_66 iter_args(%scan3A_122 = %select_n3A_59, %scan3A_123 = %scan3A, %scan3A_124 = %scan3A_60, %scan3A_125 = %scan3A_61, %scan3A_126 = %scan3A_62) -> (i32, i32, i32, i32, i32)  : i32 {
        %eq3A_127 = arith.constant 0 : i32
        %eq3A_128 = arith.cmpi eq, %scan3A_121, %eq3A_127 : i32
        %eq3A_129 = arith.constant 1 : i32
        %eq3A_130 = arith.cmpi eq, %scan3A_121, %eq3A_129 : i32
        %add3A_131 = arith.addi %scan3A_126, %mul3A_6 : i32
        %sub3A_132 = arith.constant 1 : i32
        %sub3A_133 = arith.subi %scan3A_126, %sub3A_132 : i32
        %select_n3A_134 = arith.constant true
        %select_n3A_135 = arith.select %select_n3A_134, %sub3A_133, %scan3A_126 : i32
        %eq3A_136 = arith.constant -1 : i32
        %eq3A_137 = arith.cmpi eq, %select_n3A_135, %eq3A_136 : i32
        %select_n3A_138 = arith.constant 1 : i32
        %select_n3A_139 = arith.select %eq3A_137, %select_n3A_138, %select_n3A_135 : i32
        %add3A_140 = arith.addi %select_n3A_139, %mul3A_6 : i32
        %add3A_141 = arith.constant 1 : i32
        %add3A_142 = arith.addi %scan3A_126, %add3A_141 : i32
        %select_n3A_143 = arith.constant true
        %select_n3A_144 = arith.select %select_n3A_143, %add3A_142, %scan3A_126 : i32
        %eq3A_145 = arith.constant 2 : i32
        %eq3A_146 = arith.cmpi eq, %select_n3A_144, %eq3A_145 : i32
        %select_n3A_147 = arith.constant 0 : i32
        %select_n3A_148 = arith.select %eq3A_146, %select_n3A_147, %select_n3A_144 : i32
        %add3A_149 = arith.addi %select_n3A_148, %mul3A_6 : i32
        %add3A_150 = arith.constant 1 : i32
        %add3A_151 = arith.addi %select_n3A_148, %add3A_150 : i32
        %select_n3A_152 = arith.constant true
        %select_n3A_153 = arith.select %select_n3A_152, %add3A_151, %select_n3A_148 : i32
        %eq3A_154 = arith.constant 2 : i32
        %eq3A_155 = arith.cmpi eq, %select_n3A_153, %eq3A_154 : i32
        %select_n3A_156 = arith.constant 0 : i32
        %select_n3A_157 = arith.select %eq3A_155, %select_n3A_156, %select_n3A_153 : i32
        %add3A_158 = arith.addi %select_n3A_157, %mul3A_6 : i32
        %ne3A = arith.cmpi ne, %add3A_131, %add3A_149 : i32
        %or3A = arith.constant false
        %or3A_159 = arith.ori %or3A, %ne3A : i1
        %ge3A = arith.constant 1 : i32
        %ge3A_160 = arith.cmpi sge, %scan3A_121, %ge3A : i32
        %not3A = arith.constant true
        %not3A_161 = arith.xori %ge3A_160, %not3A : i1
        %and3A = arith.andi %or3A_159, %not3A_161 : i1
        %convert_element_type3A = arith.extui %and3A : i1 to i32
        %cond3A = arith.constant 0 : i32
        %cond3A_162 = arith.cmpi ne, %convert_element_type3A, %cond3A : i32
        scf.if %cond3A_162 {
          "tpu.trace_start"() <{level = 10 : i32, message = "ep_copy_in"}> : () -> ()
          %rem3A_264 = arith.constant 2 : i32
          %rem3A_265 = arith.remui %scan3A_122, %rem3A_264 : i32
          %mul3A_266 = arith.constant 128 : i32
          %mul3A_267 = arith.muli %mul3A_266, %add3A_149 : i32
          %dma_start3A_268 = arith.constant 0 : i32
          %dma_start3A_269 = arith.constant 0 : i32
          %dma_start3A_270 = tpu.memref_slice %run_scoped3A[%rem3A_265, %dma_start3A_268, %dma_start3A_269] : memref<2x1x128xi32, #tpu.memory_space<vmem>> -> memref<1x1x128xi32, #tpu.memory_space<vmem>>
          %dma_start3A_271 = tpu.memref_squeeze %dma_start3A_270 : memref<1x1x128xi32, #tpu.memory_space<vmem>> -> memref<1x128xi32, #tpu.memory_space<vmem>>
          %dma_start3A_272 = arith.constant 0 : i32
          %dma_start3A_273 = tpu.memref_slice %arg3[%dma_start3A_272, %mul3A_267] : memref<1x8192xi32, #tpu.memory_space<hbm>> -> memref<1x128xi32, #tpu.memory_space<hbm>>
          %dma_start3A_274 = tpu.memref_slice %run_scoped3A_7[%rem3A_265] : memref<2x!tpu.dma_semaphore, #tpu.memory_space<semaphore_mem>> -> memref<1x!tpu.dma_semaphore, #tpu.memory_space<semaphore_mem>>
          %dma_start3A_275 = tpu.memref_squeeze %dma_start3A_274 : memref<1x!tpu.dma_semaphore, #tpu.memory_space<semaphore_mem>> -> memref<!tpu.dma_semaphore, #tpu.memory_space<semaphore_mem>>
          %dma_start3A_276 = arith.constant 0 : i32
          %dma_start3A_277 = arith.constant 0 : i32
          %dma_start3A_278 = tpu.memref_slice %run_scoped3A[%rem3A_265, %dma_start3A_276, %dma_start3A_277] : memref<2x1x128xi32, #tpu.memory_space<vmem>> -> memref<1x1x128xi32, #tpu.memory_space<vmem>>
          %dma_start3A_279 = tpu.memref_squeeze %dma_start3A_278 : memref<1x1x128xi32, #tpu.memory_space<vmem>> -> memref<1x128xi32, #tpu.memory_space<vmem>>
          %dma_start3A_280 = arith.constant 0 : i32
          %dma_start3A_281 = tpu.memref_slice %arg3[%dma_start3A_280, %mul3A_267] : memref<1x8192xi32, #tpu.memory_space<hbm>> -> memref<1x128xi32, #tpu.memory_space<hbm>>
          tpu.enqueue_dma source(%dma_start3A_281 : memref<1x128xi32, #tpu.memory_space<hbm>>) target(%dma_start3A_279 : memref<1x128xi32, #tpu.memory_space<vmem>>) target_semaphore(%dma_start3A_275 : memref<!tpu.dma_semaphore, #tpu.memory_space<semaphore_mem>>)
          "tpu.trace_stop"() : () -> ()
        } else {
        }
        %and3A_163 = arith.constant true
        %and3A_164 = arith.andi %and3A, %and3A_163 : i1
        %add3A_165 = arith.constant 1 : i32
        %add3A_166 = arith.addi %scan3A_122, %add3A_165 : i32
        %select_n3A_167 = arith.select %and3A_164, %add3A_166, %scan3A_122 : i32
        %ne3A_168 = arith.cmpi ne, %add3A_131, %add3A_149 : i32
        %or3A_169 = arith.constant false
        %or3A_170 = arith.ori %or3A_169, %ne3A_168 : i1
        %or3A_171 = arith.constant false
        %or3A_172 = arith.ori %or3A_170, %or3A_171 : i1
        %ge3A_173 = arith.constant 1 : i32
        %ge3A_174 = arith.cmpi sge, %scan3A_121, %ge3A_173 : i32
        %not3A_175 = arith.constant true
        %not3A_176 = arith.xori %ge3A_174, %not3A_175 : i1
        %and3A_177 = arith.andi %or3A_172, %not3A_176 : i1
        %ne3A_178 = arith.cmpi ne, %add3A_131, %add3A_140 : i32
        %or3A_179 = arith.constant false
        %or3A_180 = arith.ori %or3A_179, %ne3A_178 : i1
        %or3A_181 = arith.ori %or3A_180, %eq3A_128 : i1
        %convert_element_type3A_182 = arith.extui %or3A_181 : i1 to i32
        %cond3A_183 = arith.constant 0 : i32
        %cond3A_184 = arith.cmpi ne, %convert_element_type3A_182, %cond3A_183 : i32
        scf.if %cond3A_184 {
          "tpu.trace_start"() <{level = 10 : i32, message = "ep_wait_in"}> : () -> ()
          %mul3A_264 = arith.constant 128 : i32
          %mul3A_265 = arith.muli %mul3A_264, %add3A_131 : i32
          %rem3A_266 = arith.constant 2 : i32
          %rem3A_267 = arith.remui %scan3A_123, %rem3A_266 : i32
          %dma_wait3A_268 = arith.constant 0 : i32
          %dma_wait3A_269 = arith.constant 0 : i32
          %dma_wait3A_270 = tpu.memref_slice %run_scoped3A[%rem3A_267, %dma_wait3A_268, %dma_wait3A_269] : memref<2x1x128xi32, #tpu.memory_space<vmem>> -> memref<1x1x128xi32, #tpu.memory_space<vmem>>
          %dma_wait3A_271 = tpu.memref_squeeze %dma_wait3A_270 : memref<1x1x128xi32, #tpu.memory_space<vmem>> -> memref<1x128xi32, #tpu.memory_space<vmem>>
          %dma_wait3A_272 = arith.constant 0 : i32
          %dma_wait3A_273 = tpu.memref_slice %arg3[%dma_wait3A_272, %mul3A_265] : memref<1x8192xi32, #tpu.memory_space<hbm>> -> memref<1x128xi32, #tpu.memory_space<hbm>>
          %dma_wait3A_274 = tpu.memref_slice %run_scoped3A_7[%rem3A_267] : memref<2x!tpu.dma_semaphore, #tpu.memory_space<semaphore_mem>> -> memref<1x!tpu.dma_semaphore, #tpu.memory_space<semaphore_mem>>
          %dma_wait3A_275 = tpu.memref_squeeze %dma_wait3A_274 : memref<1x!tpu.dma_semaphore, #tpu.memory_space<semaphore_mem>> -> memref<!tpu.dma_semaphore, #tpu.memory_space<semaphore_mem>>
          %dma_wait3A_276 = arith.constant 0 : i32
          %dma_wait3A_277 = arith.constant 0 : i32
          %dma_wait3A_278 = tpu.memref_slice %run_scoped3A[%rem3A_267, %dma_wait3A_276, %dma_wait3A_277] : memref<2x1x128xi32, #tpu.memory_space<vmem>> -> memref<1x1x128xi32, #tpu.memory_space<vmem>>
          %dma_wait3A_279 = tpu.memref_squeeze %dma_wait3A_278 : memref<1x1x128xi32, #tpu.memory_space<vmem>> -> memref<1x128xi32, #tpu.memory_space<vmem>>
          %dma_wait3A_280 = arith.constant 0 : i32
          %dma_wait3A_281 = tpu.memref_slice %arg3[%dma_wait3A_280, %mul3A_265] : memref<1x8192xi32, #tpu.memory_space<hbm>> -> memref<1x128xi32, #tpu.memory_space<hbm>>
          tpu.wait_dma2 semaphore(%dma_wait3A_275 : memref<!tpu.dma_semaphore, #tpu.memory_space<semaphore_mem>>) src(%dma_wait3A_281 : memref<1x128xi32, #tpu.memory_space<hbm>>) dst(%dma_wait3A_279 : memref<1x128xi32, #tpu.memory_space<vmem>>)
          "tpu.trace_stop"() : () -> ()
        } else {
        }
        %ne3A_185 = arith.cmpi ne, %add3A_131, %add3A_140 : i32
        %or3A_186 = arith.constant false
        %or3A_187 = arith.ori %or3A_186, %ne3A_185 : i1
        %or3A_188 = arith.constant false
        %or3A_189 = arith.ori %or3A_187, %or3A_188 : i1
        %or3A_190 = arith.ori %or3A_189, %eq3A_128 : i1
        %convert_element_type3A_191 = arith.extui %or3A_190 : i1 to i32
        %cond3A_192 = arith.constant 0 : i32
        %cond3A_193 = arith.cmpi ne, %convert_element_type3A_191, %cond3A_192 : i32
        scf.if %cond3A_193 {
        } else {
        }
        %rem3A_194 = arith.constant 2 : i32
        %rem3A_195 = arith.remui %scan3A_123, %rem3A_194 : i32
        %rem3A_196 = arith.constant 2 : i32
        %rem3A_197 = arith.remui %scan3A_124, %rem3A_196 : i32
        %run_scoped3A_198 = arith.constant 0 : i32
        "tpu.trace_start"() <{level = 10 : i32, message = "ep_run_kernel"}> : () -> ()
        "tpu.region"() ({
          %run_scoped3A_264 = tpu.sem_alloc : memref<!tpu.dma_semaphore, #tpu.memory_space<semaphore_mem>>
          %dma_start3A_265 = arith.constant 0 : i32
          %dma_start3A_266 = arith.constant 0 : i32
          %dma_start3A_267 = tpu.memref_slice %run_scoped3A_8[%rem3A_197, %dma_start3A_265, %dma_start3A_266] : memref<2x128x128xf32, #tpu.memory_space<vmem>> -> memref<1x128x128xf32, #tpu.memory_space<vmem>>
          %dma_start3A_268 = tpu.memref_squeeze %dma_start3A_267 : memref<1x128x128xf32, #tpu.memory_space<vmem>> -> memref<128x128xf32, #tpu.memory_space<vmem>>
          %dma_start3A_269 = arith.constant 0 : i32
          %dma_start3A_270 = arith.constant 0 : i32
          %dma_start3A_271 = tpu.memref_slice %run_scoped3A[%rem3A_195, %dma_start3A_269, %dma_start3A_270] : memref<2x1x128xi32, #tpu.memory_space<vmem>> -> memref<1x1x128xi32, #tpu.memory_space<vmem>>
          %dma_start3A_272 = tpu.memref_squeeze %dma_start3A_271 : memref<1x1x128xi32, #tpu.memory_space<vmem>> -> memref<1x128xi32, #tpu.memory_space<vmem>>
          %dma_start3A_273 = arith.constant 0 : i32
          %dma_start3A_274 = tpu.memref_slice %dma_start3A_272[%run_scoped3A_198, %dma_start3A_273] : memref<1x128xi32, #tpu.memory_space<vmem>> -> memref<1x128xi32, #tpu.memory_space<vmem>>
          %dma_start3A_275 = tpu.memref_squeeze %dma_start3A_274 : memref<1x128xi32, #tpu.memory_space<vmem>> -> memref<128xi32, #tpu.memory_space<vmem>>
          %dma_start3A_276 = arith.constant 0 : i32
          %dma_start3A_277 = arith.constant 0 : i32
          %dma_start3A_278 = tpu.memref_slice %arg2[%dma_start3A_276, %dma_start3A_277] : memref<1024x128xf32, #tpu.memory_space<hbm>> -> memref<1024x128xf32, #tpu.memory_space<hbm>>
          tpu.enqueue_indirect_dma source(%dma_start3A_278 : memref<1024x128xf32, #tpu.memory_space<hbm>>) target(%dma_start3A_268 : memref<128x128xf32, #tpu.memory_space<vmem>>) offsets(%dma_start3A_275 : memref<128xi32, #tpu.memory_space<vmem>>) semaphore(%run_scoped3A_264 : memref<!tpu.dma_semaphore, #tpu.memory_space<semaphore_mem>>)
          %dma_wait3A_279 = arith.constant 0 : i32
          %dma_wait3A_280 = arith.constant 0 : i32
          %dma_wait3A_281 = tpu.memref_slice %run_scoped3A_8[%rem3A_197, %dma_wait3A_279, %dma_wait3A_280] : memref<2x128x128xf32, #tpu.memory_space<vmem>> -> memref<1x128x128xf32, #tpu.memory_space<vmem>>
          %dma_wait3A_282 = tpu.memref_squeeze %dma_wait3A_281 : memref<1x128x128xf32, #tpu.memory_space<vmem>> -> memref<128x128xf32, #tpu.memory_space<vmem>>
          %dma_wait3A_283 = arith.constant 0 : i32
          %dma_wait3A_284 = arith.constant 0 : i32
          %dma_wait3A_285 = tpu.memref_slice %run_scoped3A[%rem3A_195, %dma_wait3A_283, %dma_wait3A_284] : memref<2x1x128xi32, #tpu.memory_space<vmem>> -> memref<1x1x128xi32, #tpu.memory_space<vmem>>
          %dma_wait3A_286 = tpu.memref_squeeze %dma_wait3A_285 : memref<1x1x128xi32, #tpu.memory_space<vmem>> -> memref<1x128xi32, #tpu.memory_space<vmem>>
          %dma_wait3A_287 = arith.constant 0 : i32
          %dma_wait3A_288 = tpu.memref_slice %dma_wait3A_286[%run_scoped3A_198, %dma_wait3A_287] : memref<1x128xi32, #tpu.memory_space<vmem>> -> memref<1x128xi32, #tpu.memory_space<vmem>>
          %dma_wait3A_289 = tpu.memref_squeeze %dma_wait3A_288 : memref<1x128xi32, #tpu.memory_space<vmem>> -> memref<128xi32, #tpu.memory_space<vmem>>
          %dma_wait3A_290 = arith.constant 0 : i32
          %dma_wait3A_291 = arith.constant 0 : i32
          %dma_wait3A_292 = tpu.memref_slice %arg2[%dma_wait3A_290, %dma_wait3A_291] : memref<1024x128xf32, #tpu.memory_space<hbm>> -> memref<1024x128xf32, #tpu.memory_space<hbm>>
          tpu.wait_indirect_dma semaphore(%run_scoped3A_264 : memref<!tpu.dma_semaphore, #tpu.memory_space<semaphore_mem>>) src(%dma_wait3A_292 : memref<1024x128xf32, #tpu.memory_space<hbm>>) dst(%dma_wait3A_282 : memref<128x128xf32, #tpu.memory_space<vmem>>)
          tpu.yield
        }) : () -> ()
        "tpu.trace_stop"() : () -> ()
        %ne3A_199 = arith.cmpi ne, %add3A_131, %add3A_149 : i32
        %or3A_200 = arith.constant false
        %or3A_201 = arith.ori %or3A_200, %ne3A_199 : i1
        %or3A_202 = arith.ori %or3A_201, %eq3A_130 : i1
        %convert_element_type3A_203 = arith.extui %or3A_202 : i1 to i32
        %cond3A_204 = arith.constant 0 : i32
        %cond3A_205 = arith.cmpi ne, %convert_element_type3A_203, %cond3A_204 : i32
        scf.if %cond3A_205 {
        } else {
        }
        %and3A_206 = arith.constant false
        %and3A_207 = arith.andi %or3A_202, %and3A_206 : i1
        %ne3A_208 = arith.cmpi ne, %add3A_131, %add3A_149 : i32
        %or3A_209 = arith.constant false
        %or3A_210 = arith.ori %or3A_209, %ne3A_208 : i1
        %or3A_211 = arith.constant false
        %or3A_212 = arith.ori %or3A_210, %or3A_211 : i1
        %or3A_213 = arith.ori %or3A_212, %eq3A_130 : i1
        %convert_element_type3A_214 = arith.extui %or3A_213 : i1 to i32
        %cond3A_215 = arith.constant 0 : i32
        %cond3A_216 = arith.cmpi ne, %convert_element_type3A_214, %cond3A_215 : i32
        scf.if %cond3A_216 {
          "tpu.trace_start"() <{level = 10 : i32, message = "ep_copy_out"}> : () -> ()
          %rem3A_264 = arith.constant 2 : i32
          %rem3A_265 = arith.remui %scan3A_124, %rem3A_264 : i32
          %mul3A_266 = arith.constant 128 : i32
          %mul3A_267 = arith.muli %mul3A_266, %add3A_131 : i32
          %dma_start3A_268 = arith.constant 0 : i32
          %dma_start3A_269 = arith.constant 0 : i32
          %dma_start3A_270 = tpu.memref_slice %run_scoped3A_8[%rem3A_265, %dma_start3A_268, %dma_start3A_269] : memref<2x128x128xf32, #tpu.memory_space<vmem>> -> memref<1x128x128xf32, #tpu.memory_space<vmem>>
          %dma_start3A_271 = tpu.memref_squeeze %dma_start3A_270 : memref<1x128x128xf32, #tpu.memory_space<vmem>> -> memref<128x128xf32, #tpu.memory_space<vmem>>
          %dma_start3A_272 = arith.constant 0 : i32
          %dma_start3A_273 = tpu.memref_slice %arg4[%mul3A_267, %dma_start3A_272] : memref<8192x128xf32, #tpu.memory_space<hbm>> -> memref<128x128xf32, #tpu.memory_space<hbm>>
          %dma_start3A_274 = tpu.memref_slice %run_scoped3A_9[%rem3A_265] : memref<2x!tpu.dma_semaphore, #tpu.memory_space<semaphore_mem>> -> memref<1x!tpu.dma_semaphore, #tpu.memory_space<semaphore_mem>>
          %dma_start3A_275 = tpu.memref_squeeze %dma_start3A_274 : memref<1x!tpu.dma_semaphore, #tpu.memory_space<semaphore_mem>> -> memref<!tpu.dma_semaphore, #tpu.memory_space<semaphore_mem>>
          %dma_start3A_276 = arith.constant 0 : i32
          %dma_start3A_277 = tpu.memref_slice %arg4[%mul3A_267, %dma_start3A_276] : memref<8192x128xf32, #tpu.memory_space<hbm>> -> memref<128x128xf32, #tpu.memory_space<hbm>>
          %dma_start3A_278 = arith.constant 0 : i32
          %dma_start3A_279 = arith.constant 0 : i32
          %dma_start3A_280 = tpu.memref_slice %run_scoped3A_8[%rem3A_265, %dma_start3A_278, %dma_start3A_279] : memref<2x128x128xf32, #tpu.memory_space<vmem>> -> memref<1x128x128xf32, #tpu.memory_space<vmem>>
          %dma_start3A_281 = tpu.memref_squeeze %dma_start3A_280 : memref<1x128x128xf32, #tpu.memory_space<vmem>> -> memref<128x128xf32, #tpu.memory_space<vmem>>
          tpu.enqueue_dma source(%dma_start3A_281 : memref<128x128xf32, #tpu.memory_space<vmem>>) target(%dma_start3A_277 : memref<128x128xf32, #tpu.memory_space<hbm>>) target_semaphore(%dma_start3A_275 : memref<!tpu.dma_semaphore, #tpu.memory_space<semaphore_mem>>)
          "tpu.trace_stop"() : () -> ()
        } else {
        }
        %and3A_217 = arith.constant true
        %and3A_218 = arith.andi %or3A_213, %and3A_217 : i1
        %add3A_219 = arith.constant 1 : i32
        %add3A_220 = arith.addi %scan3A_124, %add3A_219 : i32
        %select_n3A_221 = arith.select %and3A_218, %add3A_220, %scan3A_124 : i32
        %ne3A_222 = arith.cmpi ne, %add3A_131, %add3A_140 : i32
        %or3A_223 = arith.constant false
        %or3A_224 = arith.ori %or3A_223, %ne3A_222 : i1
        %not3A_225 = arith.constant true
        %not3A_226 = arith.xori %eq3A_128, %not3A_225 : i1
        %and3A_227 = arith.andi %or3A_224, %not3A_226 : i1
        %convert_element_type3A_228 = arith.extui %and3A_227 : i1 to i32
        %cond3A_229 = arith.constant 0 : i32
        %cond3A_230 = arith.cmpi ne, %convert_element_type3A_228, %cond3A_229 : i32
        scf.if %cond3A_230 {
        } else {
        }
        %and3A_231 = arith.constant false
        %and3A_232 = arith.andi %and3A_227, %and3A_231 : i1
        %ne3A_233 = arith.cmpi ne, %add3A_131, %add3A_140 : i32
        %or3A_234 = arith.constant false
        %or3A_235 = arith.ori %or3A_234, %ne3A_233 : i1
        %or3A_236 = arith.constant false
        %or3A_237 = arith.ori %or3A_235, %or3A_236 : i1
        %not3A_238 = arith.constant true
        %not3A_239 = arith.xori %eq3A_128, %not3A_238 : i1
        %and3A_240 = arith.andi %or3A_237, %not3A_239 : i1
        %convert_element_type3A_241 = arith.extui %and3A_240 : i1 to i32
        %cond3A_242 = arith.constant 0 : i32
        %cond3A_243 = arith.cmpi ne, %convert_element_type3A_241, %cond3A_242 : i32
        scf.if %cond3A_243 {
          "tpu.trace_start"() <{level = 10 : i32, message = "ep_wait_out"}> : () -> ()
          %rem3A_264 = arith.constant 2 : i32
          %rem3A_265 = arith.remui %scan3A_125, %rem3A_264 : i32
          %mul3A_266 = arith.constant 128 : i32
          %mul3A_267 = arith.muli %mul3A_266, %add3A_140 : i32
          %dma_wait3A_268 = arith.constant 0 : i32
          %dma_wait3A_269 = arith.constant 0 : i32
          %dma_wait3A_270 = tpu.memref_slice %run_scoped3A_8[%rem3A_265, %dma_wait3A_268, %dma_wait3A_269] : memref<2x128x128xf32, #tpu.memory_space<vmem>> -> memref<1x128x128xf32, #tpu.memory_space<vmem>>
          %dma_wait3A_271 = tpu.memref_squeeze %dma_wait3A_270 : memref<1x128x128xf32, #tpu.memory_space<vmem>> -> memref<128x128xf32, #tpu.memory_space<vmem>>
          %dma_wait3A_272 = arith.constant 0 : i32
          %dma_wait3A_273 = tpu.memref_slice %arg4[%mul3A_267, %dma_wait3A_272] : memref<8192x128xf32, #tpu.memory_space<hbm>> -> memref<128x128xf32, #tpu.memory_space<hbm>>
          %dma_wait3A_274 = tpu.memref_slice %run_scoped3A_9[%rem3A_265] : memref<2x!tpu.dma_semaphore, #tpu.memory_space<semaphore_mem>> -> memref<1x!tpu.dma_semaphore, #tpu.memory_space<semaphore_mem>>
          %dma_wait3A_275 = tpu.memref_squeeze %dma_wait3A_274 : memref<1x!tpu.dma_semaphore, #tpu.memory_space<semaphore_mem>> -> memref<!tpu.dma_semaphore, #tpu.memory_space<semaphore_mem>>
          %dma_wait3A_276 = arith.constant 0 : i32
          %dma_wait3A_277 = tpu.memref_slice %arg4[%mul3A_267, %dma_wait3A_276] : memref<8192x128xf32, #tpu.memory_space<hbm>> -> memref<128x128xf32, #tpu.memory_space<hbm>>
          %dma_wait3A_278 = arith.constant 0 : i32
          %dma_wait3A_279 = arith.constant 0 : i32
          %dma_wait3A_280 = tpu.memref_slice %run_scoped3A_8[%rem3A_265, %dma_wait3A_278, %dma_wait3A_279] : memref<2x128x128xf32, #tpu.memory_space<vmem>> -> memref<1x128x128xf32, #tpu.memory_space<vmem>>
          %dma_wait3A_281 = tpu.memref_squeeze %dma_wait3A_280 : memref<1x128x128xf32, #tpu.memory_space<vmem>> -> memref<128x128xf32, #tpu.memory_space<vmem>>
          tpu.wait_dma2 semaphore(%dma_wait3A_275 : memref<!tpu.dma_semaphore, #tpu.memory_space<semaphore_mem>>) src(%dma_wait3A_281 : memref<128x128xf32, #tpu.memory_space<vmem>>) dst(%dma_wait3A_277 : memref<128x128xf32, #tpu.memory_space<hbm>>)
          "tpu.trace_stop"() : () -> ()
        } else {
        }
        %and3A_244 = arith.constant true
        %and3A_245 = arith.andi %and3A_240, %and3A_244 : i1
        %add3A_246 = arith.constant 1 : i32
        %add3A_247 = arith.addi %scan3A_125, %add3A_246 : i32
        %select_n3A_248 = arith.select %and3A_245, %add3A_247, %scan3A_125 : i32
        %ne3A_249 = arith.cmpi ne, %add3A_131, %add3A_149 : i32
        %or3A_250 = arith.constant false
        %or3A_251 = arith.ori %or3A_250, %ne3A_249 : i1
        %or3A_252 = arith.ori %or3A_251, %eq3A_130 : i1
        %add3A_253 = arith.constant 1 : i32
        %add3A_254 = arith.addi %scan3A_123, %add3A_253 : i32
        %select_n3A_255 = arith.select %or3A_252, %add3A_254, %scan3A_123 : i32
        %add3A_256 = arith.constant 1 : i32
        %add3A_257 = arith.addi %scan3A_126, %add3A_256 : i32
        %select_n3A_258 = arith.constant true
        %select_n3A_259 = arith.select %select_n3A_258, %add3A_257, %scan3A_126 : i32
        %eq3A_260 = arith.constant 2 : i32
        %eq3A_261 = arith.cmpi eq, %select_n3A_259, %eq3A_260 : i32
        %select_n3A_262 = arith.constant 0 : i32
        %select_n3A_263 = arith.select %eq3A_261, %select_n3A_262, %select_n3A_259 : i32
        scf.yield %select_n3A_167, %select_n3A_255, %select_n3A_221, %select_n3A_248, %select_n3A_263 : i32, i32, i32, i32, i32
      }
      %scan3A_68 = arith.constant 2 : i32
      %sub3A = arith.constant 1 : i32
      %sub3A_69 = arith.subi %scan3A_67#4, %sub3A : i32
      %select_n3A_70 = arith.constant true
      %select_n3A_71 = arith.select %select_n3A_70, %sub3A_69, %scan3A_67#4 : i32
      %eq3A_72 = arith.constant -1 : i32
      %eq3A_73 = arith.cmpi eq, %select_n3A_71, %eq3A_72 : i32
      %select_n3A_74 = arith.constant 1 : i32
      %select_n3A_75 = arith.select %eq3A_73, %select_n3A_74, %select_n3A_71 : i32
      %add3A_76 = arith.addi %select_n3A_75, %mul3A_6 : i32
      %sub3A_77 = arith.constant 1 : i32
      %sub3A_78 = arith.subi %select_n3A_75, %sub3A_77 : i32
      %select_n3A_79 = arith.constant true
      %select_n3A_80 = arith.select %select_n3A_79, %sub3A_78, %select_n3A_75 : i32
      %eq3A_81 = arith.constant -1 : i32
      %eq3A_82 = arith.cmpi eq, %select_n3A_80, %eq3A_81 : i32
      %select_n3A_83 = arith.constant 1 : i32
      %select_n3A_84 = arith.select %eq3A_82, %select_n3A_83, %select_n3A_80 : i32
      %add3A_85 = arith.addi %select_n3A_84, %mul3A_6 : i32
      %add3A_86 = arith.constant 1 : i32
      %add3A_87 = arith.addi %select_n3A_75, %add3A_86 : i32
      %select_n3A_88 = arith.constant true
      %select_n3A_89 = arith.select %select_n3A_88, %add3A_87, %select_n3A_75 : i32
      %eq3A_90 = arith.constant 2 : i32
      %eq3A_91 = arith.cmpi eq, %select_n3A_89, %eq3A_90 : i32
      %select_n3A_92 = arith.constant 0 : i32
      %select_n3A_93 = arith.select %eq3A_91, %select_n3A_92, %select_n3A_89 : i32
      %add3A_94 = arith.addi %select_n3A_93, %mul3A_6 : i32
      %add3A_95 = arith.constant 1 : i32
      %add3A_96 = arith.addi %select_n3A_93, %add3A_95 : i32
      %select_n3A_97 = arith.constant true
      %select_n3A_98 = arith.select %select_n3A_97, %add3A_96, %select_n3A_93 : i32
      %eq3A_99 = arith.constant 2 : i32
      %eq3A_100 = arith.cmpi eq, %select_n3A_98, %eq3A_99 : i32
      %select_n3A_101 = arith.constant 0 : i32
      %select_n3A_102 = arith.select %eq3A_100, %select_n3A_101, %select_n3A_98 : i32
      %add3A_103 = arith.addi %select_n3A_102, %mul3A_6 : i32
      "tpu.trace_start"() <{level = 10 : i32, message = "ep_finalize"}> : () -> ()
      %rem3A_104 = arith.constant 2 : i32
      %rem3A_105 = arith.remui %scan3A_67#3, %rem3A_104 : i32
      %mul3A_106 = arith.constant 128 : i32
      %mul3A_107 = arith.muli %mul3A_106, %add3A_76 : i32
      %dma_wait3A = arith.constant 0 : i32
      %dma_wait3A_108 = arith.constant 0 : i32
      %dma_wait3A_109 = tpu.memref_slice %run_scoped3A_8[%rem3A_105, %dma_wait3A, %dma_wait3A_108] : memref<2x128x128xf32, #tpu.memory_space<vmem>> -> memref<1x128x128xf32, #tpu.memory_space<vmem>>
      %dma_wait3A_110 = tpu.memref_squeeze %dma_wait3A_109 : memref<1x128x128xf32, #tpu.memory_space<vmem>> -> memref<128x128xf32, #tpu.memory_space<vmem>>
      %dma_wait3A_111 = arith.constant 0 : i32
      %dma_wait3A_112 = tpu.memref_slice %arg4[%mul3A_107, %dma_wait3A_111] : memref<8192x128xf32, #tpu.memory_space<hbm>> -> memref<128x128xf32, #tpu.memory_space<hbm>>
      %dma_wait3A_113 = tpu.memref_slice %run_scoped3A_9[%rem3A_105] : memref<2x!tpu.dma_semaphore, #tpu.memory_space<semaphore_mem>> -> memref<1x!tpu.dma_semaphore, #tpu.memory_space<semaphore_mem>>
      %dma_wait3A_114 = tpu.memref_squeeze %dma_wait3A_113 : memref<1x!tpu.dma_semaphore, #tpu.memory_space<semaphore_mem>> -> memref<!tpu.dma_semaphore, #tpu.memory_space<semaphore_mem>>
      %dma_wait3A_115 = arith.constant 0 : i32
      %dma_wait3A_116 = tpu.memref_slice %arg4[%mul3A_107, %dma_wait3A_115] : memref<8192x128xf32, #tpu.memory_space<hbm>> -> memref<128x128xf32, #tpu.memory_space<hbm>>
      %dma_wait3A_117 = arith.constant 0 : i32
      %dma_wait3A_118 = arith.constant 0 : i32
      %dma_wait3A_119 = tpu.memref_slice %run_scoped3A_8[%rem3A_105, %dma_wait3A_117, %dma_wait3A_118] : memref<2x128x128xf32, #tpu.memory_space<vmem>> -> memref<1x128x128xf32, #tpu.memory_space<vmem>>
      %dma_wait3A_120 = tpu.memref_squeeze %dma_wait3A_119 : memref<1x128x128xf32, #tpu.memory_space<vmem>> -> memref<128x128xf32, #tpu.memory_space<vmem>>
      tpu.wait_dma2 semaphore(%dma_wait3A_114 : memref<!tpu.dma_semaphore, #tpu.memory_space<semaphore_mem>>) src(%dma_wait3A_120 : memref<128x128xf32, #tpu.memory_space<vmem>>) dst(%dma_wait3A_116 : memref<128x128xf32, #tpu.memory_space<hbm>>)
      "tpu.trace_stop"() : () -> ()
      tpu.yield
    }) : () -> ()
    return
  }
}

#map = affine_map<(d0, d1) -> (0, 0)>
module attributes {stable_mosaic.version = 14 : i64} {
  func.func @k(%arg0: i32, %arg1: i32, %arg2: memref<1024x128xf32, #tpu.memory_space<hbm>>, %arg3: memref<1x8192xi32, #tpu.memory_space<hbm>>, %arg4: memref<8192x128xf32, #tpu.memory_space<hbm>>) attributes {dimension_semantics = [#tpu.dimension_semantics<core_parallel>, #tpu.dimension_semantics<subcore_parallel>], iteration_bounds = array<i64: 2, 16>, scalar_prefetch = 0 : i64, scratch_operands = 0 : i64, tpu.core_type = #tpu.core_type<sc_vector_subcore>, window_params = [{transform_indices = #map}, {transform_indices = #map}, {transform_indices = #map}]} {
    %mul3A = arith.constant 1 : i32
    %mul3A_0 = arith.muli %arg1, %mul3A : i32
    %add3A = arith.constant 0 : i32
    %add3A_1 = arith.addi %add3A, %mul3A_0 : i32
    %mul3A_2 = arith.constant 16 : i32
    %mul3A_3 = arith.muli %arg0, %mul3A_2 : i32
    %add3A_4 = arith.addi %add3A_1, %mul3A_3 : i32
    %mul3A_5 = arith.constant 2 : i32
    %mul3A_6 = arith.muli %add3A_4, %mul3A_5 : i32
    "tpu.region"() ({
      %run_scoped3A = memref.alloca() : memref<2x1x128xi32, #tpu.memory_space<vmem>>
      %run_scoped3A_7 = tpu.sem_alloc : memref<2x!tpu.dma_semaphore, #tpu.memory_space<semaphore_mem>>
      %run_scoped3A_8 = memref.alloca() : memref<2x128x128xf32, #tpu.memory_space<vmem>>
      %run_scoped3A_9 = tpu.sem_alloc : memref<2x!tpu.dma_semaphore, #tpu.memory_space<semaphore_mem>>
      %add3A_10 = arith.constant 0 : i32
      %add3A_11 = arith.addi %add3A_10, %mul3A_6 : i32
      %select_n3A = arith.constant true
      %select_n3A_12 = arith.constant 0 : i32
      %select_n3A_13 = arith.constant -1 : i32
      %select_n3A_14 = arith.select %select_n3A, %select_n3A_13, %select_n3A_12 : i32
      %eq3A = arith.constant -1 : i32
      %eq3A_15 = arith.cmpi eq, %select_n3A_14, %eq3A : i32
      %select_n3A_16 = arith.constant 1 : i32
      %select_n3A_17 = arith.select %eq3A_15, %select_n3A_16, %select_n3A_14 : i32
      %add3A_18 = arith.addi %select_n3A_17, %mul3A_6 : i32
      %select_n3A_19 = arith.constant true
      %select_n3A_20 = arith.constant 0 : i32
      %select_n3A_21 = arith.constant 1 : i32
      %select_n3A_22 = arith.select %select_n3A_19, %select_n3A_21, %select_n3A_20 : i32
      %eq3A_23 = arith.constant 2 : i32
      %eq3A_24 = arith.cmpi eq, %select_n3A_22, %eq3A_23 : i32
      %select_n3A_25 = arith.constant 0 : i32
      %select_n3A_26 = arith.select %eq3A_24, %select_n3A_25, %select_n3A_22 : i32
      %add3A_27 = arith.addi %select_n3A_26, %mul3A_6 : i32
      %add3A_28 = arith.constant 1 : i32
      %add3A_29 = arith.addi %select_n3A_26, %add3A_28 : i32
      %select_n3A_30 = arith.constant true
      %select_n3A_31 = arith.select %select_n3A_30, %add3A_29, %select_n3A_26 : i32
      %eq3A_32 = arith.constant 2 : i32
      %eq3A_33 = arith.cmpi eq, %select_n3A_31, %eq3A_32 : i32
      %select_n3A_34 = arith.constant 0 : i32
      %select_n3A_35 = arith.select %eq3A_33, %select_n3A_34, %select_n3A_31 : i32
      %add3A_36 = arith.addi %select_n3A_35, %mul3A_6 : i32
      "tpu.trace_start"() <{level = 10 : i32, message = "ep_initialize_0"}> : () -> ()
      %rem3A = arith.constant 0 : i32
      %rem3A_37 = arith.constant 2 : i32
      %rem3A_38 = arith.remui %rem3A, %rem3A_37 : i32
      %mul3A_39 = arith.constant 128 : i32
      %mul3A_40 = arith.muli %mul3A_39, %add3A_11 : i32
      %dma_start3A = arith.constant 0 : i32
      %dma_start3A_41 = arith.constant 0 : i32
      %dma_start3A_42 = tpu.memref_slice %run_scoped3A[%rem3A_38, %dma_start3A, %dma_start3A_41] : memref<2x1x128xi32, #tpu.memory_space<vmem>> -> memref<1x1x128xi32, #tpu.memory_space<vmem>>
      %dma_start3A_43 = tpu.memref_squeeze %dma_start3A_42 : memref<1x1x128xi32, #tpu.memory_space<vmem>> -> memref<1x128xi32, #tpu.memory_space<vmem>>
      %dma_start3A_44 = arith.constant 0 : i32
      %dma_start3A_45 = tpu.memref_slice %arg3[%dma_start3A_44, %mul3A_40] : memref<1x8192xi32, #tpu.memory_space<hbm>> -> memref<1x128xi32, #tpu.memory_space<hbm>>
      %dma_start3A_46 = tpu.memref_slice %run_scoped3A_7[%rem3A_38] : memref<2x!tpu.dma_semaphore, #tpu.memory_space<semaphore_mem>> -> memref<1x!tpu.dma_semaphore, #tpu.memory_space<semaphore_mem>>
      %dma_start3A_47 = tpu.memref_squeeze %dma_start3A_46 : memref<1x!tpu.dma_semaphore, #tpu.memory_space<semaphore_mem>> -> memref<!tpu.dma_semaphore, #tpu.memory_space<semaphore_mem>>
      %dma_start3A_48 = arith.constant 0 : i32
      %dma_start3A_49 = arith.constant 0 : i32
      %dma_start3A_50 = tpu.memref_slice %run_scoped3A[%rem3A_38, %dma_start3A_48, %dma_start3A_49] : memref<2x1x128xi32, #tpu.memory_space<vmem>> -> memref<1x1x128xi32, #tpu.memory_space<vmem>>
      %dma_start3A_51 = tpu.memref_squeeze %dma_start3A_50 : memref<1x1x128xi32, #tpu.memory_space<vmem>> -> memref<1x128xi32, #tpu.memory_space<vmem>>
      %dma_start3A_52 = arith.constant 0 : i32
      %dma_start3A_53 = tpu.memref_slice %arg3[%dma_start3A_52, %mul3A_40] : memref<1x8192xi32, #tpu.memory_space<hbm>> -> memref<1x128xi32, #tpu.memory_space<hbm>>
      tpu.enqueue_dma source(%dma_start3A_53 : memref<1x128xi32, #tpu.memory_space<hbm>>) target(%dma_start3A_51 : memref<1x128xi32, #tpu.memory_space<vmem>>) target_semaphore(%dma_start3A_47 : memref<!tpu.dma_semaphore, #tpu.memory_space<semaphore_mem>>)
      %add3A_54 = arith.constant 0 : i32
      %add3A_55 = arith.constant 1 : i32
      %add3A_56 = arith.addi %add3A_54, %add3A_55 : i32
      %select_n3A_57 = arith.constant true
      %select_n3A_58 = arith.constant 0 : i32
      %select_n3A_59 = arith.select %select_n3A_57, %add3A_56, %select_n3A_58 : i32
      "tpu.trace_stop"() : () -> ()
      %scan3A = arith.constant 0 : i32
      %scan3A_60 = arith.constant 0 : i32
      %scan3A_61 = arith.constant 0 : i32
      %scan3A_62 = arith.constant 0 : i32
      %scan3A_63 = arith.constant 0 : i32
      %scan3A_64 = arith.constant 2 : i32
      %scan3A_65 = arith.addi %scan3A_63, %scan3A_64 : i32
      %scan3A_66 = arith.constant 1 : i32
      %scan3A_67:5 = scf.for %scan3A_121 = %scan3A_63 to %scan3A_65 step %scan3A_66 iter_args(%scan3A_122 = %select_n3A_59, %scan3A_123 = %scan3A, %scan3A_124 = %scan3A_60, %scan3A_125 = %scan3A_61, %scan3A_126 = %scan3A_62) -> (i32, i32, i32, i32, i32)  : i32 {
        %eq3A_127 = arith.constant 0 : i32
        %eq3A_128 = arith.cmpi eq, %scan3A_121, %eq3A_127 : i32
        %eq3A_129 = arith.constant 1 : i32
        %eq3A_130 = arith.cmpi eq, %scan3A_121, %eq3A_129 : i32
        %add3A_131 = arith.addi %scan3A_126, %mul3A_6 : i32
        %sub3A_132 = arith.constant 1 : i32
        %sub3A_133 = arith.subi %scan3A_126, %sub3A_132 : i32
        %select_n3A_134 = arith.constant true
        %select_n3A_135 = arith.select %select_n3A_134, %sub3A_133, %scan3A_126 : i32
        %eq3A_136 = arith.constant -1 : i32
        %eq3A_137 = arith.cmpi eq, %select_n3A_135, %eq3A_136 : i32
        %select_n3A_138 = arith.constant 1 : i32
        %select_n3A_139 = arith.select %eq3A_137, %select_n3A_138, %select_n3A_135 : i32
        %add3A_140 = arith.addi %select_n3A_139, %mul3A_6 : i32
        %add3A_141 = arith.constant 1 : i32
        %add3A_142 = arith.addi %scan3A_126, %add3A_141 : i32
        %select_n3A_143 = arith.constant true
        %select_n3A_144 = arith.select %select_n3A_143, %add3A_142, %scan3A_126 : i32
        %eq3A_145 = arith.constant 2 : i32
        %eq3A_146 = arith.cmpi eq, %select_n3A_144, %eq3A_145 : i32
        %select_n3A_147 = arith.constant 0 : i32
        %select_n3A_148 = arith.select %eq3A_146, %select_n3A_147, %select_n3A_144 : i32
        %add3A_149 = arith.addi %select_n3A_148, %mul3A_6 : i32
        %add3A_150 = arith.constant 1 : i32
        %add3A_151 = arith.addi %select_n3A_148, %add3A_150 : i32
        %select_n3A_152 = arith.constant true
        %select_n3A_153 = arith.select %select_n3A_152, %add3A_151, %select_n3A_148 : i32
        %eq3A_154 = arith.constant 2 : i32
        %eq3A_155 = arith.cmpi eq, %select_n3A_153, %eq3A_154 : i32
        %select_n3A_156 = arith.constant 0 : i32
        %select_n3A_157 = arith.select %eq3A_155, %select_n3A_156, %select_n3A_153 : i32
        %add3A_158 = arith.addi %select_n3A_157, %mul3A_6 : i32
        %ne3A = arith.cmpi ne, %add3A_131, %add3A_149 : i32
        %or3A = arith.constant false
        %or3A_159 = arith.ori %or3A, %ne3A : i1
        %ge3A = arith.constant 1 : i32
        %ge3A_160 = arith.cmpi sge, %scan3A_121, %ge3A : i32
        %not3A = arith.constant true
        %not3A_161 = arith.xori %ge3A_160, %not3A : i1
        %and3A = arith.andi %or3A_159, %not3A_161 : i1
        %convert_element_type3A = arith.extui %and3A : i1 to i32
        %cond3A = arith.constant 0 : i32
        %cond3A_162 = arith.cmpi ne, %convert_element_type3A, %cond3A : i32
        scf.if %cond3A_162 {
          "tpu.trace_start"() <{level = 10 : i32, message = "ep_copy_in"}> : () -> ()
          %rem3A_264 = arith.constant 2 : i32
          %rem3A_265 = arith.remui %scan3A_122, %rem3A_264 : i32
          %mul3A_266 = arith.constant 128 : i32
          %mul3A_267 = arith.muli %mul3A_266, %add3A_149 : i32
          %dma_start3A_268 = arith.constant 0 : i32
          %dma_start3A_269 = arith.constant 0 : i32
          %dma_start3A_270 = tpu.memref_slice %run_scoped3A[%rem3A_265, %dma_start3A_268, %dma_start3A_269] : memref<2x1x128xi32, #tpu.memory_space<vmem>> -> memref<1x1x128xi32, #tpu.memory_space<vmem>>
          %dma_start3A_271 = tpu.memref_squeeze %dma_start3A_270 : memref<1x1x128xi32, #tpu.memory_space<vmem>> -> memref<1x128xi32, #tpu.memory_space<vmem>>
          %dma_start3A_272 = arith.constant 0 : i32
          %dma_start3A_273 = tpu.memref_slice %arg3[%dma_start3A_272, %mul3A_267] : memref<1x8192xi32, #tpu.memory_space<hbm>> -> memref<1x128xi32, #tpu.memory_space<hbm>>
          %dma_start3A_274 = tpu.memref_slice %run_scoped3A_7[%rem3A_265] : memref<2x!tpu.dma_semaphore, #tpu.memory_space<semaphore_mem>> -> memref<1x!tpu.dma_semaphore, #tpu.memory_space<semaphore_mem>>
          %dma_start3A_275 = tpu.memref_squeeze %dma_start3A_274 : memref<1x!tpu.dma_semaphore, #tpu.memory_space<semaphore_mem>> -> memref<!tpu.dma_semaphore, #tpu.memory_space<semaphore_mem>>
          %dma_start3A_276 = arith.constant 0 : i32
          %dma_start3A_277 = arith.constant 0 : i32
          %dma_start3A_278 = tpu.memref_slice %run_scoped3A[%rem3A_265, %dma_start3A_276, %dma_start3A_277] : memref<2x1x128xi32, #tpu.memory_space<vmem>> -> memref<1x1x128xi32, #tpu.memory_space<vmem>>
          %dma_start3A_279 = tpu.memref_squeeze %dma_start3A_278 : memref<1x1x128xi32, #tpu.memory_space<vmem>> -> memref<1x128xi32, #tpu.memory_space<vmem>>
          %dma_start3A_280 = arith.constant 0 : i32
          %dma_start3A_281 = tpu.memref_slice %arg3[%dma_start3A_280, %mul3A_267] : memref<1x8192xi32, #tpu.memory_space<hbm>> -> memref<1x128xi32, #tpu.memory_space<hbm>>
          tpu.enqueue_dma source(%dma_start3A_281 : memref<1x128xi32, #tpu.memory_space<hbm>>) target(%dma_start3A_279 : memref<1x128xi32, #tpu.memory_space<vmem>>) target_semaphore(%dma_start3A_275 : memref<!tpu.dma_semaphore, #tpu.memory_space<semaphore_mem>>)
          "tpu.trace_stop"() : () -> ()
        } else {
        }
        %and3A_163 = arith.constant true
        %and3A_164 = arith.andi %and3A, %and3A_163 : i1
        %add3A_165 = arith.constant 1 : i32
        %add3A_166 = arith.addi %scan3A_122, %add3A_165 : i32
        %select_n3A_167 = arith.select %and3A_164, %add3A_166, %scan3A_122 : i32
        %ne3A_168 = arith.cmpi ne, %add3A_131, %add3A_149 : i32
        %or3A_169 = arith.constant false
        %or3A_170 = arith.ori %or3A_169, %ne3A_168 : i1
        %or3A_171 = arith.constant false
        %or3A_172 = arith.ori %or3A_170, %or3A_171 : i1
        %ge3A_173 = arith.constant 1 : i32
        %ge3A_174 = arith.cmpi sge, %scan3A_121, %ge3A_173 : i32
        %not3A_175 = arith.constant true
        %not3A_176 = arith.xori %ge3A_174, %not3A_175 : i1
        %and3A_177 = arith.andi %or3A_172, %not3A_176 : i1
        %ne3A_178 = arith.cmpi ne, %add3A_131, %add3A_140 : i32
        %or3A_179 = arith.constant false
        %or3A_180 = arith.ori %or3A_179, %ne3A_178 : i1
        %or3A_181 = arith.ori %or3A_180, %eq3A_128 : i1
        %convert_element_type3A_182 = arith.extui %or3A_181 : i1 to i32
        %cond3A_183 = arith.constant 0 : i32
        %cond3A_184 = arith.cmpi ne, %convert_element_type3A_182, %cond3A_183 : i32
        scf.if %cond3A_184 {
          "tpu.trace_start"() <{level = 10 : i32, message = "ep_wait_in"}> : () -> ()
          %mul3A_264 = arith.constant 128 : i32
          %mul3A_265 = arith.muli %mul3A_264, %add3A_131 : i32
          %rem3A_266 = arith.constant 2 : i32
          %rem3A_267 = arith.remui %scan3A_123, %rem3A_266 : i32
          %dma_wait3A_268 = arith.constant 0 : i32
          %dma_wait3A_269 = arith.constant 0 : i32
          %dma_wait3A_270 = tpu.memref_slice %run_scoped3A[%rem3A_267, %dma_wait3A_268, %dma_wait3A_269] : memref<2x1x128xi32, #tpu.memory_space<vmem>> -> memref<1x1x128xi32, #tpu.memory_space<vmem>>
          %dma_wait3A_271 = tpu.memref_squeeze %dma_wait3A_270 : memref<1x1x128xi32, #tpu.memory_space<vmem>> -> memref<1x128xi32, #tpu.memory_space<vmem>>
          %dma_wait3A_272 = arith.constant 0 : i32
          %dma_wait3A_273 = tpu.memref_slice %arg3[%dma_wait3A_272, %mul3A_265] : memref<1x8192xi32, #tpu.memory_space<hbm>> -> memref<1x128xi32, #tpu.memory_space<hbm>>
          %dma_wait3A_274 = tpu.memref_slice %run_scoped3A_7[%rem3A_267] : memref<2x!tpu.dma_semaphore, #tpu.memory_space<semaphore_mem>> -> memref<1x!tpu.dma_semaphore, #tpu.memory_space<semaphore_mem>>
          %dma_wait3A_275 = tpu.memref_squeeze %dma_wait3A_274 : memref<1x!tpu.dma_semaphore, #tpu.memory_space<semaphore_mem>> -> memref<!tpu.dma_semaphore, #tpu.memory_space<semaphore_mem>>
          %dma_wait3A_276 = arith.constant 0 : i32
          %dma_wait3A_277 = arith.constant 0 : i32
          %dma_wait3A_278 = tpu.memref_slice %run_scoped3A[%rem3A_267, %dma_wait3A_276, %dma_wait3A_277] : memref<2x1x128xi32, #tpu.memory_space<vmem>> -> memref<1x1x128xi32, #tpu.memory_space<vmem>>
          %dma_wait3A_279 = tpu.memref_squeeze %dma_wait3A_278 : memref<1x1x128xi32, #tpu.memory_space<vmem>> -> memref<1x128xi32, #tpu.memory_space<vmem>>
          %dma_wait3A_280 = arith.constant 0 : i32
          %dma_wait3A_281 = tpu.memref_slice %arg3[%dma_wait3A_280, %mul3A_265] : memref<1x8192xi32, #tpu.memory_space<hbm>> -> memref<1x128xi32, #tpu.memory_space<hbm>>
          tpu.wait_dma2 semaphore(%dma_wait3A_275 : memref<!tpu.dma_semaphore, #tpu.memory_space<semaphore_mem>>) src(%dma_wait3A_281 : memref<1x128xi32, #tpu.memory_space<hbm>>) dst(%dma_wait3A_279 : memref<1x128xi32, #tpu.memory_space<vmem>>)
          "tpu.trace_stop"() : () -> ()
        } else {
        }
        %ne3A_185 = arith.cmpi ne, %add3A_131, %add3A_140 : i32
        %or3A_186 = arith.constant false
        %or3A_187 = arith.ori %or3A_186, %ne3A_185 : i1
        %or3A_188 = arith.constant false
        %or3A_189 = arith.ori %or3A_187, %or3A_188 : i1
        %or3A_190 = arith.ori %or3A_189, %eq3A_128 : i1
        %convert_element_type3A_191 = arith.extui %or3A_190 : i1 to i32
        %cond3A_192 = arith.constant 0 : i32
        %cond3A_193 = arith.cmpi ne, %convert_element_type3A_191, %cond3A_192 : i32
        scf.if %cond3A_193 {
        } else {
        }
        %rem3A_194 = arith.constant 2 : i32
        %rem3A_195 = arith.remui %scan3A_123, %rem3A_194 : i32
        %rem3A_196 = arith.constant 2 : i32
        %rem3A_197 = arith.remui %scan3A_124, %rem3A_196 : i32
        %run_scoped3A_198 = arith.constant 0 : i32
        "tpu.trace_start"() <{level = 10 : i32, message = "ep_run_kernel"}> : () -> ()
        "tpu.region"() ({
          %run_scoped3A_264 = tpu.sem_alloc : memref<!tpu.dma_semaphore, #tpu.memory_space<semaphore_mem>>
          %dma_start3A_265 = arith.constant 0 : i32
          %dma_start3A_266 = arith.constant 0 : i32
          %dma_start3A_267 = tpu.memref_slice %run_scoped3A_8[%rem3A_197, %dma_start3A_265, %dma_start3A_266] : memref<2x128x128xf32, #tpu.memory_space<vmem>> -> memref<1x128x128xf32, #tpu.memory_space<vmem>>
          %dma_start3A_268 = tpu.memref_squeeze %dma_start3A_267 : memref<1x128x128xf32, #tpu.memory_space<vmem>> -> memref<128x128xf32, #tpu.memory_space<vmem>>
          %dma_start3A_269 = arith.constant 0 : i32
          %dma_start3A_270 = arith.constant 0 : i32
          %dma_start3A_271 = tpu.memref_slice %run_scoped3A[%rem3A_195, %dma_start3A_269, %dma_start3A_270] : memref<2x1x128xi32, #tpu.memory_space<vmem>> -> memref<1x1x128xi32, #tpu.memory_space<vmem>>
          %dma_start3A_272 = tpu.memref_squeeze %dma_start3A_271 : memref<1x1x128xi32, #tpu.memory_space<vmem>> -> memref<1x128xi32, #tpu.memory_space<vmem>>
          %dma_start3A_273 = arith.constant 0 : i32
          %dma_start3A_274 = tpu.memref_slice %dma_start3A_272[%run_scoped3A_198, %dma_start3A_273] : memref<1x128xi32, #tpu.memory_space<vmem>> -> memref<1x128xi32, #tpu.memory_space<vmem>>
          %dma_start3A_275 = tpu.memref_squeeze %dma_start3A_274 : memref<1x128xi32, #tpu.memory_space<vmem>> -> memref<128xi32, #tpu.memory_space<vmem>>
          %dma_start3A_276 = arith.constant 0 : i32
          %dma_start3A_277 = arith.constant 0 : i32
          %dma_start3A_278 = tpu.memref_slice %arg2[%dma_start3A_276, %dma_start3A_277] : memref<1024x128xf32, #tpu.memory_space<hbm>> -> memref<1024x128xf32, #tpu.memory_space<hbm>>
          tpu.enqueue_indirect_dma source(%dma_start3A_278 : memref<1024x128xf32, #tpu.memory_space<hbm>>) target(%dma_start3A_268 : memref<128x128xf32, #tpu.memory_space<vmem>>) offsets(%dma_start3A_275 : memref<128xi32, #tpu.memory_space<vmem>>) semaphore(%run_scoped3A_264 : memref<!tpu.dma_semaphore, #tpu.memory_space<semaphore_mem>>)
          %dma_wait3A_279 = arith.constant 0 : i32
          %dma_wait3A_280 = arith.constant 0 : i32
          %dma_wait3A_281 = tpu.memref_slice %run_scoped3A_8[%rem3A_197, %dma_wait3A_279, %dma_wait3A_280] : memref<2x128x128xf32, #tpu.memory_space<vmem>> -> memref<1x128x128xf32, #tpu.memory_space<vmem>>
          %dma_wait3A_282 = tpu.memref_squeeze %dma_wait3A_281 : memref<1x128x128xf32, #tpu.memory_space<vmem>> -> memref<128x128xf32, #tpu.memory_space<vmem>>
          %dma_wait3A_283 = arith.constant 0 : i32
          %dma_wait3A_284 = arith.constant 0 : i32
          %dma_wait3A_285 = tpu.memref_slice %run_scoped3A[%rem3A_195, %dma_wait3A_283, %dma_wait3A_284] : memref<2x1x128xi32, #tpu.memory_space<vmem>> -> memref<1x1x128xi32, #tpu.memory_space<vmem>>
          %dma_wait3A_286 = tpu.memref_squeeze %dma_wait3A_285 : memref<1x1x128xi32, #tpu.memory_space<vmem>> -> memref<1x128xi32, #tpu.memory_space<vmem>>
          %dma_wait3A_287 = arith.constant 0 : i32
          %dma_wait3A_288 = tpu.memref_slice %dma_wait3A_286[%run_scoped3A_198, %dma_wait3A_287] : memref<1x128xi32, #tpu.memory_space<vmem>> -> memref<1x128xi32, #tpu.memory_space<vmem>>
          %dma_wait3A_289 = tpu.memref_squeeze %dma_wait3A_288 : memref<1x128xi32, #tpu.memory_space<vmem>> -> memref<128xi32, #tpu.memory_space<vmem>>
          %dma_wait3A_290 = arith.constant 0 : i32
          %dma_wait3A_291 = arith.constant 0 : i32
          %dma_wait3A_292 = tpu.memref_slice %arg2[%dma_wait3A_290, %dma_wait3A_291] : memref<1024x128xf32, #tpu.memory_space<hbm>> -> memref<1024x128xf32, #tpu.memory_space<hbm>>
          tpu.wait_indirect_dma semaphore(%run_scoped3A_264 : memref<!tpu.dma_semaphore, #tpu.memory_space<semaphore_mem>>) src(%dma_wait3A_292 : memref<1024x128xf32, #tpu.memory_space<hbm>>) dst(%dma_wait3A_282 : memref<128x128xf32, #tpu.memory_space<vmem>>)
          tpu.yield
        }) : () -> ()
        "tpu.trace_stop"() : () -> ()
        %ne3A_199 = arith.cmpi ne, %add3A_131, %add3A_149 : i32
        %or3A_200 = arith.constant false
        %or3A_201 = arith.ori %or3A_200, %ne3A_199 : i1
        %or3A_202 = arith.ori %or3A_201, %eq3A_130 : i1
        %convert_element_type3A_203 = arith.extui %or3A_202 : i1 to i32
        %cond3A_204 = arith.constant 0 : i32
        %cond3A_205 = arith.cmpi ne, %convert_element_type3A_203, %cond3A_204 : i32
        scf.if %cond3A_205 {
        } else {
        }
        %and3A_206 = arith.constant false
        %and3A_207 = arith.andi %or3A_202, %and3A_206 : i1
        %ne3A_208 = arith.cmpi ne, %add3A_131, %add3A_149 : i32
        %or3A_209 = arith.constant false
        %or3A_210 = arith.ori %or3A_209, %ne3A_208 : i1
        %or3A_211 = arith.constant false
        %or3A_212 = arith.ori %or3A_210, %or3A_211 : i1
        %or3A_213 = arith.ori %or3A_212, %eq3A_130 : i1
        %convert_element_type3A_214 = arith.extui %or3A_213 : i1 to i32
        %cond3A_215 = arith.constant 0 : i32
        %cond3A_216 = arith.cmpi ne, %convert_element_type3A_214, %cond3A_215 : i32
        scf.if %cond3A_216 {
          "tpu.trace_start"() <{level = 10 : i32, message = "ep_copy_out"}> : () -> ()
          %rem3A_264 = arith.constant 2 : i32
          %rem3A_265 = arith.remui %scan3A_124, %rem3A_264 : i32
          %mul3A_266 = arith.constant 128 : i32
          %mul3A_267 = arith.muli %mul3A_266, %add3A_131 : i32
          %dma_start3A_268 = arith.constant 0 : i32
          %dma_start3A_269 = arith.constant 0 : i32
          %dma_start3A_270 = tpu.memref_slice %run_scoped3A_8[%rem3A_265, %dma_start3A_268, %dma_start3A_269] : memref<2x128x128xf32, #tpu.memory_space<vmem>> -> memref<1x128x128xf32, #tpu.memory_space<vmem>>
          %dma_start3A_271 = tpu.memref_squeeze %dma_start3A_270 : memref<1x128x128xf32, #tpu.memory_space<vmem>> -> memref<128x128xf32, #tpu.memory_space<vmem>>
          %dma_start3A_272 = arith.constant 0 : i32
          %dma_start3A_273 = tpu.memref_slice %arg4[%mul3A_267, %dma_start3A_272] : memref<8192x128xf32, #tpu.memory_space<hbm>> -> memref<128x128xf32, #tpu.memory_space<hbm>>
          %dma_start3A_274 = tpu.memref_slice %run_scoped3A_9[%rem3A_265] : memref<2x!tpu.dma_semaphore, #tpu.memory_space<semaphore_mem>> -> memref<1x!tpu.dma_semaphore, #tpu.memory_space<semaphore_mem>>
          %dma_start3A_275 = tpu.memref_squeeze %dma_start3A_274 : memref<1x!tpu.dma_semaphore, #tpu.memory_space<semaphore_mem>> -> memref<!tpu.dma_semaphore, #tpu.memory_space<semaphore_mem>>
          %dma_start3A_276 = arith.constant 0 : i32
          %dma_start3A_277 = tpu.memref_slice %arg4[%mul3A_267, %dma_start3A_276] : memref<8192x128xf32, #tpu.memory_space<hbm>> -> memref<128x128xf32, #tpu.memory_space<hbm>>
          %dma_start3A_278 = arith.constant 0 : i32
          %dma_start3A_279 = arith.constant 0 : i32
          %dma_start3A_280 = tpu.memref_slice %run_scoped3A_8[%rem3A_265, %dma_start3A_278, %dma_start3A_279] : memref<2x128x128xf32, #tpu.memory_space<vmem>> -> memref<1x128x128xf32, #tpu.memory_space<vmem>>
          %dma_start3A_281 = tpu.memref_squeeze %dma_start3A_280 : memref<1x128x128xf32, #tpu.memory_space<vmem>> -> memref<128x128xf32, #tpu.memory_space<vmem>>
          tpu.enqueue_dma source(%dma_start3A_281 : memref<128x128xf32, #tpu.memory_space<vmem>>) target(%dma_start3A_277 : memref<128x128xf32, #tpu.memory_space<hbm>>) target_semaphore(%dma_start3A_275 : memref<!tpu.dma_semaphore, #tpu.memory_space<semaphore_mem>>)
          "tpu.trace_stop"() : () -> ()
        } else {
        }
        %and3A_217 = arith.constant true
        %and3A_218 = arith.andi %or3A_213, %and3A_217 : i1
        %add3A_219 = arith.constant 1 : i32
        %add3A_220 = arith.addi %scan3A_124, %add3A_219 : i32
        %select_n3A_221 = arith.select %and3A_218, %add3A_220, %scan3A_124 : i32
        %ne3A_222 = arith.cmpi ne, %add3A_131, %add3A_140 : i32
        %or3A_223 = arith.constant false
        %or3A_224 = arith.ori %or3A_223, %ne3A_222 : i1
        %not3A_225 = arith.constant true
        %not3A_226 = arith.xori %eq3A_128, %not3A_225 : i1
        %and3A_227 = arith.andi %or3A_224, %not3A_226 : i1
        %convert_element_type3A_228 = arith.extui %and3A_227 : i1 to i32
        %cond3A_229 = arith.constant 0 : i32
        %cond3A_230 = arith.cmpi ne, %convert_element_type3A_228, %cond3A_229 : i32
        scf.if %cond3A_230 {
        } else {
        }
        %and3A_231 = arith.constant false
        %and3A_232 = arith.andi %and3A_227, %and3A_231 : i1
        %ne3A_233 = arith.cmpi ne, %add3A_131, %add3A_140 : i32
        %or3A_234 = arith.constant false
        %or3A_235 = arith.ori %or3A_234, %ne3A_233 : i1
        %or3A_236 = arith.constant false
        %or3A_237 = arith.ori %or3A_235, %or3A_236 : i1
        %not3A_238 = arith.constant true
        %not3A_239 = arith.xori %eq3A_128, %not3A_238 : i1
        %and3A_240 = arith.andi %or3A_237, %not3A_239 : i1
        %convert_element_type3A_241 = arith.extui %and3A_240 : i1 to i32
        %cond3A_242 = arith.constant 0 : i32
        %cond3A_243 = arith.cmpi ne, %convert_element_type3A_241, %cond3A_242 : i32
        scf.if %cond3A_243 {
          "tpu.trace_start"() <{level = 10 : i32, message = "ep_wait_out"}> : () -> ()
          %rem3A_264 = arith.constant 2 : i32
          %rem3A_265 = arith.remui %scan3A_125, %rem3A_264 : i32
          %mul3A_266 = arith.constant 128 : i32
          %mul3A_267 = arith.muli %mul3A_266, %add3A_140 : i32
          %dma_wait3A_268 = arith.constant 0 : i32
          %dma_wait3A_269 = arith.constant 0 : i32
          %dma_wait3A_270 = tpu.memref_slice %run_scoped3A_8[%rem3A_265, %dma_wait3A_268, %dma_wait3A_269] : memref<2x128x128xf32, #tpu.memory_space<vmem>> -> memref<1x128x128xf32, #tpu.memory_space<vmem>>
          %dma_wait3A_271 = tpu.memref_squeeze %dma_wait3A_270 : memref<1x128x128xf32, #tpu.memory_space<vmem>> -> memref<128x128xf32, #tpu.memory_space<vmem>>
          %dma_wait3A_272 = arith.constant 0 : i32
          %dma_wait3A_273 = tpu.memref_slice %arg4[%mul3A_267, %dma_wait3A_272] : memref<8192x128xf32, #tpu.memory_space<hbm>> -> memref<128x128xf32, #tpu.memory_space<hbm>>
          %dma_wait3A_274 = tpu.memref_slice %run_scoped3A_9[%rem3A_265] : memref<2x!tpu.dma_semaphore, #tpu.memory_space<semaphore_mem>> -> memref<1x!tpu.dma_semaphore, #tpu.memory_space<semaphore_mem>>
          %dma_wait3A_275 = tpu.memref_squeeze %dma_wait3A_274 : memref<1x!tpu.dma_semaphore, #tpu.memory_space<semaphore_mem>> -> memref<!tpu.dma_semaphore, #tpu.memory_space<semaphore_mem>>
          %dma_wait3A_276 = arith.constant 0 : i32
          %dma_wait3A_277 = tpu.memref_slice %arg4[%mul3A_267, %dma_wait3A_276] : memref<8192x128xf32, #tpu.memory_space<hbm>> -> memref<128x128xf32, #tpu.memory_space<hbm>>
          %dma_wait3A_278 = arith.constant 0 : i32
          %dma_wait3A_279 = arith.constant 0 : i32
          %dma_wait3A_280 = tpu.memref_slice %run_scoped3A_8[%rem3A_265, %dma_wait3A_278, %dma_wait3A_279] : memref<2x128x128xf32, #tpu.memory_space<vmem>> -> memref<1x128x128xf32, #tpu.memory_space<vmem>>
          %dma_wait3A_281 = tpu.memref_squeeze %dma_wait3A_280 : memref<1x128x128xf32, #tpu.memory_space<vmem>> -> memref<128x128xf32, #tpu.memory_space<vmem>>
          tpu.wait_dma2 semaphore(%dma_wait3A_275 : memref<!tpu.dma_semaphore, #tpu.memory_space<semaphore_mem>>) src(%dma_wait3A_281 : memref<128x128xf32, #tpu.memory_space<vmem>>) dst(%dma_wait3A_277 : memref<128x128xf32, #tpu.memory_space<hbm>>)
          "tpu.trace_stop"() : () -> ()
        } else {
        }
        %and3A_244 = arith.constant true
        %and3A_245 = arith.andi %and3A_240, %and3A_244 : i1
        %add3A_246 = arith.constant 1 : i32
        %add3A_247 = arith.addi %scan3A_125, %add3A_246 : i32
        %select_n3A_248 = arith.select %and3A_245, %add3A_247, %scan3A_125 : i32
        %ne3A_249 = arith.cmpi ne, %add3A_131, %add3A_149 : i32
        %or3A_250 = arith.constant false
        %or3A_251 = arith.ori %or3A_250, %ne3A_249 : i1
        %or3A_252 = arith.ori %or3A_251, %eq3A_130 : i1
        %add3A_253 = arith.constant 1 : i32
        %add3A_254 = arith.addi %scan3A_123, %add3A_253 : i32
        %select_n3A_255 = arith.select %or3A_252, %add3A_254, %scan3A_123 : i32
        %add3A_256 = arith.constant 1 : i32
        %add3A_257 = arith.addi %scan3A_126, %add3A_256 : i32
        %select_n3A_258 = arith.constant true
        %select_n3A_259 = arith.select %select_n3A_258, %add3A_257, %scan3A_126 : i32
        %eq3A_260 = arith.constant 2 : i32
        %eq3A_261 = arith.cmpi eq, %select_n3A_259, %eq3A_260 : i32
        %select_n3A_262 = arith.constant 0 : i32
        %select_n3A_263 = arith.select %eq3A_261, %select_n3A_262, %select_n3A_259 : i32
        scf.yield %select_n3A_167, %select_n3A_255, %select_n3A_221, %select_n3A_248, %select_n3A_263 : i32, i32, i32, i32, i32
      }
      %scan3A_68 = arith.constant 2 : i32
      %sub3A = arith.constant 1 : i32
      %sub3A_69 = arith.subi %scan3A_67#4, %sub3A : i32
      %select_n3A_70 = arith.constant true
      %select_n3A_71 = arith.select %select_n3A_70, %sub3A_69, %scan3A_67#4 : i32
      %eq3A_72 = arith.constant -1 : i32
      %eq3A_73 = arith.cmpi eq, %select_n3A_71, %eq3A_72 : i32
      %select_n3A_74 = arith.constant 1 : i32
      %select_n3A_75 = arith.select %eq3A_73, %select_n3A_74, %select_n3A_71 : i32
      %add3A_76 = arith.addi %select_n3A_75, %mul3A_6 : i32
      %sub3A_77 = arith.constant 1 : i32
      %sub3A_78 = arith.subi %select_n3A_75, %sub3A_77 : i32
      %select_n3A_79 = arith.constant true
      %select_n3A_80 = arith.select %select_n3A_79, %sub3A_78, %select_n3A_75 : i32
      %eq3A_81 = arith.constant -1 : i32
      %eq3A_82 = arith.cmpi eq, %select_n3A_80, %eq3A_81 : i32
      %select_n3A_83 = arith.constant 1 : i32
      %select_n3A_84 = arith.select %eq3A_82, %select_n3A_83, %select_n3A_80 : i32
      %add3A_85 = arith.addi %select_n3A_84, %mul3A_6 : i32
      %add3A_86 = arith.constant 1 : i32
      %add3A_87 = arith.addi %select_n3A_75, %add3A_86 : i32
      %select_n3A_88 = arith.constant true
      %select_n3A_89 = arith.select %select_n3A_88, %add3A_87, %select_n3A_75 : i32
      %eq3A_90 = arith.constant 2 : i32
      %eq3A_91 = arith.cmpi eq, %select_n3A_89, %eq3A_90 : i32
      %select_n3A_92 = arith.constant 0 : i32
      %select_n3A_93 = arith.select %eq3A_91, %select_n3A_92, %select_n3A_89 : i32
      %add3A_94 = arith.addi %select_n3A_93, %mul3A_6 : i32
      %add3A_95 = arith.constant 1 : i32
      %add3A_96 = arith.addi %select_n3A_93, %add3A_95 : i32
      %select_n3A_97 = arith.constant true
      %select_n3A_98 = arith.select %select_n3A_97, %add3A_96, %select_n3A_93 : i32
      %eq3A_99 = arith.constant 2 : i32
      %eq3A_100 = arith.cmpi eq, %select_n3A_98, %eq3A_99 : i32
      %select_n3A_101 = arith.constant 0 : i32
      %select_n3A_102 = arith.select %eq3A_100, %select_n3A_101, %select_n3A_98 : i32
      %add3A_103 = arith.addi %select_n3A_102, %mul3A_6 : i32
      "tpu.trace_start"() <{level = 10 : i32, message = "ep_finalize"}> : () -> ()
      %rem3A_104 = arith.constant 2 : i32
      %rem3A_105 = arith.remui %scan3A_67#3, %rem3A_104 : i32
      %mul3A_106 = arith.constant 128 : i32
      %mul3A_107 = arith.muli %mul3A_106, %add3A_76 : i32
      %dma_wait3A = arith.constant 0 : i32
      %dma_wait3A_108 = arith.constant 0 : i32
      %dma_wait3A_109 = tpu.memref_slice %run_scoped3A_8[%rem3A_105, %dma_wait3A, %dma_wait3A_108] : memref<2x128x128xf32, #tpu.memory_space<vmem>> -> memref<1x128x128xf32, #tpu.memory_space<vmem>>
      %dma_wait3A_110 = tpu.memref_squeeze %dma_wait3A_109 : memref<1x128x128xf32, #tpu.memory_space<vmem>> -> memref<128x128xf32, #tpu.memory_space<vmem>>
      %dma_wait3A_111 = arith.constant 0 : i32
      %dma_wait3A_112 = tpu.memref_slice %arg4[%mul3A_107, %dma_wait3A_111] : memref<8192x128xf32, #tpu.memory_space<hbm>> -> memref<128x128xf32, #tpu.memory_space<hbm>>
      %dma_wait3A_113 = tpu.memref_slice %run_scoped3A_9[%rem3A_105] : memref<2x!tpu.dma_semaphore, #tpu.memory_space<semaphore_mem>> -> memref<1x!tpu.dma_semaphore, #tpu.memory_space<semaphore_mem>>
      %dma_wait3A_114 = tpu.memref_squeeze %dma_wait3A_113 : memref<1x!tpu.dma_semaphore, #tpu.memory_space<semaphore_mem>> -> memref<!tpu.dma_semaphore, #tpu.memory_space<semaphore_mem>>
      %dma_wait3A_115 = arith.constant 0 : i32
      %dma_wait3A_116 = tpu.memref_slice %arg4[%mul3A_107, %dma_wait3A_115] : memref<8192x128xf32, #tpu.memory_space<hbm>> -> memref<128x128xf32, #tpu.memory_space<hbm>>
      %dma_wait3A_117 = arith.constant 0 : i32
      %dma_wait3A_118 = arith.constant 0 : i32
      %dma_wait3A_119 = tpu.memref_slice %run_scoped3A_8[%rem3A_105, %dma_wait3A_117, %dma_wait3A_118] : memref<2x128x128xf32, #tpu.memory_space<vmem>> -> memref<1x128x128xf32, #tpu.memory_space<vmem>>
      %dma_wait3A_120 = tpu.memref_squeeze %dma_wait3A_119 : memref<1x128x128xf32, #tpu.memory_space<vmem>> -> memref<128x128xf32, #tpu.memory_space<vmem>>
      tpu.wait_dma2 semaphore(%dma_wait3A_114 : memref<!tpu.dma_semaphore, #tpu.memory_space<semaphore_mem>>) src(%dma_wait3A_120 : memref<128x128xf32, #tpu.memory_space<vmem>>) dst(%dma_wait3A_116 : memref<128x128xf32, #tpu.memory_space<hbm>>)
      "tpu.trace_stop"() : () -> ()
      tpu.yield
    }) : () -> ()
    return
  }
}

module attributes {stable_mosaic.version = 14 : i64} {
  func.func @_nn_body(%arg0: i32, %arg1: i32, %arg2: memref<1x1024x3xf32, #tpu.memory_space<vmem>>, %arg3: memref<1x1024x3xf32, #tpu.memory_space<vmem>>, %arg4: memref<1x64x1024xf32, #tpu.memory_space<vmem>>, %arg5: memref<1x64x1024xf32, #tpu.memory_space<vmem>>, %arg6: memref<64x64xf32, #tpu.memory_space<vmem>>, %arg7: memref<64x1xf32, #tpu.memory_space<vmem>>, %arg8: memref<64x1xf32, #tpu.memory_space<vmem>>, %arg9: memref<64x1xf32, #tpu.memory_space<vmem>>, %arg10: memref<1x8x1024xi32, #tpu.memory_space<vmem>>, %arg11: memref<1x64x1024xf32, #tpu.memory_space<vmem>>, %arg12: memref<64x1024xf32, #tpu.memory_space<vmem>>, %arg13: memref<1x1024xf32, #tpu.memory_space<vmem>>) attributes {dimension_semantics = [#tpu.dimension_semantics<arbitrary>, #tpu.dimension_semantics<arbitrary>], iteration_bounds = array<i64: 1, 9>, scalar_prefetch = 0 : i64, scratch_operands = 2 : i64, tpu.core_type = #tpu.core_type<tc>, window_params = [{transform_indices = @transform_0, window_bounds = array<i64: 1, 1024, 3>}, {transform_indices = @transform_1, window_bounds = array<i64: 1, 1024, 3>}, {transform_indices = @transform_2, window_bounds = array<i64: 1, 64, 1024>}, {transform_indices = @transform_3, window_bounds = array<i64: 1, 64, 1024>}, {pipeline_mode = #tpu.pipeline_mode<synchronous>, transform_indices = @transform_4, window_bounds = array<i64: 64, 64>}, {pipeline_mode = #tpu.pipeline_mode<synchronous>, transform_indices = @transform_5, window_bounds = array<i64: 64, 1>}, {pipeline_mode = #tpu.pipeline_mode<synchronous>, transform_indices = @transform_6, window_bounds = array<i64: 64, 1>}, {pipeline_mode = #tpu.pipeline_mode<synchronous>, transform_indices = @transform_7, window_bounds = array<i64: 64, 1>}, {transform_indices = @transform_8, window_bounds = array<i64: 1, 8, 1024>}, {transform_indices = @transform_9, window_bounds = array<i64: 1, 64, 1024>}]} {
    %eq3A = arith.constant 0 : i32
    %eq3A_0 = arith.cmpi eq, %arg1, %eq3A : i32
    %convert_element_type3A = arith.extui %eq3A_0 : i1 to i32
    %cond3A = arith.constant 0 : i32
    %cond3A_1 = arith.cmpi ne, %convert_element_type3A, %cond3A : i32
    scf.if %cond3A_1 {
      %get3A = arith.constant 0 : index
      %get3A_11 = arith.constant 0 : index
      %get3A_12 = vector.load %arg6[%get3A, %get3A_11] : memref<64x64xf32, #tpu.memory_space<vmem>>, vector<64x64xf32>
      %get3A_13 = arith.constant 0 : index
      %get3A_14 = arith.constant 0 : index
      %get3A_15 = arith.constant 0 : index
      %get3A_16 = vector.load %arg4[%get3A_13, %get3A_14, %get3A_15] : memref<1x64x1024xf32, #tpu.memory_space<vmem>>, vector<1x64x1024xf32>
      %get3A_17 = vector.shape_cast %get3A_16 : vector<1x64x1024xf32> to vector<64x1024xf32>
      %dot_general3A = arith.constant dense<0.000000e+00> : vector<64x1024xf32>
      %dot_general3A_18 = tpu.matmul %get3A_12, %get3A_17, %dot_general3A {dimension_numbers = #tpu.dot_dimension_numbers<[1], [0], [0], [1], [0, 0, 1, 1], [], []>, transpose_lhs_hint = false} : vector<64x64xf32>, vector<64x1024xf32>, vector<64x1024xf32> -> vector<64x1024xf32>
      %get3A_19 = arith.constant 0 : index
      %get3A_20 = arith.constant 0 : index
      %get3A_21 = vector.load %arg7[%get3A_19, %get3A_20] : memref<64x1xf32, #tpu.memory_space<vmem>>, vector<64x1xf32>
      %add3A = vector.broadcast %get3A_21 : vector<64x1xf32> to vector<64x1024xf32>
      %add3A_22 = arith.addf %dot_general3A_18, %add3A : vector<64x1024xf32>
      %swap3A = arith.constant 0 : index
      %swap3A_23 = arith.constant 0 : index
      %swap3A_24 = vector.load %arg12[%swap3A, %swap3A_23] : memref<64x1024xf32, #tpu.memory_space<vmem>>, vector<64x1024xf32>
      tpu.vector_store %arg12[%swap3A, %swap3A_23], %add3A_22 {strides = array<i32>} : memref<64x1024xf32, #tpu.memory_space<vmem>>, vector<64x1024xf32>,
      %broadcast_in_dim3A = arith.constant 0.000000e+00 : f32
      %broadcast_in_dim3A_25 = vector.broadcast %broadcast_in_dim3A : f32 to vector<1x1024xf32>
      %swap3A_26 = arith.constant 0 : index
      %swap3A_27 = arith.constant 0 : index
      %swap3A_28 = vector.load %arg13[%swap3A_26, %swap3A_27] : memref<1x1024xf32, #tpu.memory_space<vmem>>, vector<1x1024xf32>
      tpu.vector_store %arg13[%swap3A_26, %swap3A_27], %broadcast_in_dim3A_25 {strides = array<i32>} : memref<1x1024xf32, #tpu.memory_space<vmem>>, vector<1x1024xf32>,
    } else {
    }
    %lt3A = arith.constant 8 : i32
    %lt3A_2 = arith.cmpi slt, %arg1, %lt3A : i32
    %convert_element_type3A_3 = arith.extui %lt3A_2 : i1 to i32
    %cond3A_4 = arith.constant 0 : i32
    %cond3A_5 = arith.cmpi ne, %convert_element_type3A_3, %cond3A_4 : i32
    scf.if %cond3A_5 {
      %get3A = arith.constant 0 : index
      %get3A_11 = arith.constant 0 : index
      %get3A_12 = arith.constant 0 : index
      %get3A_13 = vector.load %arg2[%get3A, %get3A_11, %get3A_12] : memref<1x1024x3xf32, #tpu.memory_space<vmem>>, vector<1x1024x3xf32>
      %get3A_14 = vector.shape_cast %get3A_13 : vector<1x1024x3xf32> to vector<1024x3xf32>
      %get3A_15 = arith.constant 0 : index
      %get3A_16 = arith.constant 0 : index
      %get3A_17 = arith.constant 0 : index
      %get3A_18 = vector.load %arg3[%get3A_15, %get3A_16, %get3A_17] : memref<1x1024x3xf32, #tpu.memory_space<vmem>>, vector<1x1024x3xf32>
      %get3A_19 = vector.shape_cast %get3A_18 : vector<1x1024x3xf32> to vector<1024x3xf32>
      %mul3A = arith.mulf %get3A_14, %get3A_14 : vector<1024x3xf32>
      %reduce_sum3A = arith.constant dense<0.000000e+00> : vector<1024xf32>
      %reduce_sum3A_20 = vector.multi_reduction <add>, %mul3A, %reduce_sum3A [1] : vector<1024x3xf32> to vector<1024xf32>
      %broadcast_in_dim3A = vector.shape_cast %reduce_sum3A_20 : vector<1024xf32> to vector<1024x1xf32>
      %mul3A_21 = arith.mulf %get3A_19, %get3A_19 : vector<1024x3xf32>
      %reduce_sum3A_22 = arith.constant dense<0.000000e+00> : vector<1024xf32>
      %reduce_sum3A_23 = vector.multi_reduction <add>, %mul3A_21, %reduce_sum3A_22 [1] : vector<1024x3xf32> to vector<1024xf32>
      %reshape3A = vector.shape_cast %reduce_sum3A_23 : vector<1024xf32> to vector<1x1024xf32>
      %dot_general3A = arith.constant dense<0.000000e+00> : vector<1024x1024xf32>
      %dot_general3A_24 = tpu.matmul %get3A_14, %get3A_19, %dot_general3A {dimension_numbers = #tpu.dot_dimension_numbers<[1], [1], [0], [0], [0, 0, 1, 0], [], []>, transpose_lhs_hint = false} : vector<1024x3xf32>, vector<1024x3xf32>, vector<1024x1024xf32> -> vector<1024x1024xf32>
      %add3A = vector.broadcast %broadcast_in_dim3A : vector<1024x1xf32> to vector<1024x1024xf32>
      %add3A_25 = vector.broadcast %reshape3A : vector<1x1024xf32> to vector<1024x1024xf32>
      %add3A_26 = arith.addf %add3A, %add3A_25 : vector<1024x1024xf32>
      %mul3A_27 = arith.constant 2.000000e+00 : f32
      %mul3A_28 = vector.broadcast %mul3A_27 : f32 to vector<1024x1024xf32>
      %mul3A_29 = arith.mulf %mul3A_28, %dot_general3A_24 : vector<1024x1024xf32>
      %sub3A = arith.subf %add3A_26, %mul3A_29 : vector<1024x1024xf32>
      %argmin3A = tpu.reduce_index %sub3A {axis = 1 : i32, kind = #tpu.reduction_kind<arg_min>} : vector<1024x1024xf32> -> vector<1024xi32>
      %reshape3A_30 = vector.shape_cast %argmin3A : vector<1024xi32> to vector<1x1024xi32>
      %mul3A_31 = arith.constant 1024 : i32
      %mul3A_32 = arith.muli %arg0, %mul3A_31 : i32
      %add3A_33 = vector.broadcast %mul3A_32 : i32 to vector<1x1024xi32>
      %add3A_34 = arith.addi %reshape3A_30, %add3A_33 : vector<1x1024xi32>
      %swap3A = arith.constant 0 : index
      %swap3A_35 = arith.index_cast %arg1 : i32 to index
      %swap3A_36 = arith.constant 0 : index
      %swap3A_37 = vector.load %arg10[%swap3A, %swap3A_35, %swap3A_36] : memref<1x8x1024xi32, #tpu.memory_space<vmem>>, vector<1x1x1024xi32>
      %swap3A_38 = vector.shape_cast %swap3A_37 : vector<1x1x1024xi32> to vector<1x1024xi32>
      %swap3A_39 = vector.shape_cast %add3A_34 : vector<1x1024xi32> to vector<1x1x1024xi32>
      tpu.vector_store %arg10[%swap3A, %swap3A_35, %swap3A_36], %swap3A_39 {strides = array<i32>} : memref<1x8x1024xi32, #tpu.memory_space<vmem>>, vector<1x1x1024xi32>,
      %iota3A = tpu.iota {dimensions = array<i32: 1>} : vector<1024x1024xi32>
      %reshape3A_40 = vector.shape_cast %reshape3A_30 : vector<1x1024xi32> to vector<1024x1xi32>
      %eq3A_41 = vector.broadcast %reshape3A_40 : vector<1024x1xi32> to vector<1024x1024xi32>
      %eq3A_42 = arith.cmpi eq, %iota3A, %eq3A_41 : vector<1024x1024xi32>
      %convert_element_type3A_43 = arith.extui %eq3A_42 : vector<1024x1024xi1> to vector<1024x1024xi32>
      %convert_element_type3A_44 = arith.sitofp %convert_element_type3A_43 : vector<1024x1024xi32> to vector<1024x1024xf32>
      %get3A_45 = arith.constant 0 : index
      %get3A_46 = arith.constant 0 : index
      %get3A_47 = vector.load %arg13[%get3A_45, %get3A_46] : memref<1x1024xf32, #tpu.memory_space<vmem>>, vector<1x1024xf32>
      %reduce_sum3A_48 = arith.constant dense<0.000000e+00> : vector<1024xf32>
      %reduce_sum3A_49 = vector.multi_reduction <add>, %convert_element_type3A_44, %reduce_sum3A_48 [0] : vector<1024x1024xf32> to vector<1024xf32>
      %broadcast_in_dim3A_50 = vector.shape_cast %reduce_sum3A_49 : vector<1024xf32> to vector<1x1024xf32>
      %add3A_51 = arith.addf %get3A_47, %broadcast_in_dim3A_50 : vector<1x1024xf32>
      %swap3A_52 = arith.constant 0 : index
      %swap3A_53 = arith.constant 0 : index
      %swap3A_54 = vector.load %arg13[%swap3A_52, %swap3A_53] : memref<1x1024xf32, #tpu.memory_space<vmem>>, vector<1x1024xf32>
      tpu.vector_store %arg13[%swap3A_52, %swap3A_53], %add3A_51 {strides = array<i32>} : memref<1x1024xf32, #tpu.memory_space<vmem>>, vector<1x1024xf32>,
    } else {
    }
    %eq3A_6 = arith.constant 8 : i32
    %eq3A_7 = arith.cmpi eq, %arg1, %eq3A_6 : i32
    %convert_element_type3A_8 = arith.extui %eq3A_7 : i1 to i32
    %cond3A_9 = arith.constant 0 : i32
    %cond3A_10 = arith.cmpi ne, %convert_element_type3A_8, %cond3A_9 : i32
    scf.if %cond3A_10 {
      %iota3A = tpu.iota {dimensions = array<i32: 1>} : vector<8x64xi32>
      %jit3A = arith.constant 8 : i32
      %div3A = vector.broadcast %jit3A : i32 to vector<8x64xi32>
      %div3A_11 = arith.divsi %iota3A, %div3A : vector<8x64xi32>
      %sign3A = arith.constant 0 : i32
      %sign3A_12 = vector.broadcast %sign3A : i32 to vector<8x64xi32>
      %sign3A_13 = arith.cmpi sgt, %iota3A, %sign3A_12 : vector<8x64xi32>
      %sign3A_14 = arith.extui %sign3A_13 : vector<8x64xi1> to vector<8x64xi32>
      %sign3A_15 = arith.constant 0 : i32
      %sign3A_16 = vector.broadcast %sign3A_15 : i32 to vector<8x64xi32>
      %sign3A_17 = arith.cmpi slt, %iota3A, %sign3A_16 : vector<8x64xi32>
      %sign3A_18 = arith.extui %sign3A_17 : vector<8x64xi1> to vector<8x64xi32>
      %sign3A_19 = arith.subi %sign3A_14, %sign3A_18 : vector<8x64xi32>
      %sign3A_20 = arith.constant 0 : i32
      %sign3A_21 = arith.cmpi sgt, %jit3A, %sign3A_20 : i32
      %sign3A_22 = arith.extui %sign3A_21 : i1 to i32
      %sign3A_23 = arith.constant 0 : i32
      %sign3A_24 = arith.cmpi slt, %jit3A, %sign3A_23 : i32
      %sign3A_25 = arith.extui %sign3A_24 : i1 to i32
      %sign3A_26 = arith.subi %sign3A_22, %sign3A_25 : i32
      %ne3A = vector.broadcast %sign3A_26 : i32 to vector<8x64xi32>
      %ne3A_27 = arith.cmpi ne, %sign3A_19, %ne3A : vector<8x64xi32>
      %rem3A = vector.broadcast %jit3A : i32 to vector<8x64xi32>
      %rem3A_28 = arith.remsi %iota3A, %rem3A : vector<8x64xi32>
      %ne3A_29 = arith.constant 0 : i32
      %ne3A_30 = vector.broadcast %ne3A_29 : i32 to vector<8x64xi32>
      %ne3A_31 = arith.cmpi ne, %rem3A_28, %ne3A_30 : vector<8x64xi32>
      %and3A = arith.andi %ne3A_27, %ne3A_31 : vector<8x64xi1>
      %sub3A = arith.constant 1 : i32
      %sub3A_32 = vector.broadcast %sub3A : i32 to vector<8x64xi32>
      %sub3A_33 = arith.subi %div3A_11, %sub3A_32 : vector<8x64xi32>
      %select_n3A = arith.select %and3A, %sub3A_33, %div3A_11 : vector<8x64xi1>, vector<8x64xi32>
      %iota3A_34 = tpu.iota {dimensions = array<i32: 0>} : vector<8x64xi32>
      %eq3A_35 = arith.cmpi eq, %select_n3A, %iota3A_34 : vector<8x64xi32>
      %convert_element_type3A_36 = arith.extui %eq3A_35 : vector<8x64xi1> to vector<8x64xi32>
      %convert_element_type3A_37 = arith.sitofp %convert_element_type3A_36 : vector<8x64xi32> to vector<8x64xf32>
      %iota3A_38 = tpu.iota {dimensions = array<i32: 0>} : vector<64x8xi32>
      %jit3A_39 = arith.constant 8 : i32
      %div3A_40 = vector.broadcast %jit3A_39 : i32 to vector<64x8xi32>
      %div3A_41 = arith.divsi %iota3A_38, %div3A_40 : vector<64x8xi32>
      %sign3A_42 = arith.constant 0 : i32
      %sign3A_43 = vector.broadcast %sign3A_42 : i32 to vector<64x8xi32>
      %sign3A_44 = arith.cmpi sgt, %iota3A_38, %sign3A_43 : vector<64x8xi32>
      %sign3A_45 = arith.extui %sign3A_44 : vector<64x8xi1> to vector<64x8xi32>
      %sign3A_46 = arith.constant 0 : i32
      %sign3A_47 = vector.broadcast %sign3A_46 : i32 to vector<64x8xi32>
      %sign3A_48 = arith.cmpi slt, %iota3A_38, %sign3A_47 : vector<64x8xi32>
      %sign3A_49 = arith.extui %sign3A_48 : vector<64x8xi1> to vector<64x8xi32>
      %sign3A_50 = arith.subi %sign3A_45, %sign3A_49 : vector<64x8xi32>
      %sign3A_51 = arith.constant 0 : i32
      %sign3A_52 = arith.cmpi sgt, %jit3A_39, %sign3A_51 : i32
      %sign3A_53 = arith.extui %sign3A_52 : i1 to i32
      %sign3A_54 = arith.constant 0 : i32
      %sign3A_55 = arith.cmpi slt, %jit3A_39, %sign3A_54 : i32
      %sign3A_56 = arith.extui %sign3A_55 : i1 to i32
      %sign3A_57 = arith.subi %sign3A_53, %sign3A_56 : i32
      %ne3A_58 = vector.broadcast %sign3A_57 : i32 to vector<64x8xi32>
      %ne3A_59 = arith.cmpi ne, %sign3A_50, %ne3A_58 : vector<64x8xi32>
      %rem3A_60 = vector.broadcast %jit3A_39 : i32 to vector<64x8xi32>
      %rem3A_61 = arith.remsi %iota3A_38, %rem3A_60 : vector<64x8xi32>
      %ne3A_62 = arith.constant 0 : i32
      %ne3A_63 = vector.broadcast %ne3A_62 : i32 to vector<64x8xi32>
      %ne3A_64 = arith.cmpi ne, %rem3A_61, %ne3A_63 : vector<64x8xi32>
      %and3A_65 = arith.andi %ne3A_59, %ne3A_64 : vector<64x8xi1>
      %sub3A_66 = arith.constant 1 : i32
      %sub3A_67 = vector.broadcast %sub3A_66 : i32 to vector<64x8xi32>
      %sub3A_68 = arith.subi %div3A_41, %sub3A_67 : vector<64x8xi32>
      %select_n3A_69 = arith.select %and3A_65, %sub3A_68, %div3A_41 : vector<64x8xi1>, vector<64x8xi32>
      %iota3A_70 = tpu.iota {dimensions = array<i32: 1>} : vector<64x8xi32>
      %eq3A_71 = arith.cmpi eq, %select_n3A_69, %iota3A_70 : vector<64x8xi32>
      %convert_element_type3A_72 = arith.extui %eq3A_71 : vector<64x8xi1> to vector<64x8xi32>
      %convert_element_type3A_73 = arith.sitofp %convert_element_type3A_72 : vector<64x8xi32> to vector<64x8xf32>
      %get3A = arith.constant 0 : index
      %get3A_74 = arith.constant 0 : index
      %get3A_75 = vector.load %arg12[%get3A, %get3A_74] : memref<64x1024xf32, #tpu.memory_space<vmem>>, vector<64x1024xf32>
      %get3A_76 = arith.constant 0 : index
      %get3A_77 = arith.constant 0 : index
      %get3A_78 = vector.load %arg13[%get3A_76, %get3A_77] : memref<1x1024xf32, #tpu.memory_space<vmem>>, vector<1x1024xf32>
      %mul3A = vector.broadcast %get3A_78 : vector<1x1024xf32> to vector<64x1024xf32>
      %mul3A_79 = arith.mulf %get3A_75, %mul3A : vector<64x1024xf32>
      %reduce_sum3A = arith.constant dense<0.000000e+00> : vector<64xf32>
      %reduce_sum3A_80 = vector.multi_reduction <add>, %mul3A_79, %reduce_sum3A [1] : vector<64x1024xf32> to vector<64xf32>
      %broadcast_in_dim3A = vector.shape_cast %reduce_sum3A_80 : vector<64xf32> to vector<64x1xf32>
      %mul3A_81 = arith.mulf %get3A_75, %get3A_75 : vector<64x1024xf32>
      %mul3A_82 = vector.broadcast %get3A_78 : vector<1x1024xf32> to vector<64x1024xf32>
      %mul3A_83 = arith.mulf %mul3A_81, %mul3A_82 : vector<64x1024xf32>
      %reduce_sum3A_84 = arith.constant dense<0.000000e+00> : vector<64xf32>
      %reduce_sum3A_85 = vector.multi_reduction <add>, %mul3A_83, %reduce_sum3A_84 [1] : vector<64x1024xf32> to vector<64xf32>
      %broadcast_in_dim3A_86 = vector.shape_cast %reduce_sum3A_85 : vector<64xf32> to vector<64x1xf32>
      %dot_general3A = arith.constant dense<0.000000e+00> : vector<8x1xf32>
      %dot_general3A_87 = tpu.matmul %convert_element_type3A_37, %broadcast_in_dim3A, %dot_general3A {dimension_numbers = #tpu.dot_dimension_numbers<[1], [0], [0], [1], [0, 0, 1, 1], [], []>, transpose_lhs_hint = false} : vector<8x64xf32>, vector<64x1xf32>, vector<8x1xf32> -> vector<8x1xf32>
      %div3A_88 = arith.constant 6.553600e+04 : f32
      %div3A_89 = vector.broadcast %div3A_88 : f32 to vector<8x1xf32>
      %div3A_90 = arith.divf %dot_general3A_87, %div3A_89 : vector<8x1xf32>
      %dot_general3A_91 = arith.constant dense<0.000000e+00> : vector<8x1xf32>
      %dot_general3A_92 = tpu.matmul %convert_element_type3A_37, %broadcast_in_dim3A_86, %dot_general3A_91 {dimension_numbers = #tpu.dot_dimension_numbers<[1], [0], [0], [1], [0, 0, 1, 1], [], []>, transpose_lhs_hint = false} : vector<8x64xf32>, vector<64x1xf32>, vector<8x1xf32> -> vector<8x1xf32>
      %div3A_93 = arith.constant 6.553600e+04 : f32
      %div3A_94 = vector.broadcast %div3A_93 : f32 to vector<8x1xf32>
      %div3A_95 = arith.divf %dot_general3A_92, %div3A_94 : vector<8x1xf32>
      %mul3A_96 = arith.mulf %div3A_90, %div3A_90 : vector<8x1xf32>
      %sub3A_97 = arith.subf %div3A_95, %mul3A_96 : vector<8x1xf32>
      %add3A = arith.constant 9.99999974E-6 : f32
      %add3A_98 = vector.broadcast %add3A : f32 to vector<8x1xf32>
      %add3A_99 = arith.addf %sub3A_97, %add3A_98 : vector<8x1xf32>
      %rsqrt3A = math.rsqrt %add3A_99 : vector<8x1xf32>
      %dot_general3A_100 = arith.constant dense<0.000000e+00> : vector<64x1xf32>
      %dot_general3A_101 = tpu.matmul %convert_element_type3A_73, %div3A_90, %dot_general3A_100 {dimension_numbers = #tpu.dot_dimension_numbers<[1], [0], [0], [1], [0, 0, 1, 1], [], []>, transpose_lhs_hint = false} : vector<64x8xf32>, vector<8x1xf32>, vector<64x1xf32> -> vector<64x1xf32>
      %dot_general3A_102 = arith.constant dense<0.000000e+00> : vector<64x1xf32>
      %dot_general3A_103 = tpu.matmul %convert_element_type3A_73, %rsqrt3A, %dot_general3A_102 {dimension_numbers = #tpu.dot_dimension_numbers<[1], [0], [0], [1], [0, 0, 1, 1], [], []>, transpose_lhs_hint = false} : vector<64x8xf32>, vector<8x1xf32>, vector<64x1xf32> -> vector<64x1xf32>
      %get3A_104 = arith.constant 0 : index
      %get3A_105 = arith.constant 0 : index
      %get3A_106 = vector.load %arg8[%get3A_104, %get3A_105] : memref<64x1xf32, #tpu.memory_space<vmem>>, vector<64x1xf32>
      %mul3A_107 = arith.mulf %get3A_106, %dot_general3A_103 : vector<64x1xf32>
      %get3A_108 = arith.constant 0 : index
      %get3A_109 = arith.constant 0 : index
      %get3A_110 = vector.load %arg9[%get3A_108, %get3A_109] : memref<64x1xf32, #tpu.memory_space<vmem>>, vector<64x1xf32>
      %get3A_111 = arith.constant 0 : index
      %get3A_112 = arith.constant 0 : index
      %get3A_113 = vector.load %arg8[%get3A_111, %get3A_112] : memref<64x1xf32, #tpu.memory_space<vmem>>, vector<64x1xf32>
      %mul3A_114 = arith.mulf %get3A_113, %dot_general3A_103 : vector<64x1xf32>
      %mul3A_115 = arith.mulf %mul3A_114, %dot_general3A_101 : vector<64x1xf32>
      %sub3A_116 = arith.subf %get3A_110, %mul3A_115 : vector<64x1xf32>
      %mul3A_117 = vector.broadcast %mul3A_107 : vector<64x1xf32> to vector<64x1024xf32>
      %mul3A_118 = arith.mulf %get3A_75, %mul3A_117 : vector<64x1024xf32>
      %add3A_119 = vector.broadcast %sub3A_116 : vector<64x1xf32> to vector<64x1024xf32>
      %add3A_120 = arith.addf %mul3A_118, %add3A_119 : vector<64x1024xf32>
      %logistic3A = arith.negf %add3A_120 : vector<64x1024xf32>
      %logistic3A_121 = math.exp %logistic3A : vector<64x1024xf32>
      %logistic3A_122 = arith.constant 1.000000e+00 : f32
      %logistic3A_123 = vector.broadcast %logistic3A_122 : f32 to vector<64x1024xf32>
      %logistic3A_124 = arith.addf %logistic3A_123, %logistic3A_121 : vector<64x1024xf32>
      %logistic3A_125 = arith.divf %logistic3A_123, %logistic3A_124 : vector<64x1024xf32>
      %mul3A_126 = arith.mulf %add3A_120, %logistic3A_125 : vector<64x1024xf32>
      %swap3A = arith.constant 0 : index
      %swap3A_127 = arith.constant 0 : index
      %swap3A_128 = arith.constant 0 : index
      %swap3A_129 = vector.load %arg11[%swap3A, %swap3A_127, %swap3A_128] : memref<1x64x1024xf32, #tpu.memory_space<vmem>>, vector<1x64x1024xf32>
      %swap3A_130 = vector.shape_cast %swap3A_129 : vector<1x64x1024xf32> to vector<64x1024xf32>
      %swap3A_131 = vector.shape_cast %mul3A_126 : vector<64x1024xf32> to vector<1x64x1024xf32>
      tpu.vector_store %arg11[%swap3A, %swap3A_127, %swap3A_128], %swap3A_131 {strides = array<i32>} : memref<1x64x1024xf32, #tpu.memory_space<vmem>>, vector<1x64x1024xf32>,
    } else {
    }
    return
  }
  func.func @transform_0(%arg0: i32, %arg1: i32) -> (i32, i32, i32) {
    %min3A = arith.constant 7 : i32
    %min3A_0 = arith.minsi %arg1, %min3A : i32
    %c0_i32 = arith.constant 0 : i32
    %c0_i32_1 = arith.constant 0 : i32
    return %arg0, %min3A_0, %c0_i32 : i32, i32, i32
  }
  func.func @transform_1(%arg0: i32, %arg1: i32) -> (i32, i32, i32) {
    %c0_i32 = arith.constant 0 : i32
    %c0_i32_0 = arith.constant 0 : i32
    %c0_i32_1 = arith.constant 0 : i32
    return %arg0, %c0_i32, %c0_i32_0 : i32, i32, i32
  }
  func.func @transform_2(%arg0: i32, %arg1: i32) -> (i32, i32, i32) {
    %c0_i32 = arith.constant 0 : i32
    %c0_i32_0 = arith.constant 0 : i32
    %c0_i32_1 = arith.constant 0 : i32
    return %arg0, %c0_i32, %c0_i32_0 : i32, i32, i32
  }
  func.func @transform_3(%arg0: i32, %arg1: i32) -> (i32, i32, i32) {
    %c0_i32 = arith.constant 0 : i32
    %c0_i32_0 = arith.constant 0 : i32
    %c0_i32_1 = arith.constant 0 : i32
    return %arg0, %c0_i32, %c0_i32_0 : i32, i32, i32
  }
  func.func @transform_4(%arg0: i32, %arg1: i32) -> (i32, i32) {
    %c0_i32 = arith.constant 0 : i32
    %c0_i32_0 = arith.constant 0 : i32
    %c0_i32_1 = arith.constant 0 : i32
    return %c0_i32, %c0_i32_0 : i32, i32
  }
  func.func @transform_5(%arg0: i32, %arg1: i32) -> (i32, i32) {
    %c0_i32 = arith.constant 0 : i32
    %c0_i32_0 = arith.constant 0 : i32
    %c0_i32_1 = arith.constant 0 : i32
    return %c0_i32, %c0_i32_0 : i32, i32
  }
  func.func @transform_6(%arg0: i32, %arg1: i32) -> (i32, i32) {
    %c0_i32 = arith.constant 0 : i32
    %c0_i32_0 = arith.constant 0 : i32
    %c0_i32_1 = arith.constant 0 : i32
    return %c0_i32, %c0_i32_0 : i32, i32
  }
  func.func @transform_7(%arg0: i32, %arg1: i32) -> (i32, i32) {
    %c0_i32 = arith.constant 0 : i32
    %c0_i32_0 = arith.constant 0 : i32
    %c0_i32_1 = arith.constant 0 : i32
    return %c0_i32, %c0_i32_0 : i32, i32
  }
  func.func @transform_8(%arg0: i32, %arg1: i32) -> (i32, i32, i32) {
    %c0_i32 = arith.constant 0 : i32
    %c0_i32_0 = arith.constant 0 : i32
    %c0_i32_1 = arith.constant 0 : i32
    return %arg0, %c0_i32, %c0_i32_0 : i32, i32, i32
  }
  func.func @transform_9(%arg0: i32, %arg1: i32) -> (i32, i32, i32) {
    %c0_i32 = arith.constant 0 : i32
    %c0_i32_0 = arith.constant 0 : i32
    %c0_i32_1 = arith.constant 0 : i32
    return %arg0, %c0_i32, %c0_i32_0 : i32, i32, i32
  }
}

module attributes {stable_mosaic.version = 14 : i64} {
  func.func @_tr_body(%arg0: i32, %arg1: i32, %arg2: memref<1x1024x128xf32, #tpu.memory_space<vmem>>, %arg3: memref<1x64x1024xf32, #tpu.memory_space<vmem>>, %arg4: memref<1x64x1024xf32, #tpu.memory_space<vmem>>) attributes {dimension_semantics = [#tpu.dimension_semantics<arbitrary>, #tpu.dimension_semantics<arbitrary>], iteration_bounds = array<i64: 1, 8>, scalar_prefetch = 0 : i64, scratch_operands = 0 : i64, tpu.core_type = #tpu.core_type<tc>, window_params = [{transform_indices = @transform_0, window_bounds = array<i64: 1, 1024, 128>}, {transform_indices = @transform_1, window_bounds = array<i64: 1, 64, 1024>}, {transform_indices = @transform_2, window_bounds = array<i64: 1, 64, 1024>}]} {
    %get3A = arith.constant 0 : index
    %get3A_0 = arith.constant 0 : index
    %get3A_1 = arith.constant 0 : index
    %get3A_2 = vector.load %arg2[%get3A, %get3A_0, %get3A_1] : memref<1x1024x128xf32, #tpu.memory_space<vmem>>, vector<1x1024x128xf32>
    %get3A_3 = vector.shape_cast %get3A_2 : vector<1x1024x128xf32> to vector<1024x128xf32>
    %transpose3A = tpu.transpose %get3A_3, [1, 0] : vector<1024x128xf32> -> vector<128x1024xf32>
    %slice3A = vector.extract_strided_slice %transpose3A {offsets = [0, 0], sizes = [64, 1024], strides = [1, 1]} : vector<128x1024xf32> to vector<64x1024xf32>
    %swap3A = arith.constant 0 : index
    %swap3A_4 = arith.constant 0 : index
    %swap3A_5 = arith.constant 0 : index
    %swap3A_6 = vector.load %arg3[%swap3A, %swap3A_4, %swap3A_5] : memref<1x64x1024xf32, #tpu.memory_space<vmem>>, vector<1x64x1024xf32>
    %swap3A_7 = vector.shape_cast %swap3A_6 : vector<1x64x1024xf32> to vector<64x1024xf32>
    %swap3A_8 = vector.shape_cast %slice3A : vector<64x1024xf32> to vector<1x64x1024xf32>
    tpu.vector_store %arg3[%swap3A, %swap3A_4, %swap3A_5], %swap3A_8 {strides = array<i32>} : memref<1x64x1024xf32, #tpu.memory_space<vmem>>, vector<1x64x1024xf32>,
    %slice3A_9 = vector.extract_strided_slice %transpose3A {offsets = [64, 0], sizes = [64, 1024], strides = [1, 1]} : vector<128x1024xf32> to vector<64x1024xf32>
    %swap3A_10 = arith.constant 0 : index
    %swap3A_11 = arith.constant 0 : index
    %swap3A_12 = arith.constant 0 : index
    %swap3A_13 = vector.load %arg4[%swap3A_10, %swap3A_11, %swap3A_12] : memref<1x64x1024xf32, #tpu.memory_space<vmem>>, vector<1x64x1024xf32>
    %swap3A_14 = vector.shape_cast %swap3A_13 : vector<1x64x1024xf32> to vector<64x1024xf32>
    %swap3A_15 = vector.shape_cast %slice3A_9 : vector<64x1024xf32> to vector<1x64x1024xf32>
    tpu.vector_store %arg4[%swap3A_10, %swap3A_11, %swap3A_12], %swap3A_15 {strides = array<i32>} : memref<1x64x1024xf32, #tpu.memory_space<vmem>>, vector<1x64x1024xf32>,
    return
  }
  func.func @transform_0(%arg0: i32, %arg1: i32) -> (i32, i32, i32) {
    %c0_i32 = arith.constant 0 : i32
    %c0_i32_0 = arith.constant 0 : i32
    return %arg0, %arg1, %c0_i32 : i32, i32, i32
  }
  func.func @transform_1(%arg0: i32, %arg1: i32) -> (i32, i32, i32) {
    %c0_i32 = arith.constant 0 : i32
    %c0_i32_0 = arith.constant 0 : i32
    return %arg0, %c0_i32, %arg1 : i32, i32, i32
  }
  func.func @transform_2(%arg0: i32, %arg1: i32) -> (i32, i32, i32) {
    %c0_i32 = arith.constant 0 : i32
    %c0_i32_0 = arith.constant 0 : i32
    return %arg0, %c0_i32, %arg1 : i32, i32, i32
  }
}

</mosaic_0001>

<sc_bundles>
// kernel: kernel.14.cloned.1.call-start
scs
__scs_entry_jumppad:
0x0: {  	(pc) =	sbr.rel $0x88, $3  }
0x1: {  	(tag) =	ssettag $0x0;
	lr =	simm.s32 $0x1  }
0x2: {  	[smem:$0x3F99] =	sst lr;
	_ =	strace $0xD0000000  }
0x3: {  	_ = 	snop  }
0x4: {  	_ = 	snop  }
0x5: {  	_ = 	snop  }
0x6: {  	_ = 	snop  }
0x7: {  	_ = 	snop  }
__scs_overlays_trampoline_lowered:
0x8: {  	[smem:$0x3FA8] =	sst s0  }
0x9: {  	[smem:$0x3FA9] =	sst s1  }
0xa: {  	[smem:$0x3FAA] =	sst s2  }
0xb: {  	[smem:$0x3FAB] =	sst s3  }
0xc: {  	[smem:$0x3FAC] =	sst s4  }
0xd: {  	[smem:$0x3FAD] =	sst s5  }
0xe: {  	[smem:$0x3FAE] =	sst s6  }
0xf: {  	[smem:$0x3FAF] =	sst s7  }
0x10: {  	[smem:$0x3FB0] =	sst s8  }
0x11: {  	[smem:$0x3FB1] =	sst s9;
	s0 =	simm.s32 @!p0 $0x0  }
0x12: {  	s1 =	sld [smem:$0x3F97];
	s0 =	simm.s32 @p0 $0x1  }
0x13: {  	[smem:$0x3FB2] =	sst s0;
	s0 =	simm.s32 @!p1 $0x0  }
0x14: {  	s2 =	sld [smem:$0x3F96];
	s0 =	simm.s32 @p1 $0x1  }
0x15: {  	[smem:$0x3FB3] =	sst s0;
	s0 =	simm.s32 @!p2 $0x0  }
0x16: {  	s3 =	sld [smem:$0x3FDB];
	s0 =	simm.s32 @p2 $0x1  }
0x17: {  	s4 =	simm.s32 $0x1BF5;
	[smem:$0x3FB5] =	sst s0  }
0x18: {  	s0 =	sld [smem:$0x3F98];
	_ =	swait.ge [sflag:s4], $0x0  }
0x19: {  	s7 =	sld [smem:$0x3F99]  }
0x1a: {  	s8 =	sadd.s32 $0xFFFFE003, lr  }
0x1b: {  	s9 =	sadd.s32 $0xFFFFFEF7, lr;
	s5 =	simm.s32 $0xFFFFFFFF;
	p2 =	slt.u32 s8, $0xFFFFF086  }
0x1c: {  	p1 =	slt.u32 s9, $0xF7A;
	s5 =	simm.s32 @!p2 $0x0  }
0x1d: {  	s5 =	simm.s32 @p1 $0x1;
	p0 =	seq.s32 s7, s2  }
0x1e: {  	s7 =	smul.u32 @!p0 $0xF7A, s2;
	p2 =	seq.s32 @!p0 s5, $0x0  }
0x1f: {  	s9 =	smul.u32 $0xF7A, s1;
	s8 =	simm.s32 @!p0 $0x1BF5;
	p2 =	por !p2, p0  }
0x20: {  	[sflag:s8] =	ssyncset.s32 @!p0 $0xFFFFF086;
	s6 =	sadd.s32 @!p0 s3, s7;
	s7 =	simm.s32 @!p0 $0x108  }
0x21: {  	s3 =	sadd.s32 s3, s9;
	s6 =	sadd.s32 @!p0 $0x88, s6;
	s7 =	simm.s32 @p2 $0x1082  }
0x22: {  	[simem:s7], [sflag:s8] =	dma.local @!p0 [hbm:s6], $0xF7A  }
0x23: {  	s9 =	sor.u32 $0xD0000000, s2;
	s6 =	simm.s32 $0x108;
	_ =	swait.ge @!p0 [sflag:s8], $0x0  }
0x24: {  	s3 =	sadd.s32 $0x88, s3;
	s6 =	simm.s32 @!p1 $0x1082;
	[sflag:s4] =	ssyncset.s32 $0xFFFFF086  }
0x25: {  	[simem:s6], [sflag:s4] =	dma.local [hbm:s3], $0xF7A  }
0x26: {  	[smem:$0x3F99] =	sst s1;
	(tag) =	ssettag s2;
	_ =	strace s9  }
0x27: {  	s1 =	sld [smem:$0x3FA9]  }
0x28: {  	s2 =	sld [smem:$0x3FAA]  }
0x29: {  	s4 =	sld [smem:$0x3FAC]  }
0x2a: {  	p0 =	seq.s32 s5, $0x0;
	s5 =	sld [smem:$0x3FAD]  }
0x2b: {  	s6 =	sld [smem:$0x3FAE]  }
0x2c: {  	s7 =	sld [smem:$0x3FAF]  }
0x2d: {  	s3 =	simm.s32 $0x108;
	s8 =	sld [smem:$0x3FB0]  }
0x2e: {  	s3 =	simm.s32 @!p0 $0x1082;
	s9 =	sld [smem:$0x3FB1]  }
0x2f: {  	lr =	sadd.s32 s0, s3;
	s0 =	sld [smem:$0x3FA8]  }
0x30: {  	s3 =	sld [smem:$0x3FAB]  }
0x31: {  	[smem:$0x3FB4] =	sst s10  }
0x32: {  	s10 =	sld [smem:$0x3FB2];
	_ =	sdelay $0x3  }
0x33: {  	p0 =	seq.s32 s10, $0x1;
	s10 =	sld [smem:$0x3FB4];
	_ =	sdelay $0x3  }
0x34: {  	[smem:$0x3FB4] =	sst s10  }
0x35: {  	s10 =	sld [smem:$0x3FB3];
	_ =	sdelay $0x3  }
0x36: {  	p1 =	seq.s32 s10, $0x1;
	s10 =	sld [smem:$0x3FB4];
	_ =	sdelay $0x3  }
0x37: {  	[smem:$0x3FB4] =	sst s10  }
0x38: {  	s10 =	sld [smem:$0x3FB5]  }
0x39: {  	_ = 	snop;
	(pc) =	sbr.ind lr, $3  }
0x3a: {  	_ = 	snop  }
0x3b: {  	_ = 	snop  }
0x3c: {  	p2 =	seq.s32 s10, $0x1;
	s10 =	sld [smem:$0x3FB4]  }
0x3d: {  	_ =	shalt  }
0x3e: {  	_ =	shalt  }
0x3f: {  	_ =	shalt  }
0x40: {  	_ =	shalt  }
0x41: {  	_ =	shalt  }
0x42: {  	_ =	shalt  }
0x43: {  	_ =	shalt  }
0x44: {  	_ =	shalt  }
0x45: {  	_ =	shalt  }
0x46: {  	_ =	shalt  }
0x47: {  	_ =	shalt  }
0x48: {  	_ =	shalt  }
0x49: {  	_ =	shalt  }
0x4a: {  	_ =	shalt  }
0x4b: {  	_ =	shalt  }
0x4c: {  	_ =	shalt  }
0x4d: {  	_ =	shalt  }
0x4e: {  	_ =	shalt  }
0x4f: {  	_ =	shalt  }
0x50: {  	_ =	shalt  }
0x51: {  	_ =	shalt  }
0x52: {  	_ =	shalt  }
0x53: {  	_ =	shalt  }
0x54: {  	_ =	shalt  }
0x55: {  	_ =	shalt  }
0x56: {  	_ =	shalt  }
0x57: {  	_ =	shalt  }
0x58: {  	_ =	shalt  }
0x59: {  	_ =	shalt  }
0x5a: {  	_ =	shalt  }
0x5b: {  	_ =	shalt  }
0x5c: {  	_ =	shalt  }
0x5d: {  	_ =	shalt  }
0x5e: {  	_ =	shalt  }
0x5f: {  	_ =	shalt  }
0x60: {  	_ =	shalt  }
0x61: {  	_ =	shalt  }
0x62: {  	_ =	shalt  }
0x63: {  	_ =	shalt  }
0x64: {  	_ =	shalt  }
0x65: {  	_ =	shalt  }
0x66: {  	_ =	shalt  }
0x67: {  	_ =	shalt  }
0x68: {  	_ =	shalt  }
0x69: {  	_ =	shalt  }
0x6a: {  	_ =	shalt  }
0x6b: {  	_ =	shalt  }
0x6c: {  	_ =	shalt  }
0x6d: {  	_ =	shalt  }
0x6e: {  	_ =	shalt  }
0x6f: {  	_ =	shalt  }
0x70: {  	_ =	shalt  }
0x71: {  	_ =	shalt  }
0x72: {  	_ =	shalt  }
0x73: {  	_ =	shalt  }
0x74: {  	_ =	shalt  }
0x75: {  	_ =	shalt  }
0x76: {  	_ =	shalt  }
0x77: {  	_ =	shalt  }
0x78: {  	_ =	shalt  }
0x79: {  	_ =	shalt  }
0x7a: {  	_ =	shalt  }
0x7b: {  	_ =	shalt  }
0x7c: {  	_ =	shalt  }
0x7d: {  	_ =	shalt  }
0x7e: {  	_ =	shalt  }
0x7f: {  	_ =	shalt  }
0x80: {  	_ =	shalt  }
0x81: {  	_ =	shalt  }
0x82: {  	_ =	shalt  }
0x83: {  	_ =	shalt  }
0x84: {  	_ =	shalt  }
0x85: {  	_ =	shalt  }
0x86: {  	_ =	shalt  }
0x87: {  	_ =	shalt  }
.Lfunc_end0:
.L_simem_size_0:
called_computation_lowered:
.L_overlay_start_0:
0x88: {  	s2 =	sld [smem:$0x3FD9]  }
0x89: {  	s3 =	sld [smem:$0x3FFE];
	_ =	sdelay $0x1  }
0x8a: {  	s1 =	srdreg.scid  }
0x8b: {  	s0 =	sand.u32 $0x1, s1  }
0x8c: {  	s16 =	sshll.u32 s0, $0xA;
	s2 =	sadd.s32 s3, s2  }
0x8d: {  	s2 =	sadd.s32 s2, s16  }
0x8e: {  	[smem:$0x3FC0] =	sst s2  }
0x8f: {  	_ = 	snop  }
0x90: {  	(tm) =	ssettm $0x1  }
0x91: {  	s17 =	sld [smem:$0x3FFB];
	_ =	sdelay $0x3  }
0x92: {  	_ =	strace s17  }
0x93: {  	s2 =	sld [smem:$0x3FFC];
	_ =	sdelay $0x3  }
0x94: {  	_ =	strace s2  }
0x95: {  	s2 =	sld [smem:$0x3FFD];
	_ =	sdelay $0x3  }
0x96: {  	_ =	strace s2  }
0x97: {  	_ =	strace $0x8FFFFFFF  }
0x98: {  	s18 =	sld [smem:$0x3FDB];
	_ =	sdelay $0x1  }
0x99: {  	s19 =	simm.s32 $_scs_section_size  }
0x9a: {  	s4 =	simm.s32 $_size__tile_overlayer_lowered;
	s5 =	simm.s32 $_tile_overlayer_lowered  }
0x9b: {  	s22 =	simm.s32 $0x1BFF;
	s21 =	sshll.u32 s5, $0x1;
	s2 =	sadd.s32 s19, s18  }
0x9c: {  	s6 =	simm.s32 $0x0;
	s20 =	sshll.u32 s4, $0x1;
	s4 =	sadd.s32 s21, s2  }
0x9d: {  	[timem:s6], [sflag:s22] =	dma.local [hbm:s4], s20  }
0x9e: {  	_ =	swait.ge [sflag:s22], s20  }
0x9f: {  	s3 =	ssub.s32 $0x0, s20;
	[sflag:s22] =	ssyncset.done $0x0  }
0xa0: {  	[sflag:s22] =	ssyncadd.s32 s3;
	_ =	sdelay $0x1  }
0xa1: {  	s23 =	simm.s32 $0x1B8B  }
0xa2: {  	_ =	swait.ge [sflag:s23], $0x1  }
0xa3: {  	[sflag:s23] =	ssyncset.done $0x0  }
0xa4: {  	s25 =	simm.s32 $0x1B8E;
	s24 =	sld [smem:$0x3FFE];
	[sflag:s23] =	ssyncadd.s32 $0xFFFFFFFF  }
0xa5: {  	s26 =	simm.s32 $execute0_lowered;
	[smem:$0x3FD2] =	sst s25  }
0xa6: {  	s4 =	sshll.u32 s26, $0x1;
	_ =	strace $0x80000046;
	[dreg:$0x1] =	wrdreg $0xFFFFFFFF  }
0xa7: {  	s28 =	simm.s32 $_size_execute0_lowered;
	s2 =	sadd.s32 s2, s4;
	[dreg:$0x0] =	wrdreg $0x0  }
0xa8: {  	s4 =	sshll.u32 s28, $0x1;
	[dreg:$0x2] =	wrdreg s2  }
0xa9: {  	[dreg:$0x3] =	wrdreg s4  }
0xaa: {  	[dreg:$0x4] =	wrdreg $0xC0  }
0xab: {  	_ =	task [dreg:s6], $0x5FFFF  }
0xac: {  	[dreg:$0x1] =	wrdreg $0xFFFFFFFF  }
0xad: {  	[dreg:$0x0] =	wrdreg $0x60  }
0xae: {  	[dreg:$0x2] =	wrdreg s24  }
0xaf: {  	[dreg:$0x3] =	wrdreg $0x9  }
0xb0: {  	_ =	task.clear_ibuf [dreg:s6], $0x4FFFF;
	_ =	strace $0x90000046  }
0xb1: {  	s29 =	simm.s32 $0x9;
	_ =	strace $0x8000004F  }
0xb2: {  	_ =	swait.ge [sflag:s29], $0x1  }
0xb3: {  	[sflag:s29] =	ssyncadd.s32 $0xFFFFFFFF  }
0xb4: {  	_ =	strace $0x9000004F  }
0xb5: {  	_ =	sfence  }
0xb6: {  	s30 =	sld [smem:$0x0];
	_ =	sdelay $0x2  }
0xb7: {  	s31 =	sshll.u32 s1, $0xD;
	s1 =	sshrl.u32 s1, $0x2  }
0xb8: {  	s3 =	sand.u32 $0x4000, s31;
	s1 =	sadd.s32 s1, s30  }
0xb9: {  	s0 =	sor.u32 s3, s0;
	s1 =	sshll.u32 s1, $0x11  }
0xba: {  	s0 =	sor.u32 s1, s0  }
0xbb: {  	s0 =	sadd.s32 $0x8F2B, s0  }
0xbc: {  	[sflag:s0] =	ssyncadd.remote.s32 $0x1  }
0xbd: {  	_ =	sfence.sel $0xFFFF  }
0xbe: {  	[dreg:$0x0] =	wrdreg $0xFFFFFFFF;
	(pc) =	sbr.abs _section_cstart, $3  }
0xbf: {  	[dreg:$0x1] =	wrdreg $0xFFFFFFFF  }
0xc0: {  	_ =	task.clear_ibuf [dreg:s6], $0x2FFFF;
	_ =	strace $0x9FFFFFFF  }
0xc1: {  	(tm) =	ssettm $0x7FFFFFFF  }
tec
execute0_lowered:
.L_overlay_start_1:
0x0: {  	(tag) =	ssettag $0x1  }
0x1: {  	s0 =	srdreg.scid  }
0x2: {  	s15 =	sand.u32 $0x1, s0  }
0x3: {  	s1 =	stileid.u32;
	s3 =	sshll.u32 s15, $0x4  }
0x4: {  	s10 =	rddreg [dreg:$0x0];
	s2 =	simm.s32 $0x0;
	s11 =	sor.u32 s1, s3  }
0x5: {  	[smem:$0x7FF] =	sst s2;
	s3 =	sshll.u32 s11, $0x5  }
0x6: {  	s0 =	rddreg [dreg:$0x1];
	_ =	strace $0x80000047;
	s4 =	sadd.s32 s3, s10  }
0x7: {  	_ =	strace $0x80000048;
	s3 =	sadd.s32 $0x3E00, s4  }
0x8: {  	[tilespmem:s2], [sflag:$0x1] =	stream.linear.gather [hbm4b:s3+s2], $0x80, $0x200038;
	[tilespmem:$0x8100] =	vst v63  }
0x9: {  	_ =	strace $0x90000048  }
0xa: {  	s5 =	simm.s32 $0x80;
	s4 =	sadd.s32 $0x3E10, s4;
	_ =	strace $0x80000049  }
0xb: {  	[tilespmem:s5], [sflag:$0x2] =	stream.linear.gather [hbm4b:s4+s2], $0x80, $0x200038;
	[tilespmem:$0x8100] =	vst v63  }
0xc: {  	_ =	strace $0x90000049  }
0xd: {  	s6 =	simm.s32 $0x1;
	_ =	strace $0x8000004A  }
0xe: {  	_ =	swait.ge [sflag:s6], $0x80  }
0xf: {  	[sflag:s6] =	ssyncset.done $0x0  }
0x10: {  	[sflag:s6] =	ssyncadd.s32 $0xFFFFFF80  }
0x11: {  	s8 =	simm.s32 $0x100;
	_ =	strace $0x9000004A  }
0x12: {  	s9 =	simm.s32 $0x5;
	s7 =	sadd.s32 $0x4200, s10;
	_ =	strace $0x8000004B  }
0x13: {  	[tilespmem:s8], [sflag:$0x5] =	stream.indirect.gather [hbm4b:s7+s5], $0x80, s2, s5, $0x2000b8;
	[tilespmem:$0x8100] =	vst v63  }
0x14: {  	_ =	swait.ge [sflag:s9], $0x4000  }
0x15: {  	[sflag:s9] =	ssyncset.done $0x0  }
0x16: {  	s11 =	sshll.u32 s11, $0xC;
	[sflag:s9] =	ssyncadd.s32 $0xFFFFC000  }
0x17: {  	s13 =	sadd.s32 s11, s10;
	_ =	strace $0x9000004B  }
0x18: {  	s10 =	sadd.s32 $0x8200, s13;
	_ =	strace $0x8000004C  }
0x19: {  	[hbm4b:s10+s2] =	stream.linear.scatter [tilespmem:s8], [sflag:$0x3], $0x4000, $0x200038;
	[tilespmem:$0x8100] =	vst v63  }
0x1a: {  	_ =	strace $0x9000004C  }
0x1b: {  	s11 =	simm.s32 $0x2;
	_ =	strace $0x8000004A  }
0x1c: {  	_ =	swait.ge [sflag:s11], $0x80  }
0x1d: {  	[sflag:s11] =	ssyncset.done $0x0  }
0x1e: {  	[sflag:s11] =	ssyncadd.s32 $0xFFFFFF80  }
0x1f: {  	_ =	strace $0x9000004A  }
0x20: {  	s12 =	simm.s32 $0x4100;
	_ =	strace $0x8000004B  }
0x21: {  	[tilespmem:s12], [sflag:$0x5] =	stream.indirect.gather [hbm4b:s7+s5], $0x80, s5, s5, $0x2000b8;
	[tilespmem:$0x8100] =	vst v63  }
0x22: {  	_ =	swait.ge [sflag:s9], $0x4000  }
0x23: {  	[sflag:s9] =	ssyncset.done $0x0  }
0x24: {  	[sflag:s9] =	ssyncadd.s32 $0xFFFFC000  }
0x25: {  	_ =	strace $0x9000004B  }
0x26: {  	s13 =	sadd.s32 $0x8A00, s13;
	_ =	strace $0x8000004C  }
0x27: {  	[hbm4b:s13+s2] =	stream.linear.scatter [tilespmem:s12], [sflag:$0x4], $0x4000, $0x200038;
	[tilespmem:$0x8100] =	vst v63  }
0x28: {  	s15 =	ssub.s32 $0x2, s15;
	_ =	strace $0x9000004C  }
0x29: {  	s14 =	simm.s32 $0x3;
	s16 =	sshrl.u32 s15, $0x1;
	_ =	strace $0x8000004D  }
0x2a: {  	s16 =	ssub.s32 s15, s16;
	_ =	swait.ge [sflag:s14], $0x4000  }
0x2b: {  	s16 =	smax.u32 s16, $0x1;
	[sflag:s14] =	ssyncset.done $0x0  }
0x2c: {  	p0 =	sne.s32 s16, $0x1;
	[sflag:s14] =	ssyncadd.s32 $0xFFFFC000  }
.Ltmp0:
0x2d: {  	_ =	strace $0x9000004D;
	(pc) =	sbr.rel @!p0 .LBB2_2-.Ltmp0, $4  }
0x2e: {  	s15 =	simm.s32 $0x4;
	_ =	strace $0x8000004E  }
0x2f: {  	_ =	swait.ge [sflag:s15], $0x4000  }
0x30: {  	[sflag:s15] =	ssyncset.done $0x0  }
0x31: {  	s16 =	sadd.s32 $0xFFFFFFFF, s16;
	[sflag:s15] =	ssyncadd.s32 $0xFFFFC000  }
.LBB2_1:
0x32: {  	p0 =	sne.s32 s16, $0x1;
	s16 =	sadd.s32 $0xFFFFFFFF, s16;
	_ =	strace $0x9000004E  }
0x33: {  	_ =	strace $0x80000048  }
0x34: {  	[tilespmem:s2], [sflag:$0x1] =	stream.linear.gather [hbm4b:s3+s2], $0x80, $0x200038;
	[tilespmem:$0x8100] =	vst v63  }
0x35: {  	_ =	strace $0x90000048  }
0x36: {  	_ =	strace $0x80000049  }
0x37: {  	[tilespmem:s5], [sflag:$0x2] =	stream.linear.gather [hbm4b:s4+s2], $0x80, $0x200038;
	[tilespmem:$0x8100] =	vst v63  }
0x38: {  	_ =	strace $0x90000049  }
0x39: {  	_ =	strace $0x8000004A  }
0x3a: {  	_ =	swait.ge [sflag:s6], $0x80  }
0x3b: {  	[sflag:s6] =	ssyncset.done $0x0  }
0x3c: {  	[sflag:s6] =	ssyncadd.s32 $0xFFFFFF80  }
0x3d: {  	_ =	strace $0x9000004A  }
0x3e: {  	_ =	strace $0x8000004B  }
0x3f: {  	[tilespmem:s8], [sflag:$0x5] =	stream.indirect.gather [hbm4b:s7+s5], $0x80, s2, s5, $0x2000b8;
	[tilespmem:$0x8100] =	vst v63  }
0x40: {  	_ =	swait.ge [sflag:s9], $0x4000  }
0x41: {  	[sflag:s9] =	ssyncset.done $0x0  }
0x42: {  	[sflag:s9] =	ssyncadd.s32 $0xFFFFC000  }
0x43: {  	_ =	strace $0x9000004B  }
0x44: {  	_ =	strace $0x8000004C  }
0x45: {  	[hbm4b:s10+s2] =	stream.linear.scatter [tilespmem:s8], [sflag:$0x3], $0x4000, $0x200038;
	[tilespmem:$0x8100] =	vst v63  }
0x46: {  	_ =	strace $0x9000004C  }
0x47: {  	_ =	strace $0x8000004A  }
0x48: {  	_ =	swait.ge [sflag:s11], $0x80  }
0x49: {  	[sflag:s11] =	ssyncset.done $0x0  }
0x4a: {  	[sflag:s11] =	ssyncadd.s32 $0xFFFFFF80  }
0x4b: {  	_ =	strace $0x9000004A  }
0x4c: {  	_ =	strace $0x8000004B  }
0x4d: {  	[tilespmem:s12], [sflag:$0x5] =	stream.indirect.gather [hbm4b:s7+s5], $0x80, s5, s5, $0x2000b8;
	[tilespmem:$0x8100] =	vst v63  }
0x4e: {  	_ =	swait.ge [sflag:s9], $0x4000  }
0x4f: {  	[sflag:s9] =	ssyncset.done $0x0  }
0x50: {  	[sflag:s9] =	ssyncadd.s32 $0xFFFFC000  }
0x51: {  	_ =	strace $0x9000004B  }
0x52: {  	_ =	strace $0x8000004C  }
0x53: {  	[hbm4b:s13+s2] =	stream.linear.scatter [tilespmem:s12], [sflag:$0x4], $0x4000, $0x200038;
	[tilespmem:$0x8100] =	vst v63  }
0x54: {  	_ =	strace $0x9000004C  }
0x55: {  	_ =	strace $0x8000004D  }
0x56: {  	_ =	swait.ge [sflag:s14], $0x4000  }
0x57: {  	[sflag:s14] =	ssyncset.done $0x0  }
0x58: {  	[sflag:s14] =	ssyncadd.s32 $0xFFFFC000  }
.Ltmp1:
0x59: {  	_ =	strace $0x9000004D;
	(pc) =	sbr.rel @p0 .LBB2_1-.Ltmp1, $4  }
0x5a: {  	_ =	strace $0x8000004E  }
0x5b: {  	_ =	swait.ge [sflag:s15], $0x4000  }
0x5c: {  	[sflag:s15] =	ssyncset.done $0x0  }
0x5d: {  	[sflag:s15] =	ssyncadd.s32 $0xFFFFC000  }
.LBB2_2:
0x5e: {  	_ =	strace $0x9000004E  }
0x5f: {  	_ =	sfence.sel $0x180000  }
0x60: {  	[bflag:$0x0] =	sbarrier.arrive $0xFFFF  }
0x61: {  	p0 =	sne.s32 s1, $0x0;
	_ =	strace $0x90000047  }
0x62: {  	s0 =	sadd.s32 @!p0 $0x100000, s0;
	[bflag:$0x2] =	sbarrier.arrive $0xFFFF  }
0x63: {  	[sflag:s0] =	ssyncadd.tile.s32 @!p0 $0x1;
	_ =	shalt  }
.Lfunc_end2:
_tile_overlayer_lowered:
.L_overlay_start_2:
0x64: {  	(tag) =	ssettag $0x2  }
0x65: {  	s0 =	rddreg [dreg:$0x0];
	s2 =	stileid.u32  }
0x66: {  	s1 =	rddreg [dreg:$0x1];
	p0 =	sne.s32 s2, $0x0  }
0x67: {  	s3 =	rddreg [dreg:$0x2];
	[bflag:$0x3] =	sbarrier.arrive $0xFFFF;
	s2 =	simm.s32 @!p0 $0x1C01  }
0x68: {  	[timem:s3], [sflag:s2] =	dma.local @!p0 [hbm:s0], s1  }
0x69: {  	s0 =	simm.s32 @!p0 $0x1  }
0x6a: {  	_ =	swait.ge @!p0 [sflag:s0], s1  }
0x6b: {  	s1 =	ssub.s32 @!p0 $0x0, s1;
	[sflag:s0] =	ssyncset.done @!p0 $0x0  }
0x6c: {  	[sflag:s0] =	ssyncadd.s32 @!p0 s1  }
0x6d: {  	[bflag:$0x3] =	sbarrier.arrive $0xFFFF  }
0x6e: {  	_ =	shalt  }

// kernel: kernel.17.cloned.1.call-start
scs
__scs_entry_jumppad:
0x0: {  	(pc) =	sbr.rel $0x88, $3  }
0x1: {  	(tag) =	ssettag $0x0;
	lr =	simm.s32 $0x1  }
0x2: {  	[smem:$0x3F99] =	sst lr;
	_ =	strace $0xD0000000  }
0x3: {  	_ = 	snop  }
0x4: {  	_ = 	snop  }
0x5: {  	_ = 	snop  }
0x6: {  	_ = 	snop  }
0x7: {  	_ = 	snop  }
__scs_overlays_trampoline_lowered:
0x8: {  	[smem:$0x3FA8] =	sst s0  }
0x9: {  	[smem:$0x3FA9] =	sst s1  }
0xa: {  	[smem:$0x3FAA] =	sst s2  }
0xb: {  	[smem:$0x3FAB] =	sst s3  }
0xc: {  	[smem:$0x3FAC] =	sst s4  }
0xd: {  	[smem:$0x3FAD] =	sst s5  }
0xe: {  	[smem:$0x3FAE] =	sst s6  }
0xf: {  	[smem:$0x3FAF] =	sst s7  }
0x10: {  	[smem:$0x3FB0] =	sst s8  }
0x11: {  	[smem:$0x3FB1] =	sst s9;
	s0 =	simm.s32 @!p0 $0x0  }
0x12: {  	s1 =	sld [smem:$0x3F97];
	s0 =	simm.s32 @p0 $0x1  }
0x13: {  	[smem:$0x3FB2] =	sst s0;
	s0 =	simm.s32 @!p1 $0x0  }
0x14: {  	s2 =	sld [smem:$0x3F96];
	s0 =	simm.s32 @p1 $0x1  }
0x15: {  	[smem:$0x3FB3] =	sst s0;
	s0 =	simm.s32 @!p2 $0x0  }
0x16: {  	s3 =	sld [smem:$0x3FDB];
	s0 =	simm.s32 @p2 $0x1  }
0x17: {  	s4 =	simm.s32 $0x1BF5;
	[smem:$0x3FB5] =	sst s0  }
0x18: {  	s0 =	sld [smem:$0x3F98];
	_ =	swait.ge [sflag:s4], $0x0  }
0x19: {  	s7 =	sld [smem:$0x3F99]  }
0x1a: {  	s8 =	sadd.s32 $0xFFFFE003, lr  }
0x1b: {  	s9 =	sadd.s32 $0xFFFFFEF7, lr;
	s5 =	simm.s32 $0xFFFFFFFF;
	p2 =	slt.u32 s8, $0xFFFFF086  }
0x1c: {  	p1 =	slt.u32 s9, $0xF7A;
	s5 =	simm.s32 @!p2 $0x0  }
0x1d: {  	s5 =	simm.s32 @p1 $0x1;
	p0 =	seq.s32 s7, s2  }
0x1e: {  	s7 =	smul.u32 @!p0 $0xF7A, s2;
	p2 =	seq.s32 @!p0 s5, $0x0  }
0x1f: {  	s9 =	smul.u32 $0xF7A, s1;
	s8 =	simm.s32 @!p0 $0x1BF5;
	p2 =	por !p2, p0  }
0x20: {  	[sflag:s8] =	ssyncset.s32 @!p0 $0xFFFFF086;
	s6 =	sadd.s32 @!p0 s3, s7;
	s7 =	simm.s32 @!p0 $0x108  }
0x21: {  	s3 =	sadd.s32 s3, s9;
	s6 =	sadd.s32 @!p0 $0x88, s6;
	s7 =	simm.s32 @p2 $0x1082  }
0x22: {  	[simem:s7], [sflag:s8] =	dma.local @!p0 [hbm:s6], $0xF7A  }
0x23: {  	s9 =	sor.u32 $0xD0000000, s2;
	s6 =	simm.s32 $0x108;
	_ =	swait.ge @!p0 [sflag:s8], $0x0  }
0x24: {  	s3 =	sadd.s32 $0x88, s3;
	s6 =	simm.s32 @!p1 $0x1082;
	[sflag:s4] =	ssyncset.s32 $0xFFFFF086  }
0x25: {  	[simem:s6], [sflag:s4] =	dma.local [hbm:s3], $0xF7A  }
0x26: {  	[smem:$0x3F99] =	sst s1;
	(tag) =	ssettag s2;
	_ =	strace s9  }
0x27: {  	s1 =	sld [smem:$0x3FA9]  }
0x28: {  	s2 =	sld [smem:$0x3FAA]  }
0x29: {  	s4 =	sld [smem:$0x3FAC]  }
0x2a: {  	p0 =	seq.s32 s5, $0x0;
	s5 =	sld [smem:$0x3FAD]  }
0x2b: {  	s6 =	sld [smem:$0x3FAE]  }
0x2c: {  	s7 =	sld [smem:$0x3FAF]  }
0x2d: {  	s3 =	simm.s32 $0x108;
	s8 =	sld [smem:$0x3FB0]  }
0x2e: {  	s3 =	simm.s32 @!p0 $0x1082;
	s9 =	sld [smem:$0x3FB1]  }
0x2f: {  	lr =	sadd.s32 s0, s3;
	s0 =	sld [smem:$0x3FA8]  }
0x30: {  	s3 =	sld [smem:$0x3FAB]  }
0x31: {  	[smem:$0x3FB4] =	sst s10  }
0x32: {  	s10 =	sld [smem:$0x3FB2];
	_ =	sdelay $0x3  }
0x33: {  	p0 =	seq.s32 s10, $0x1;
	s10 =	sld [smem:$0x3FB4];
	_ =	sdelay $0x3  }
0x34: {  	[smem:$0x3FB4] =	sst s10  }
0x35: {  	s10 =	sld [smem:$0x3FB3];
	_ =	sdelay $0x3  }
0x36: {  	p1 =	seq.s32 s10, $0x1;
	s10 =	sld [smem:$0x3FB4];
	_ =	sdelay $0x3  }
0x37: {  	[smem:$0x3FB4] =	sst s10  }
0x38: {  	s10 =	sld [smem:$0x3FB5]  }
0x39: {  	_ = 	snop;
	(pc) =	sbr.ind lr, $3  }
0x3a: {  	_ = 	snop  }
0x3b: {  	_ = 	snop  }
0x3c: {  	p2 =	seq.s32 s10, $0x1;
	s10 =	sld [smem:$0x3FB4]  }
0x3d: {  	_ =	shalt  }
0x3e: {  	_ =	shalt  }
0x3f: {  	_ =	shalt  }
0x40: {  	_ =	shalt  }
0x41: {  	_ =	shalt  }
0x42: {  	_ =	shalt  }
0x43: {  	_ =	shalt  }
0x44: {  	_ =	shalt  }
0x45: {  	_ =	shalt  }
0x46: {  	_ =	shalt  }
0x47: {  	_ =	shalt  }
0x48: {  	_ =	shalt  }
0x49: {  	_ =	shalt  }
0x4a: {  	_ =	shalt  }
0x4b: {  	_ =	shalt  }
0x4c: {  	_ =	shalt  }
0x4d: {  	_ =	shalt  }
0x4e: {  	_ =	shalt  }
0x4f: {  	_ =	shalt  }
0x50: {  	_ =	shalt  }
0x51: {  	_ =	shalt  }
0x52: {  	_ =	shalt  }
0x53: {  	_ =	shalt  }
0x54: {  	_ =	shalt  }
0x55: {  	_ =	shalt  }
0x56: {  	_ =	shalt  }
0x57: {  	_ =	shalt  }
0x58: {  	_ =	shalt  }
0x59: {  	_ =	shalt  }
0x5a: {  	_ =	shalt  }
0x5b: {  	_ =	shalt  }
0x5c: {  	_ =	shalt  }
0x5d: {  	_ =	shalt  }
0x5e: {  	_ =	shalt  }
0x5f: {  	_ =	shalt  }
0x60: {  	_ =	shalt  }
0x61: {  	_ =	shalt  }
0x62: {  	_ =	shalt  }
0x63: {  	_ =	shalt  }
0x64: {  	_ =	shalt  }
0x65: {  	_ =	shalt  }
0x66: {  	_ =	shalt  }
0x67: {  	_ =	shalt  }
0x68: {  	_ =	shalt  }
0x69: {  	_ =	shalt  }
0x6a: {  	_ =	shalt  }
0x6b: {  	_ =	shalt  }
0x6c: {  	_ =	shalt  }
0x6d: {  	_ =	shalt  }
0x6e: {  	_ =	shalt  }
0x6f: {  	_ =	shalt  }
0x70: {  	_ =	shalt  }
0x71: {  	_ =	shalt  }
0x72: {  	_ =	shalt  }
0x73: {  	_ =	shalt  }
0x74: {  	_ =	shalt  }
0x75: {  	_ =	shalt  }
0x76: {  	_ =	shalt  }
0x77: {  	_ =	shalt  }
0x78: {  	_ =	shalt  }
0x79: {  	_ =	shalt  }
0x7a: {  	_ =	shalt  }
0x7b: {  	_ =	shalt  }
0x7c: {  	_ =	shalt  }
0x7d: {  	_ =	shalt  }
0x7e: {  	_ =	shalt  }
0x7f: {  	_ =	shalt  }
0x80: {  	_ =	shalt  }
0x81: {  	_ =	shalt  }
0x82: {  	_ =	shalt  }
0x83: {  	_ =	shalt  }
0x84: {  	_ =	shalt  }
0x85: {  	_ =	shalt  }
0x86: {  	_ =	shalt  }
0x87: {  	_ =	shalt  }
.Lfunc_end0:
.L_simem_size_0:
called_computation.1_lowered:
.L_overlay_start_0:
0x88: {  	s2 =	sld [smem:$0x3FD9]  }
0x89: {  	s3 =	sld [smem:$0x3FFE];
	_ =	sdelay $0x1  }
0x8a: {  	s1 =	srdreg.scid  }
0x8b: {  	s0 =	sand.u32 $0x1, s1  }
0x8c: {  	s17 =	sshll.u32 s0, $0xA;
	s2 =	sadd.s32 s3, s2  }
0x8d: {  	s2 =	sadd.s32 s2, s17  }
0x8e: {  	[smem:$0x3FC0] =	sst s2  }
0x8f: {  	_ = 	snop  }
0x90: {  	(tm) =	ssettm $0x1  }
0x91: {  	s18 =	sld [smem:$0x3FFB];
	_ =	sdelay $0x3  }
0x92: {  	_ =	strace s18  }
0x93: {  	s2 =	sld [smem:$0x3FFC];
	_ =	sdelay $0x3  }
0x94: {  	_ =	strace s2  }
0x95: {  	s2 =	sld [smem:$0x3FFD];
	_ =	sdelay $0x3  }
0x96: {  	_ =	strace s2  }
0x97: {  	_ =	strace $0x8FFFFFFF  }
0x98: {  	s19 =	sld [smem:$0x3FDB];
	_ =	sdelay $0x1  }
0x99: {  	s20 =	simm.s32 $_scs_section_size  }
0x9a: {  	s4 =	simm.s32 $_size__tile_overlayer_lowered;
	s5 =	simm.s32 $_tile_overlayer_lowered  }
0x9b: {  	s6 =	simm.s32 $0x1BFF;
	s21 =	sshll.u32 s5, $0x1;
	s3 =	sadd.s32 s20, s19  }
0x9c: {  	s22 =	simm.s32 $0x0;
	s4 =	sshll.u32 s4, $0x1;
	s5 =	sadd.s32 s21, s3  }
0x9d: {  	[timem:s22], [sflag:s6] =	dma.local [hbm:s5], s4  }
0x9e: {  	_ =	swait.ge [sflag:s6], s4  }
0x9f: {  	s4 =	ssub.s32 $0x0, s4;
	[sflag:s6] =	ssyncset.done $0x0  }
0xa0: {  	[sflag:s6] =	ssyncadd.s32 s4;
	_ =	sdelay $0x1  }
0xa1: {  	s23 =	simm.s32 $0x1B8B  }
0xa2: {  	_ =	swait.ge [sflag:s23], $0x1  }
0xa3: {  	[sflag:s23] =	ssyncset.done $0x0  }
0xa4: {  	[sflag:s23] =	ssyncadd.s32 $0xFFFFFFFF  }
0xa5: {  	s4 =	sld [smem:$0x0]  }
0xa6: {  	s5 =	sand.u32 $0xFFFFFFFE, s1  }
0xa7: {  	p0 =	sne.s32 s1, s5  }
0xa8: {  	s5 =	sshll.u32 @p0 s5, $0xE  }
0xa9: {  	s5 =	sadd.s32 @p0 $0x11B8D, s5;
	s6 =	sshll.u32 @p0 s4, $0x11  }
0xaa: {  	s5 =	sor.u32 @p0 s6, s5  }
0xab: {  	[sflag:s5] =	ssyncadd.remote.s32 @p0 $0x1;
	_ =	sdelay $0x1  }
0xac: {  	s5 =	simm.s32 @p0 $0x1B8D  }
0xad: {  	_ =	swait.eq @p0 [sflag:s5], $0x1  }
0xae: {  	[sflag:s5] =	ssyncadd.s32 @p0 $0xFFFFFFFF  }
0xaf: {  	s6 =	sshll.u32 @!p0 s1, $0xE  }
0xb0: {  	s6 =	sor.u32 @!p0 $0x4000, s6;
	s5 =	simm.s32 @!p0 $0x1B8D  }
0xb1: {  	s4 =	sshll.u32 @!p0 s4, $0x11;
	s6 =	sadd.s32 @!p0 $0x11B8D, s6;
	_ =	swait.eq @!p0 [sflag:s5], $0x1  }
0xb2: {  	s4 =	sor.u32 @!p0 s4, s6;
	[sflag:s5] =	ssyncadd.s32 @!p0 $0xFFFFFFFF  }
0xb3: {  	s25 =	simm.s32 $0x1B8E;
	s24 =	sld [smem:$0x3FFE];
	[sflag:s4] =	ssyncadd.remote.s32 @!p0 $0x1  }
0xb4: {  	s26 =	simm.s32 $execute0_lowered;
	[smem:$0x3FD2] =	sst s25  }
0xb5: {  	s5 =	sshll.u32 s26, $0x1;
	_ =	strace $0x80000050;
	[dreg:$0x1] =	wrdreg $0xFFFFFFFF  }
0xb6: {  	s28 =	simm.s32 $_size_execute0_lowered;
	s3 =	sadd.s32 s3, s5;
	[dreg:$0x0] =	wrdreg $0x0  }
0xb7: {  	s5 =	sshll.u32 s28, $0x1;
	[dreg:$0x2] =	wrdreg s3  }
0xb8: {  	[dreg:$0x3] =	wrdreg s5  }
0xb9: {  	[dreg:$0x4] =	wrdreg $0xC0  }
0xba: {  	_ =	task [dreg:s22], $0x5FFFF  }
0xbb: {  	[dreg:$0x1] =	wrdreg $0xFFFFFFFF  }
0xbc: {  	[dreg:$0x0] =	wrdreg $0x60  }
0xbd: {  	[dreg:$0x2] =	wrdreg s24  }
0xbe: {  	[dreg:$0x3] =	wrdreg $0xA  }
0xbf: {  	_ =	task.clear_ibuf [dreg:s22], $0x4FFFF;
	_ =	strace $0x90000050  }
0xc0: {  	s29 =	simm.s32 $0xA;
	_ =	strace $0x80000059  }
0xc1: {  	_ =	swait.ge [sflag:s29], $0x1  }
0xc2: {  	[sflag:s29] =	ssyncadd.s32 $0xFFFFFFFF  }
0xc3: {  	_ =	strace $0x90000059  }
0xc4: {  	_ =	sfence  }
0xc5: {  	s30 =	sld [smem:$0x0];
	_ =	sdelay $0x2  }
0xc6: {  	s31 =	sshll.u32 s1, $0xD;
	s1 =	sshrl.u32 s1, $0x2  }
0xc7: {  	s4 =	sand.u32 $0x4000, s31;
	s1 =	sadd.s32 s1, s30  }
0xc8: {  	s0 =	sor.u32 s4, s0;
	s1 =	sshll.u32 s1, $0x11  }
0xc9: {  	s0 =	sor.u32 s1, s0  }
0xca: {  	s0 =	sadd.s32 $0x8F2B, s0  }
0xcb: {  	[sflag:s0] =	ssyncadd.remote.s32 $0x1  }
0xcc: {  	_ =	sfence.sel $0xFFFF  }
0xcd: {  	[dreg:$0x0] =	wrdreg $0xFFFFFFFF;
	(pc) =	sbr.abs _section_cstart, $3  }
0xce: {  	[dreg:$0x1] =	wrdreg $0xFFFFFFFF  }
0xcf: {  	_ =	task.clear_ibuf [dreg:s22], $0x2FFFF;
	_ =	strace $0x9FFFFFFF  }
0xd0: {  	(tm) =	ssettm $0x7FFFFFFF  }
0xd1: {  	_ =	shalt  }
tec
execute0_lowered:
.L_overlay_start_1:
0x0: {  	(tag) =	ssettag $0x1  }
0x1: {  	s0 =	srdreg.scid  }
0x2: {  	s15 =	sand.u32 $0x1, s0  }
0x3: {  	s1 =	stileid.u32;
	s3 =	sshll.u32 s15, $0x4  }
0x4: {  	s10 =	rddreg [dreg:$0x0];
	s2 =	simm.s32 $0x0;
	s11 =	sor.u32 s1, s3  }
0x5: {  	[smem:$0x7FF] =	sst s2;
	s3 =	sshll.u32 s11, $0x5  }
0x6: {  	s0 =	rddreg [dreg:$0x1];
	_ =	strace $0x80000051;
	s4 =	sadd.s32 s3, s10  }
0x7: {  	_ =	strace $0x80000052;
	s3 =	sadd.s32 $0x28200, s4  }
0x8: {  	[tilespmem:s2], [sflag:$0x1] =	stream.linear.gather [hbm4b:s3+s2], $0x80, $0x200038;
	[tilespmem:$0x8100] =	vst v63  }
0x9: {  	_ =	strace $0x90000052  }
0xa: {  	s5 =	simm.s32 $0x80;
	s4 =	sadd.s32 $0x28210, s4;
	_ =	strace $0x80000053  }
0xb: {  	[tilespmem:s5], [sflag:$0x2] =	stream.linear.gather [hbm4b:s4+s2], $0x80, $0x200038;
	[tilespmem:$0x8100] =	vst v63  }
0xc: {  	_ =	strace $0x90000053  }
0xd: {  	s6 =	simm.s32 $0x1;
	_ =	strace $0x80000054  }
0xe: {  	_ =	swait.ge [sflag:s6], $0x80  }
0xf: {  	[sflag:s6] =	ssyncset.done $0x0  }
0x10: {  	[sflag:s6] =	ssyncadd.s32 $0xFFFFFF80  }
0x11: {  	s8 =	simm.s32 $0x100;
	_ =	strace $0x90000054  }
0x12: {  	s9 =	simm.s32 $0x5;
	s7 =	sadd.s32 $0x28600, s10;
	_ =	strace $0x80000055  }
0x13: {  	[tilespmem:s8], [sflag:$0x5] =	stream.indirect.gather [hbm4b:s7+s5], $0x80, s2, s5, $0x2000b8;
	[tilespmem:$0x8100] =	vst v63  }
0x14: {  	_ =	swait.ge [sflag:s9], $0x4000  }
0x15: {  	[sflag:s9] =	ssyncset.done $0x0  }
0x16: {  	s11 =	sshll.u32 s11, $0xC;
	[sflag:s9] =	ssyncadd.s32 $0xFFFFC000  }
0x17: {  	s13 =	sadd.s32 s11, s10;
	_ =	strace $0x90000055  }
0x18: {  	s10 =	sadd.s32 $0x2C600, s13;
	_ =	strace $0x80000056  }
0x19: {  	[hbm4b:s10+s2] =	stream.linear.scatter [tilespmem:s8], [sflag:$0x3], $0x4000, $0x200038;
	[tilespmem:$0x8100] =	vst v63  }
0x1a: {  	_ =	strace $0x90000056  }
0x1b: {  	s11 =	simm.s32 $0x2;
	_ =	strace $0x80000054  }
0x1c: {  	_ =	swait.ge [sflag:s11], $0x80  }
0x1d: {  	[sflag:s11] =	ssyncset.done $0x0  }
0x1e: {  	[sflag:s11] =	ssyncadd.s32 $0xFFFFFF80  }
0x1f: {  	_ =	strace $0x90000054  }
0x20: {  	s12 =	simm.s32 $0x4100;
	_ =	strace $0x80000055  }
0x21: {  	[tilespmem:s12], [sflag:$0x5] =	stream.indirect.gather [hbm4b:s7+s5], $0x80, s5, s5, $0x2000b8;
	[tilespmem:$0x8100] =	vst v63  }
0x22: {  	_ =	swait.ge [sflag:s9], $0x4000  }
0x23: {  	[sflag:s9] =	ssyncset.done $0x0  }
0x24: {  	[sflag:s9] =	ssyncadd.s32 $0xFFFFC000  }
0x25: {  	_ =	strace $0x90000055  }
0x26: {  	s13 =	sadd.s32 $0x2CE00, s13;
	_ =	strace $0x80000056  }
0x27: {  	[hbm4b:s13+s2] =	stream.linear.scatter [tilespmem:s12], [sflag:$0x4], $0x4000, $0x200038;
	[tilespmem:$0x8100] =	vst v63  }
0x28: {  	s15 =	ssub.s32 $0x2, s15;
	_ =	strace $0x90000056  }
0x29: {  	s14 =	simm.s32 $0x3;
	s16 =	sshrl.u32 s15, $0x1;
	_ =	strace $0x80000057  }
0x2a: {  	s16 =	ssub.s32 s15, s16;
	_ =	swait.ge [sflag:s14], $0x4000  }
0x2b: {  	s16 =	smax.u32 s16, $0x1;
	[sflag:s14] =	ssyncset.done $0x0  }
0x2c: {  	p0 =	sne.s32 s16, $0x1;
	[sflag:s14] =	ssyncadd.s32 $0xFFFFC000  }
.Ltmp0:
0x2d: {  	_ =	strace $0x90000057;
	(pc) =	sbr.rel @!p0 .LBB2_2-.Ltmp0, $4  }
0x2e: {  	s15 =	simm.s32 $0x4;
	_ =	strace $0x80000058  }
0x2f: {  	_ =	swait.ge [sflag:s15], $0x4000  }
0x30: {  	[sflag:s15] =	ssyncset.done $0x0  }
0x31: {  	s16 =	sadd.s32 $0xFFFFFFFF, s16;
	[sflag:s15] =	ssyncadd.s32 $0xFFFFC000  }
.LBB2_1:
0x32: {  	p0 =	sne.s32 s16, $0x1;
	s16 =	sadd.s32 $0xFFFFFFFF, s16;
	_ =	strace $0x90000058  }
0x33: {  	_ =	strace $0x80000052  }
0x34: {  	[tilespmem:s2], [sflag:$0x1] =	stream.linear.gather [hbm4b:s3+s2], $0x80, $0x200038;
	[tilespmem:$0x8100] =	vst v63  }
0x35: {  	_ =	strace $0x90000052  }
0x36: {  	_ =	strace $0x80000053  }
0x37: {  	[tilespmem:s5], [sflag:$0x2] =	stream.linear.gather [hbm4b:s4+s2], $0x80, $0x200038;
	[tilespmem:$0x8100] =	vst v63  }
0x38: {  	_ =	strace $0x90000053  }
0x39: {  	_ =	strace $0x80000054  }
0x3a: {  	_ =	swait.ge [sflag:s6], $0x80  }
0x3b: {  	[sflag:s6] =	ssyncset.done $0x0  }
0x3c: {  	[sflag:s6] =	ssyncadd.s32 $0xFFFFFF80  }
0x3d: {  	_ =	strace $0x90000054  }
0x3e: {  	_ =	strace $0x80000055  }
0x3f: {  	[tilespmem:s8], [sflag:$0x5] =	stream.indirect.gather [hbm4b:s7+s5], $0x80, s2, s5, $0x2000b8;
	[tilespmem:$0x8100] =	vst v63  }
0x40: {  	_ =	swait.ge [sflag:s9], $0x4000  }
0x41: {  	[sflag:s9] =	ssyncset.done $0x0  }
0x42: {  	[sflag:s9] =	ssyncadd.s32 $0xFFFFC000  }
0x43: {  	_ =	strace $0x90000055  }
0x44: {  	_ =	strace $0x80000056  }
0x45: {  	[hbm4b:s10+s2] =	stream.linear.scatter [tilespmem:s8], [sflag:$0x3], $0x4000, $0x200038;
	[tilespmem:$0x8100] =	vst v63  }
0x46: {  	_ =	strace $0x90000056  }
0x47: {  	_ =	strace $0x80000054  }
0x48: {  	_ =	swait.ge [sflag:s11], $0x80  }
0x49: {  	[sflag:s11] =	ssyncset.done $0x0  }
0x4a: {  	[sflag:s11] =	ssyncadd.s32 $0xFFFFFF80  }
0x4b: {  	_ =	strace $0x90000054  }
0x4c: {  	_ =	strace $0x80000055  }
0x4d: {  	[tilespmem:s12], [sflag:$0x5] =	stream.indirect.gather [hbm4b:s7+s5], $0x80, s5, s5, $0x2000b8;
	[tilespmem:$0x8100] =	vst v63  }
0x4e: {  	_ =	swait.ge [sflag:s9], $0x4000  }
0x4f: {  	[sflag:s9] =	ssyncset.done $0x0  }
0x50: {  	[sflag:s9] =	ssyncadd.s32 $0xFFFFC000  }
0x51: {  	_ =	strace $0x90000055  }
0x52: {  	_ =	strace $0x80000056  }
0x53: {  	[hbm4b:s13+s2] =	stream.linear.scatter [tilespmem:s12], [sflag:$0x4], $0x4000, $0x200038;
	[tilespmem:$0x8100] =	vst v63  }
0x54: {  	_ =	strace $0x90000056  }
0x55: {  	_ =	strace $0x80000057  }
0x56: {  	_ =	swait.ge [sflag:s14], $0x4000  }
0x57: {  	[sflag:s14] =	ssyncset.done $0x0  }
0x58: {  	[sflag:s14] =	ssyncadd.s32 $0xFFFFC000  }
.Ltmp1:
0x59: {  	_ =	strace $0x90000057;
	(pc) =	sbr.rel @p0 .LBB2_1-.Ltmp1, $4  }
0x5a: {  	_ =	strace $0x80000058  }
0x5b: {  	_ =	swait.ge [sflag:s15], $0x4000  }
0x5c: {  	[sflag:s15] =	ssyncset.done $0x0  }
0x5d: {  	[sflag:s15] =	ssyncadd.s32 $0xFFFFC000  }
.LBB2_2:
0x5e: {  	_ =	strace $0x90000058  }
0x5f: {  	_ =	sfence.sel $0x180000  }
0x60: {  	[bflag:$0x0] =	sbarrier.arrive $0xFFFF  }
0x61: {  	p0 =	sne.s32 s1, $0x0;
	_ =	strace $0x90000051  }
0x62: {  	s0 =	sadd.s32 @!p0 $0x100000, s0;
	[bflag:$0x2] =	sbarrier.arrive $0xFFFF  }
0x63: {  	[sflag:s0] =	ssyncadd.tile.s32 @!p0 $0x1;
	_ =	shalt  }
.Lfunc_end2:
_tile_overlayer_lowered:
.L_overlay_start_2:
0x64: {  	(tag) =	ssettag $0x2  }
0x65: {  	s0 =	rddreg [dreg:$0x0];
	s2 =	stileid.u32  }
0x66: {  	s1 =	rddreg [dreg:$0x1];
	p0 =	sne.s32 s2, $0x0  }
0x67: {  	s3 =	rddreg [dreg:$0x2];
	[bflag:$0x3] =	sbarrier.arrive $0xFFFF;
	s2 =	simm.s32 @!p0 $0x1C01  }
0x68: {  	[timem:s3], [sflag:s2] =	dma.local @!p0 [hbm:s0], s1  }
0x69: {  	s0 =	simm.s32 @!p0 $0x1  }
0x6a: {  	_ =	swait.ge @!p0 [sflag:s0], s1  }
0x6b: {  	s1 =	ssub.s32 @!p0 $0x0, s1;
	[sflag:s0] =	ssyncset.done @!p0 $0x0  }
0x6c: {  	[sflag:s0] =	ssyncadd.s32 @!p0 s1  }
0x6d: {  	[bflag:$0x3] =	sbarrier.arrive $0xFFFF  }
0x6e: {  	_ =	shalt  }

// kernel: kernel.20.cloned.1.call-start
scs
__scs_entry_jumppad:
0x0: {  	(pc) =	sbr.rel $0x88, $3  }
0x1: {  	(tag) =	ssettag $0x0;
	lr =	simm.s32 $0x1  }
0x2: {  	[smem:$0x3F99] =	sst lr;
	_ =	strace $0xD0000000  }
0x3: {  	_ = 	snop  }
0x4: {  	_ = 	snop  }
0x5: {  	_ = 	snop  }
0x6: {  	_ = 	snop  }
0x7: {  	_ = 	snop  }
__scs_overlays_trampoline_lowered:
0x8: {  	[smem:$0x3FA8] =	sst s0  }
0x9: {  	[smem:$0x3FA9] =	sst s1  }
0xa: {  	[smem:$0x3FAA] =	sst s2  }
0xb: {  	[smem:$0x3FAB] =	sst s3  }
0xc: {  	[smem:$0x3FAC] =	sst s4  }
0xd: {  	[smem:$0x3FAD] =	sst s5  }
0xe: {  	[smem:$0x3FAE] =	sst s6  }
0xf: {  	[smem:$0x3FAF] =	sst s7  }
0x10: {  	[smem:$0x3FB0] =	sst s8  }
0x11: {  	[smem:$0x3FB1] =	sst s9;
	s0 =	simm.s32 @!p0 $0x0  }
0x12: {  	s1 =	sld [smem:$0x3F97];
	s0 =	simm.s32 @p0 $0x1  }
0x13: {  	[smem:$0x3FB2] =	sst s0;
	s0 =	simm.s32 @!p1 $0x0  }
0x14: {  	s2 =	sld [smem:$0x3F96];
	s0 =	simm.s32 @p1 $0x1  }
0x15: {  	[smem:$0x3FB3] =	sst s0;
	s0 =	simm.s32 @!p2 $0x0  }
0x16: {  	s3 =	sld [smem:$0x3FDB];
	s0 =	simm.s32 @p2 $0x1  }
0x17: {  	s4 =	simm.s32 $0x1BF5;
	[smem:$0x3FB5] =	sst s0  }
0x18: {  	s0 =	sld [smem:$0x3F98];
	_ =	swait.ge [sflag:s4], $0x0  }
0x19: {  	s7 =	sld [smem:$0x3F99]  }
0x1a: {  	s8 =	sadd.s32 $0xFFFFE003, lr  }
0x1b: {  	s9 =	sadd.s32 $0xFFFFFEF7, lr;
	s5 =	simm.s32 $0xFFFFFFFF;
	p2 =	slt.u32 s8, $0xFFFFF086  }
0x1c: {  	p1 =	slt.u32 s9, $0xF7A;
	s5 =	simm.s32 @!p2 $0x0  }
0x1d: {  	s5 =	simm.s32 @p1 $0x1;
	p0 =	seq.s32 s7, s2  }
0x1e: {  	s7 =	smul.u32 @!p0 $0xF7A, s2;
	p2 =	seq.s32 @!p0 s5, $0x0  }
0x1f: {  	s9 =	smul.u32 $0xF7A, s1;
	s8 =	simm.s32 @!p0 $0x1BF5;
	p2 =	por !p2, p0  }
0x20: {  	[sflag:s8] =	ssyncset.s32 @!p0 $0xFFFFF086;
	s6 =	sadd.s32 @!p0 s3, s7;
	s7 =	simm.s32 @!p0 $0x108  }
0x21: {  	s3 =	sadd.s32 s3, s9;
	s6 =	sadd.s32 @!p0 $0x88, s6;
	s7 =	simm.s32 @p2 $0x1082  }
0x22: {  	[simem:s7], [sflag:s8] =	dma.local @!p0 [hbm:s6], $0xF7A  }
0x23: {  	s9 =	sor.u32 $0xD0000000, s2;
	s6 =	simm.s32 $0x108;
	_ =	swait.ge @!p0 [sflag:s8], $0x0  }
0x24: {  	s3 =	sadd.s32 $0x88, s3;
	s6 =	simm.s32 @!p1 $0x1082;
	[sflag:s4] =	ssyncset.s32 $0xFFFFF086  }
0x25: {  	[simem:s6], [sflag:s4] =	dma.local [hbm:s3], $0xF7A  }
0x26: {  	[smem:$0x3F99] =	sst s1;
	(tag) =	ssettag s2;
	_ =	strace s9  }
0x27: {  	s1 =	sld [smem:$0x3FA9]  }
0x28: {  	s2 =	sld [smem:$0x3FAA]  }
0x29: {  	s4 =	sld [smem:$0x3FAC]  }
0x2a: {  	p0 =	seq.s32 s5, $0x0;
	s5 =	sld [smem:$0x3FAD]  }
0x2b: {  	s6 =	sld [smem:$0x3FAE]  }
0x2c: {  	s7 =	sld [smem:$0x3FAF]  }
0x2d: {  	s3 =	simm.s32 $0x108;
	s8 =	sld [smem:$0x3FB0]  }
0x2e: {  	s3 =	simm.s32 @!p0 $0x1082;
	s9 =	sld [smem:$0x3FB1]  }
0x2f: {  	lr =	sadd.s32 s0, s3;
	s0 =	sld [smem:$0x3FA8]  }
0x30: {  	s3 =	sld [smem:$0x3FAB]  }
0x31: {  	[smem:$0x3FB4] =	sst s10  }
0x32: {  	s10 =	sld [smem:$0x3FB2];
	_ =	sdelay $0x3  }
0x33: {  	p0 =	seq.s32 s10, $0x1;
	s10 =	sld [smem:$0x3FB4];
	_ =	sdelay $0x3  }
0x34: {  	[smem:$0x3FB4] =	sst s10  }
0x35: {  	s10 =	sld [smem:$0x3FB3];
	_ =	sdelay $0x3  }
0x36: {  	p1 =	seq.s32 s10, $0x1;
	s10 =	sld [smem:$0x3FB4];
	_ =	sdelay $0x3  }
0x37: {  	[smem:$0x3FB4] =	sst s10  }
0x38: {  	s10 =	sld [smem:$0x3FB5]  }
0x39: {  	_ = 	snop;
	(pc) =	sbr.ind lr, $3  }
0x3a: {  	_ = 	snop  }
0x3b: {  	_ = 	snop  }
0x3c: {  	p2 =	seq.s32 s10, $0x1;
	s10 =	sld [smem:$0x3FB4]  }
0x3d: {  	_ =	shalt  }
0x3e: {  	_ =	shalt  }
0x3f: {  	_ =	shalt  }
0x40: {  	_ =	shalt  }
0x41: {  	_ =	shalt  }
0x42: {  	_ =	shalt  }
0x43: {  	_ =	shalt  }
0x44: {  	_ =	shalt  }
0x45: {  	_ =	shalt  }
0x46: {  	_ =	shalt  }
0x47: {  	_ =	shalt  }
0x48: {  	_ =	shalt  }
0x49: {  	_ =	shalt  }
0x4a: {  	_ =	shalt  }
0x4b: {  	_ =	shalt  }
0x4c: {  	_ =	shalt  }
0x4d: {  	_ =	shalt  }
0x4e: {  	_ =	shalt  }
0x4f: {  	_ =	shalt  }
0x50: {  	_ =	shalt  }
0x51: {  	_ =	shalt  }
0x52: {  	_ =	shalt  }
0x53: {  	_ =	shalt  }
0x54: {  	_ =	shalt  }
0x55: {  	_ =	shalt  }
0x56: {  	_ =	shalt  }
0x57: {  	_ =	shalt  }
0x58: {  	_ =	shalt  }
0x59: {  	_ =	shalt  }
0x5a: {  	_ =	shalt  }
0x5b: {  	_ =	shalt  }
0x5c: {  	_ =	shalt  }
0x5d: {  	_ =	shalt  }
0x5e: {  	_ =	shalt  }
0x5f: {  	_ =	shalt  }
0x60: {  	_ =	shalt  }
0x61: {  	_ =	shalt  }
0x62: {  	_ =	shalt  }
0x63: {  	_ =	shalt  }
0x64: {  	_ =	shalt  }
0x65: {  	_ =	shalt  }
0x66: {  	_ =	shalt  }
0x67: {  	_ =	shalt  }
0x68: {  	_ =	shalt  }
0x69: {  	_ =	shalt  }
0x6a: {  	_ =	shalt  }
0x6b: {  	_ =	shalt  }
0x6c: {  	_ =	shalt  }
0x6d: {  	_ =	shalt  }
0x6e: {  	_ =	shalt  }
0x6f: {  	_ =	shalt  }
0x70: {  	_ =	shalt  }
0x71: {  	_ =	shalt  }
0x72: {  	_ =	shalt  }
0x73: {  	_ =	shalt  }
0x74: {  	_ =	shalt  }
0x75: {  	_ =	shalt  }
0x76: {  	_ =	shalt  }
0x77: {  	_ =	shalt  }
0x78: {  	_ =	shalt  }
0x79: {  	_ =	shalt  }
0x7a: {  	_ =	shalt  }
0x7b: {  	_ =	shalt  }
0x7c: {  	_ =	shalt  }
0x7d: {  	_ =	shalt  }
0x7e: {  	_ =	shalt  }
0x7f: {  	_ =	shalt  }
0x80: {  	_ =	shalt  }
0x81: {  	_ =	shalt  }
0x82: {  	_ =	shalt  }
0x83: {  	_ =	shalt  }
0x84: {  	_ =	shalt  }
0x85: {  	_ =	shalt  }
0x86: {  	_ =	shalt  }
0x87: {  	_ =	shalt  }
.Lfunc_end0:
.L_simem_size_0:
called_computation.2_lowered:
.L_overlay_start_0:
0x88: {  	s2 =	sld [smem:$0x3FD9]  }
0x89: {  	s3 =	sld [smem:$0x3FFE];
	_ =	sdelay $0x1  }
0x8a: {  	s1 =	srdreg.scid  }
0x8b: {  	s0 =	sand.u32 $0x1, s1  }
0x8c: {  	s15 =	sshll.u32 s0, $0xA;
	s2 =	sadd.s32 s3, s2  }
0x8d: {  	s2 =	sadd.s32 s2, s15  }
0x8e: {  	[smem:$0x3FC0] =	sst s2  }
0x8f: {  	_ = 	snop  }
0x90: {  	s2 =	sld [smem:$0x3FD0];
	_ =	sdelay $0x2  }
0x91: {  	s16 =	simm.s32 $0xD;
	s4 =	simm.s32 $0x10  }
0x92: {  	[smem:s4], [sflag:s16] =	dma.local [hbm:s2], $0x1  }
0x93: {  	_ =	swait.eq [sflag:s16], $0x1  }
0x94: {  	[sflag:s16] =	ssyncset.done $0x0  }
0x95: {  	[sflag:s16] =	ssyncadd.s32 $0xFFFFFFFF  }
0x96: {  	s17 =	sld [smem:$0x10];
	(tm) =	ssettm $0x1  }
0x97: {  	s18 =	sld [smem:$0x3FFB];
	_ =	sdelay $0x3  }
0x98: {  	_ =	strace s18  }
0x99: {  	s2 =	sld [smem:$0x3FFC];
	_ =	sdelay $0x3  }
0x9a: {  	_ =	strace s2  }
0x9b: {  	s2 =	sld [smem:$0x3FFD];
	_ =	sdelay $0x3  }
0x9c: {  	_ =	strace s2  }
0x9d: {  	_ =	strace $0x8FFFFFFF  }
0x9e: {  	s19 =	sld [smem:$0x3FDB];
	_ =	sdelay $0x1  }
0x9f: {  	s20 =	simm.s32 $_scs_section_size  }
0xa0: {  	s5 =	simm.s32 $_size__tile_overlayer_lowered;
	s6 =	simm.s32 $_tile_overlayer_lowered  }
0xa1: {  	s7 =	simm.s32 $0x1BFF;
	s21 =	sshll.u32 s6, $0x1;
	s4 =	sadd.s32 s20, s19  }
0xa2: {  	s22 =	simm.s32 $0x0;
	s5 =	sshll.u32 s5, $0x1;
	s6 =	sadd.s32 s21, s4  }
0xa3: {  	[timem:s22], [sflag:s7] =	dma.local [hbm:s6], s5  }
0xa4: {  	_ =	swait.ge [sflag:s7], s5  }
0xa5: {  	s5 =	ssub.s32 $0x0, s5;
	[sflag:s7] =	ssyncset.done $0x0  }
0xa6: {  	[sflag:s7] =	ssyncadd.s32 s5;
	_ =	sdelay $0x1  }
0xa7: {  	s23 =	simm.s32 $0x1B8B  }
0xa8: {  	_ =	swait.ge [sflag:s23], $0x1  }
0xa9: {  	[sflag:s23] =	ssyncset.done $0x0  }
0xaa: {  	[sflag:s23] =	ssyncadd.s32 $0xFFFFFFFF  }
0xab: {  	s5 =	sld [smem:$0x0]  }
0xac: {  	s6 =	sand.u32 $0xFFFFFFFE, s1  }
0xad: {  	p0 =	sne.s32 s1, s6  }
0xae: {  	s6 =	sshll.u32 @p0 s6, $0xE  }
0xaf: {  	s6 =	sadd.s32 @p0 $0x11B8D, s6;
	s7 =	sshll.u32 @p0 s5, $0x11  }
0xb0: {  	s6 =	sor.u32 @p0 s7, s6  }
0xb1: {  	[sflag:s6] =	ssyncadd.remote.s32 @p0 $0x1;
	_ =	sdelay $0x1  }
0xb2: {  	s6 =	simm.s32 @p0 $0x1B8D  }
0xb3: {  	_ =	swait.eq @p0 [sflag:s6], $0x1  }
0xb4: {  	[sflag:s6] =	ssyncadd.s32 @p0 $0xFFFFFFFF  }
0xb5: {  	s7 =	sshll.u32 @!p0 s1, $0xE  }
0xb6: {  	s7 =	sor.u32 @!p0 $0x4000, s7;
	s6 =	simm.s32 @!p0 $0x1B8D  }
0xb7: {  	s5 =	sshll.u32 @!p0 s5, $0x11;
	s7 =	sadd.s32 @!p0 $0x11B8D, s7;
	_ =	swait.eq @!p0 [sflag:s6], $0x1  }
0xb8: {  	s5 =	sor.u32 @!p0 s5, s7;
	[sflag:s6] =	ssyncadd.s32 @!p0 $0xFFFFFFFF  }
0xb9: {  	s25 =	simm.s32 $0x1B8E;
	s24 =	sld [smem:$0x3FFE];
	[sflag:s5] =	ssyncadd.remote.s32 @!p0 $0x1  }
0xba: {  	s26 =	simm.s32 $execute0_lowered;
	[smem:$0x3FD2] =	sst s25  }
0xbb: {  	s6 =	sshll.u32 s26, $0x1;
	_ =	strace $0x8000005A;
	[dreg:$0x1] =	wrdreg $0xFFFFFFFF  }
0xbc: {  	s28 =	simm.s32 $_size_execute0_lowered;
	s4 =	sadd.s32 s4, s6;
	[dreg:$0x0] =	wrdreg $0x0  }
0xbd: {  	s6 =	sshll.u32 s28, $0x1;
	[dreg:$0x2] =	wrdreg s4  }
0xbe: {  	[dreg:$0x3] =	wrdreg s6  }
0xbf: {  	[dreg:$0x4] =	wrdreg $0xC0  }
0xc0: {  	_ =	task [dreg:s22], $0x5FFFF  }
0xc1: {  	[dreg:$0x1] =	wrdreg $0xFFFFFFFF  }
0xc2: {  	[dreg:$0x0] =	wrdreg $0x60  }
0xc3: {  	[dreg:$0x2] =	wrdreg s24  }
0xc4: {  	[dreg:$0x3] =	wrdreg s17  }
0xc5: {  	[dreg:$0x4] =	wrdreg $0xB  }
0xc6: {  	_ =	task.clear_ibuf [dreg:s22], $0x5FFFF;
	_ =	strace $0x9000005A  }
0xc7: {  	s29 =	simm.s32 $0xB;
	_ =	strace $0x80000063  }
0xc8: {  	_ =	swait.ge [sflag:s29], $0x1  }
0xc9: {  	[sflag:s29] =	ssyncadd.s32 $0xFFFFFFFF  }
0xca: {  	_ =	strace $0x90000063  }
0xcb: {  	_ =	sfence  }
0xcc: {  	s30 =	sld [smem:$0x0];
	_ =	sdelay $0x2  }
0xcd: {  	s31 =	sshll.u32 s1, $0xD;
	s1 =	sshrl.u32 s1, $0x2  }
0xce: {  	s4 =	sand.u32 $0x4000, s31;
	s1 =	sadd.s32 s1, s30  }
0xcf: {  	s0 =	sor.u32 s4, s0;
	s1 =	sshll.u32 s1, $0x11  }
0xd0: {  	s0 =	sor.u32 s1, s0  }
0xd1: {  	s0 =	sadd.s32 $0x8F2B, s0  }
0xd2: {  	[sflag:s0] =	ssyncadd.remote.s32 $0x1  }
0xd3: {  	_ =	sfence.sel $0xFFFF  }
0xd4: {  	[dreg:$0x0] =	wrdreg $0xFFFFFFFF;
	(pc) =	sbr.abs _section_cstart, $3  }
0xd5: {  	[dreg:$0x1] =	wrdreg $0xFFFFFFFF  }
0xd6: {  	_ =	task.clear_ibuf [dreg:s22], $0x2FFFF;
	_ =	strace $0x9FFFFFFF  }
0xd7: {  	(tm) =	ssettm $0x7FFFFFFF  }
tec
execute0_lowered:
.L_overlay_start_1:
0x0: {  	(tag) =	ssettag $0x1  }
0x1: {  	s0 =	srdreg.scid  }
0x2: {  	s15 =	sand.u32 $0x1, s0  }
0x3: {  	s7 =	rddreg [dreg:$0x0];
	s1 =	stileid.u32;
	s3 =	sshll.u32 s15, $0x4  }
0x4: {  	s10 =	rddreg [dreg:$0x1];
	s2 =	simm.s32 $0x0;
	s11 =	sor.u32 s1, s3  }
0x5: {  	[smem:$0x7FF] =	sst s2;
	s3 =	sshll.u32 s11, $0x5  }
0x6: {  	s0 =	rddreg [dreg:$0x2];
	_ =	strace $0x8000005B;
	s4 =	sadd.s32 s3, s7  }
0x7: {  	_ =	strace $0x8000005C;
	s3 =	sadd.s32 $0x4C600, s4  }
0x8: {  	[tilespmem:s2], [sflag:$0x1] =	stream.linear.gather [hbm4b:s3+s2], $0x80, $0x200038;
	[tilespmem:$0x8100] =	vst v63  }
0x9: {  	_ =	strace $0x9000005C  }
0xa: {  	s5 =	simm.s32 $0x80;
	s4 =	sadd.s32 $0x4C610, s4;
	_ =	strace $0x8000005D  }
0xb: {  	[tilespmem:s5], [sflag:$0x2] =	stream.linear.gather [hbm4b:s4+s2], $0x80, $0x200038;
	[tilespmem:$0x8100] =	vst v63  }
0xc: {  	_ =	strace $0x9000005D  }
0xd: {  	s6 =	simm.s32 $0x1;
	_ =	strace $0x8000005E  }
0xe: {  	_ =	swait.ge [sflag:s6], $0x80  }
0xf: {  	[sflag:s6] =	ssyncset.done $0x0  }
0x10: {  	[sflag:s6] =	ssyncadd.s32 $0xFFFFFF80  }
0x11: {  	s8 =	simm.s32 $0x100;
	_ =	strace $0x9000005E  }
0x12: {  	s9 =	simm.s32 $0x5;
	s7 =	sadd.s32 $0x4CA00, s7;
	_ =	strace $0x8000005F  }
0x13: {  	[tilespmem:s8], [sflag:$0x5] =	stream.indirect.gather [hbm4b:s7+s5], $0x80, s2, s5, $0x2000b8;
	[tilespmem:$0x8100] =	vst v63  }
0x14: {  	_ =	swait.ge [sflag:s9], $0x4000  }
0x15: {  	[sflag:s9] =	ssyncset.done $0x0  }
0x16: {  	[sflag:s9] =	ssyncadd.s32 $0xFFFFC000  }
0x17: {  	s11 =	sshll.u32 s11, $0xC;
	_ =	strace $0x9000005F  }
0x18: {  	s10 =	sadd.s32 s10, s11;
	_ =	strace $0x80000060  }
0x19: {  	[hbm4b:s10+s2] =	stream.linear.scatter [tilespmem:s8], [sflag:$0x3], $0x4000, $0x200038;
	[tilespmem:$0x8100] =	vst v63  }
0x1a: {  	_ =	strace $0x90000060  }
0x1b: {  	s11 =	simm.s32 $0x2;
	_ =	strace $0x8000005E  }
0x1c: {  	_ =	swait.ge [sflag:s11], $0x80  }
0x1d: {  	[sflag:s11] =	ssyncset.done $0x0  }
0x1e: {  	[sflag:s11] =	ssyncadd.s32 $0xFFFFFF80  }
0x1f: {  	_ =	strace $0x9000005E  }
0x20: {  	s12 =	simm.s32 $0x4100;
	_ =	strace $0x8000005F  }
0x21: {  	[tilespmem:s12], [sflag:$0x5] =	stream.indirect.gather [hbm4b:s7+s5], $0x80, s5, s5, $0x2000b8;
	[tilespmem:$0x8100] =	vst v63  }
0x22: {  	_ =	swait.ge [sflag:s9], $0x4000  }
0x23: {  	[sflag:s9] =	ssyncset.done $0x0  }
0x24: {  	[sflag:s9] =	ssyncadd.s32 $0xFFFFC000  }
0x25: {  	_ =	strace $0x9000005F  }
0x26: {  	s13 =	sadd.s32 $0x800, s10;
	_ =	strace $0x80000060  }
0x27: {  	[hbm4b:s13+s2] =	stream.linear.scatter [tilespmem:s12], [sflag:$0x4], $0x4000, $0x200038;
	[tilespmem:$0x8100] =	vst v63  }
0x28: {  	s15 =	ssub.s32 $0x2, s15;
	_ =	strace $0x90000060  }
0x29: {  	s14 =	simm.s32 $0x3;
	s16 =	sshrl.u32 s15, $0x1;
	_ =	strace $0x80000061  }
0x2a: {  	s16 =	ssub.s32 s15, s16;
	_ =	swait.ge [sflag:s14], $0x4000  }
0x2b: {  	s16 =	smax.u32 s16, $0x1;
	[sflag:s14] =	ssyncset.done $0x0  }
0x2c: {  	p0 =	sne.s32 s16, $0x1;
	[sflag:s14] =	ssyncadd.s32 $0xFFFFC000  }
.Ltmp0:
0x2d: {  	_ =	strace $0x90000061;
	(pc) =	sbr.rel @!p0 .LBB2_2-.Ltmp0, $4  }
0x2e: {  	s15 =	simm.s32 $0x4;
	_ =	strace $0x80000062  }
0x2f: {  	_ =	swait.ge [sflag:s15], $0x4000  }
0x30: {  	[sflag:s15] =	ssyncset.done $0x0  }
0x31: {  	s16 =	sadd.s32 $0xFFFFFFFF, s16;
	[sflag:s15] =	ssyncadd.s32 $0xFFFFC000  }
.LBB2_1:
0x32: {  	p0 =	sne.s32 s16, $0x1;
	s16 =	sadd.s32 $0xFFFFFFFF, s16;
	_ =	strace $0x90000062  }
0x33: {  	_ =	strace $0x8000005C  }
0x34: {  	[tilespmem:s2], [sflag:$0x1] =	stream.linear.gather [hbm4b:s3+s2], $0x80, $0x200038;
	[tilespmem:$0x8100] =	vst v63  }
0x35: {  	_ =	strace $0x9000005C  }
0x36: {  	_ =	strace $0x8000005D  }
0x37: {  	[tilespmem:s5], [sflag:$0x2] =	stream.linear.gather [hbm4b:s4+s2], $0x80, $0x200038;
	[tilespmem:$0x8100] =	vst v63  }
0x38: {  	_ =	strace $0x9000005D  }
0x39: {  	_ =	strace $0x8000005E  }
0x3a: {  	_ =	swait.ge [sflag:s6], $0x80  }
0x3b: {  	[sflag:s6] =	ssyncset.done $0x0  }
0x3c: {  	[sflag:s6] =	ssyncadd.s32 $0xFFFFFF80  }
0x3d: {  	_ =	strace $0x9000005E  }
0x3e: {  	_ =	strace $0x8000005F  }
0x3f: {  	[tilespmem:s8], [sflag:$0x5] =	stream.indirect.gather [hbm4b:s7+s5], $0x80, s2, s5, $0x2000b8;
	[tilespmem:$0x8100] =	vst v63  }
0x40: {  	_ =	swait.ge [sflag:s9], $0x4000  }
0x41: {  	[sflag:s9] =	ssyncset.done $0x0  }
0x42: {  	[sflag:s9] =	ssyncadd.s32 $0xFFFFC000  }
0x43: {  	_ =	strace $0x9000005F  }
0x44: {  	_ =	strace $0x80000060  }
0x45: {  	[hbm4b:s10+s2] =	stream.linear.scatter [tilespmem:s8], [sflag:$0x3], $0x4000, $0x200038;
	[tilespmem:$0x8100] =	vst v63  }
0x46: {  	_ =	strace $0x90000060  }
0x47: {  	_ =	strace $0x8000005E  }
0x48: {  	_ =	swait.ge [sflag:s11], $0x80  }
0x49: {  	[sflag:s11] =	ssyncset.done $0x0  }
0x4a: {  	[sflag:s11] =	ssyncadd.s32 $0xFFFFFF80  }
0x4b: {  	_ =	strace $0x9000005E  }
0x4c: {  	_ =	strace $0x8000005F  }
0x4d: {  	[tilespmem:s12], [sflag:$0x5] =	stream.indirect.gather [hbm4b:s7+s5], $0x80, s5, s5, $0x2000b8;
	[tilespmem:$0x8100] =	vst v63  }
0x4e: {  	_ =	swait.ge [sflag:s9], $0x4000  }
0x4f: {  	[sflag:s9] =	ssyncset.done $0x0  }
0x50: {  	[sflag:s9] =	ssyncadd.s32 $0xFFFFC000  }
0x51: {  	_ =	strace $0x9000005F  }
0x52: {  	_ =	strace $0x80000060  }
0x53: {  	[hbm4b:s13+s2] =	stream.linear.scatter [tilespmem:s12], [sflag:$0x4], $0x4000, $0x200038;
	[tilespmem:$0x8100] =	vst v63  }
0x54: {  	_ =	strace $0x90000060  }
0x55: {  	_ =	strace $0x80000061  }
0x56: {  	_ =	swait.ge [sflag:s14], $0x4000  }
0x57: {  	[sflag:s14] =	ssyncset.done $0x0  }
0x58: {  	[sflag:s14] =	ssyncadd.s32 $0xFFFFC000  }
.Ltmp1:
0x59: {  	_ =	strace $0x90000061;
	(pc) =	sbr.rel @p0 .LBB2_1-.Ltmp1, $4  }
0x5a: {  	_ =	strace $0x80000062  }
0x5b: {  	_ =	swait.ge [sflag:s15], $0x4000  }
0x5c: {  	[sflag:s15] =	ssyncset.done $0x0  }
0x5d: {  	[sflag:s15] =	ssyncadd.s32 $0xFFFFC000  }
.LBB2_2:
0x5e: {  	_ =	strace $0x90000062  }
0x5f: {  	_ =	sfence.sel $0x180000  }
0x60: {  	[bflag:$0x0] =	sbarrier.arrive $0xFFFF  }
0x61: {  	p0 =	sne.s32 s1, $0x0;
	_ =	strace $0x9000005B  }
0x62: {  	s0 =	sadd.s32 @!p0 $0x100000, s0;
	[bflag:$0x2] =	sbarrier.arrive $0xFFFF  }
0x63: {  	[sflag:s0] =	ssyncadd.tile.s32 @!p0 $0x1;
	_ =	shalt  }
.Lfunc_end2:
_tile_overlayer_lowered:
.L_overlay_start_2:
0x64: {  	(tag) =	ssettag $0x2  }
0x65: {  	s0 =	rddreg [dreg:$0x0];
	s2 =	stileid.u32  }
0x66: {  	s1 =	rddreg [dreg:$0x1];
	p0 =	sne.s32 s2, $0x0  }
0x67: {  	s3 =	rddreg [dreg:$0x2];
	[bflag:$0x3] =	sbarrier.arrive $0xFFFF;
	s2 =	simm.s32 @!p0 $0x1C01  }
0x68: {  	[timem:s3], [sflag:s2] =	dma.local @!p0 [hbm:s0], s1  }
0x69: {  	s0 =	simm.s32 @!p0 $0x1  }
0x6a: {  	_ =	swait.ge @!p0 [sflag:s0], s1  }
0x6b: {  	s1 =	ssub.s32 @!p0 $0x0, s1;
	[sflag:s0] =	ssyncset.done @!p0 $0x0  }
0x6c: {  	[sflag:s0] =	ssyncadd.s32 @!p0 s1  }
0x6d: {  	[bflag:$0x3] =	sbarrier.arrive $0xFFFF  }
0x6e: {  	_ =	shalt  }

// kernel: kernel.23.cloned.1.call-start
scs
__scs_entry_jumppad:
0x0: {  	(pc) =	sbr.rel $0x88, $3  }
0x1: {  	(tag) =	ssettag $0x0;
	lr =	simm.s32 $0x1  }
0x2: {  	[smem:$0x3F99] =	sst lr;
	_ =	strace $0xD0000000  }
0x3: {  	_ = 	snop  }
0x4: {  	_ = 	snop  }
0x5: {  	_ = 	snop  }
0x6: {  	_ = 	snop  }
0x7: {  	_ = 	snop  }
__scs_overlays_trampoline_lowered:
0x8: {  	[smem:$0x3FA8] =	sst s0  }
0x9: {  	[smem:$0x3FA9] =	sst s1  }
0xa: {  	[smem:$0x3FAA] =	sst s2  }
0xb: {  	[smem:$0x3FAB] =	sst s3  }
0xc: {  	[smem:$0x3FAC] =	sst s4  }
0xd: {  	[smem:$0x3FAD] =	sst s5  }
0xe: {  	[smem:$0x3FAE] =	sst s6  }
0xf: {  	[smem:$0x3FAF] =	sst s7  }
0x10: {  	[smem:$0x3FB0] =	sst s8  }
0x11: {  	[smem:$0x3FB1] =	sst s9;
	s0 =	simm.s32 @!p0 $0x0  }
0x12: {  	s1 =	sld [smem:$0x3F97];
	s0 =	simm.s32 @p0 $0x1  }
0x13: {  	[smem:$0x3FB2] =	sst s0;
	s0 =	simm.s32 @!p1 $0x0  }
0x14: {  	s2 =	sld [smem:$0x3F96];
	s0 =	simm.s32 @p1 $0x1  }
0x15: {  	[smem:$0x3FB3] =	sst s0;
	s0 =	simm.s32 @!p2 $0x0  }
0x16: {  	s3 =	sld [smem:$0x3FDB];
	s0 =	simm.s32 @p2 $0x1  }
0x17: {  	s4 =	simm.s32 $0x1BF5;
	[smem:$0x3FB5] =	sst s0  }
0x18: {  	s0 =	sld [smem:$0x3F98];
	_ =	swait.ge [sflag:s4], $0x0  }
0x19: {  	s7 =	sld [smem:$0x3F99]  }
0x1a: {  	s8 =	sadd.s32 $0xFFFFE003, lr  }
0x1b: {  	s9 =	sadd.s32 $0xFFFFFEF7, lr;
	s5 =	simm.s32 $0xFFFFFFFF;
	p2 =	slt.u32 s8, $0xFFFFF086  }
0x1c: {  	p1 =	slt.u32 s9, $0xF7A;
	s5 =	simm.s32 @!p2 $0x0  }
0x1d: {  	s5 =	simm.s32 @p1 $0x1;
	p0 =	seq.s32 s7, s2  }
0x1e: {  	s7 =	smul.u32 @!p0 $0xF7A, s2;
	p2 =	seq.s32 @!p0 s5, $0x0  }
0x1f: {  	s9 =	smul.u32 $0xF7A, s1;
	s8 =	simm.s32 @!p0 $0x1BF5;
	p2 =	por !p2, p0  }
0x20: {  	[sflag:s8] =	ssyncset.s32 @!p0 $0xFFFFF086;
	s6 =	sadd.s32 @!p0 s3, s7;
	s7 =	simm.s32 @!p0 $0x108  }
0x21: {  	s3 =	sadd.s32 s3, s9;
	s6 =	sadd.s32 @!p0 $0x88, s6;
	s7 =	simm.s32 @p2 $0x1082  }
0x22: {  	[simem:s7], [sflag:s8] =	dma.local @!p0 [hbm:s6], $0xF7A  }
0x23: {  	s9 =	sor.u32 $0xD0000000, s2;
	s6 =	simm.s32 $0x108;
	_ =	swait.ge @!p0 [sflag:s8], $0x0  }
0x24: {  	s3 =	sadd.s32 $0x88, s3;
	s6 =	simm.s32 @!p1 $0x1082;
	[sflag:s4] =	ssyncset.s32 $0xFFFFF086  }
0x25: {  	[simem:s6], [sflag:s4] =	dma.local [hbm:s3], $0xF7A  }
0x26: {  	[smem:$0x3F99] =	sst s1;
	(tag) =	ssettag s2;
	_ =	strace s9  }
0x27: {  	s1 =	sld [smem:$0x3FA9]  }
0x28: {  	s2 =	sld [smem:$0x3FAA]  }
0x29: {  	s4 =	sld [smem:$0x3FAC]  }
0x2a: {  	p0 =	seq.s32 s5, $0x0;
	s5 =	sld [smem:$0x3FAD]  }
0x2b: {  	s6 =	sld [smem:$0x3FAE]  }
0x2c: {  	s7 =	sld [smem:$0x3FAF]  }
0x2d: {  	s3 =	simm.s32 $0x108;
	s8 =	sld [smem:$0x3FB0]  }
0x2e: {  	s3 =	simm.s32 @!p0 $0x1082;
	s9 =	sld [smem:$0x3FB1]  }
0x2f: {  	lr =	sadd.s32 s0, s3;
	s0 =	sld [smem:$0x3FA8]  }
0x30: {  	s3 =	sld [smem:$0x3FAB]  }
0x31: {  	[smem:$0x3FB4] =	sst s10  }
0x32: {  	s10 =	sld [smem:$0x3FB2];
	_ =	sdelay $0x3  }
0x33: {  	p0 =	seq.s32 s10, $0x1;
	s10 =	sld [smem:$0x3FB4];
	_ =	sdelay $0x3  }
0x34: {  	[smem:$0x3FB4] =	sst s10  }
0x35: {  	s10 =	sld [smem:$0x3FB3];
	_ =	sdelay $0x3  }
0x36: {  	p1 =	seq.s32 s10, $0x1;
	s10 =	sld [smem:$0x3FB4];
	_ =	sdelay $0x3  }
0x37: {  	[smem:$0x3FB4] =	sst s10  }
0x38: {  	s10 =	sld [smem:$0x3FB5]  }
0x39: {  	_ = 	snop;
	(pc) =	sbr.ind lr, $3  }
0x3a: {  	_ = 	snop  }
0x3b: {  	_ = 	snop  }
0x3c: {  	p2 =	seq.s32 s10, $0x1;
	s10 =	sld [smem:$0x3FB4]  }
0x3d: {  	_ =	shalt  }
0x3e: {  	_ =	shalt  }
0x3f: {  	_ =	shalt  }
0x40: {  	_ =	shalt  }
0x41: {  	_ =	shalt  }
0x42: {  	_ =	shalt  }
0x43: {  	_ =	shalt  }
0x44: {  	_ =	shalt  }
0x45: {  	_ =	shalt  }
0x46: {  	_ =	shalt  }
0x47: {  	_ =	shalt  }
0x48: {  	_ =	shalt  }
0x49: {  	_ =	shalt  }
0x4a: {  	_ =	shalt  }
0x4b: {  	_ =	shalt  }
0x4c: {  	_ =	shalt  }
0x4d: {  	_ =	shalt  }
0x4e: {  	_ =	shalt  }
0x4f: {  	_ =	shalt  }
0x50: {  	_ =	shalt  }
0x51: {  	_ =	shalt  }
0x52: {  	_ =	shalt  }
0x53: {  	_ =	shalt  }
0x54: {  	_ =	shalt  }
0x55: {  	_ =	shalt  }
0x56: {  	_ =	shalt  }
0x57: {  	_ =	shalt  }
0x58: {  	_ =	shalt  }
0x59: {  	_ =	shalt  }
0x5a: {  	_ =	shalt  }
0x5b: {  	_ =	shalt  }
0x5c: {  	_ =	shalt  }
0x5d: {  	_ =	shalt  }
0x5e: {  	_ =	shalt  }
0x5f: {  	_ =	shalt  }
0x60: {  	_ =	shalt  }
0x61: {  	_ =	shalt  }
0x62: {  	_ =	shalt  }
0x63: {  	_ =	shalt  }
0x64: {  	_ =	shalt  }
0x65: {  	_ =	shalt  }
0x66: {  	_ =	shalt  }
0x67: {  	_ =	shalt  }
0x68: {  	_ =	shalt  }
0x69: {  	_ =	shalt  }
0x6a: {  	_ =	shalt  }
0x6b: {  	_ =	shalt  }
0x6c: {  	_ =	shalt  }
0x6d: {  	_ =	shalt  }
0x6e: {  	_ =	shalt  }
0x6f: {  	_ =	shalt  }
0x70: {  	_ =	shalt  }
0x71: {  	_ =	shalt  }
0x72: {  	_ =	shalt  }
0x73: {  	_ =	shalt  }
0x74: {  	_ =	shalt  }
0x75: {  	_ =	shalt  }
0x76: {  	_ =	shalt  }
0x77: {  	_ =	shalt  }
0x78: {  	_ =	shalt  }
0x79: {  	_ =	shalt  }
0x7a: {  	_ =	shalt  }
0x7b: {  	_ =	shalt  }
0x7c: {  	_ =	shalt  }
0x7d: {  	_ =	shalt  }
0x7e: {  	_ =	shalt  }
0x7f: {  	_ =	shalt  }
0x80: {  	_ =	shalt  }
0x81: {  	_ =	shalt  }
0x82: {  	_ =	shalt  }
0x83: {  	_ =	shalt  }
0x84: {  	_ =	shalt  }
0x85: {  	_ =	shalt  }
0x86: {  	_ =	shalt  }
0x87: {  	_ =	shalt  }
.Lfunc_end0:
.L_simem_size_0:
called_computation.3_lowered:
.L_overlay_start_0:
0x88: {  	s2 =	sld [smem:$0x3FD9]  }
0x89: {  	s3 =	sld [smem:$0x3FFE];
	_ =	sdelay $0x1  }
0x8a: {  	s1 =	srdreg.scid  }
0x8b: {  	s0 =	sand.u32 $0x1, s1  }
0x8c: {  	s15 =	sshll.u32 s0, $0xA;
	s2 =	sadd.s32 s3, s2  }
0x8d: {  	s2 =	sadd.s32 s2, s15  }
0x8e: {  	[smem:$0x3FC0] =	sst s2  }
0x8f: {  	_ = 	snop  }
0x90: {  	s2 =	sld [smem:$0x3FD0];
	_ =	sdelay $0x2  }
0x91: {  	s4 =	simm.s32 $0xD;
	s16 =	simm.s32 $0x10  }
0x92: {  	[smem:s16], [sflag:s4] =	dma.local [hbm:s2], $0x1  }
0x93: {  	_ =	swait.eq [sflag:s4], $0x1  }
0x94: {  	[sflag:s4] =	ssyncset.done $0x0  }
0x95: {  	s17 =	sld [smem:$0x11];
	[sflag:s4] =	ssyncadd.s32 $0xFFFFFFFF  }
0x96: {  	s18 =	sld [smem:$0x12];
	(tm) =	ssettm $0x1  }
0x97: {  	s19 =	sld [smem:$0x3FFB];
	_ =	sdelay $0x3  }
0x98: {  	_ =	strace s19  }
0x99: {  	s2 =	sld [smem:$0x3FFC];
	_ =	sdelay $0x3  }
0x9a: {  	_ =	strace s2  }
0x9b: {  	s2 =	sld [smem:$0x3FFD];
	_ =	sdelay $0x3  }
0x9c: {  	_ =	strace s2  }
0x9d: {  	_ =	strace $0x8FFFFFFF  }
0x9e: {  	s20 =	sld [smem:$0x3FDB];
	_ =	sdelay $0x1  }
0x9f: {  	s5 =	simm.s32 $_scs_section_size  }
0xa0: {  	s6 =	simm.s32 $_size__tile_overlayer_lowered;
	s7 =	simm.s32 $_tile_overlayer_lowered  }
0xa1: {  	s8 =	simm.s32 $0x1BFF;
	s21 =	sshll.u32 s7, $0x1;
	s5 =	sadd.s32 s5, s20  }
0xa2: {  	s22 =	simm.s32 $0x0;
	s6 =	sshll.u32 s6, $0x1;
	s7 =	sadd.s32 s21, s5  }
0xa3: {  	[timem:s22], [sflag:s8] =	dma.local [hbm:s7], s6  }
0xa4: {  	_ =	swait.ge [sflag:s8], s6  }
0xa5: {  	s6 =	ssub.s32 $0x0, s6;
	[sflag:s8] =	ssyncset.done $0x0  }
0xa6: {  	[sflag:s8] =	ssyncadd.s32 s6;
	_ =	sdelay $0x1  }
0xa7: {  	s23 =	simm.s32 $0x1B8B  }
0xa8: {  	_ =	swait.ge [sflag:s23], $0x1  }
0xa9: {  	[sflag:s23] =	ssyncset.done $0x0  }
0xaa: {  	[sflag:s23] =	ssyncadd.s32 $0xFFFFFFFF  }
0xab: {  	s6 =	sld [smem:$0x0]  }
0xac: {  	s7 =	sand.u32 $0xFFFFFFFE, s1  }
0xad: {  	p0 =	sne.s32 s1, s7  }
0xae: {  	s7 =	sshll.u32 @p0 s7, $0xE  }
0xaf: {  	s7 =	sadd.s32 @p0 $0x11B8D, s7;
	s8 =	sshll.u32 @p0 s6, $0x11  }
0xb0: {  	s7 =	sor.u32 @p0 s8, s7  }
0xb1: {  	[sflag:s7] =	ssyncadd.remote.s32 @p0 $0x1;
	_ =	sdelay $0x1  }
0xb2: {  	s7 =	simm.s32 @p0 $0x1B8D  }
0xb3: {  	_ =	swait.eq @p0 [sflag:s7], $0x1  }
0xb4: {  	[sflag:s7] =	ssyncadd.s32 @p0 $0xFFFFFFFF  }
0xb5: {  	s8 =	sshll.u32 @!p0 s1, $0xE  }
0xb6: {  	s8 =	sor.u32 @!p0 $0x4000, s8;
	s7 =	simm.s32 @!p0 $0x1B8D  }
0xb7: {  	s6 =	sshll.u32 @!p0 s6, $0x11;
	s8 =	sadd.s32 @!p0 $0x11B8D, s8;
	_ =	swait.eq @!p0 [sflag:s7], $0x1  }
0xb8: {  	s6 =	sor.u32 @!p0 s6, s8;
	[sflag:s7] =	ssyncadd.s32 @!p0 $0xFFFFFFFF  }
0xb9: {  	s25 =	simm.s32 $0x1B8E;
	s24 =	sld [smem:$0x3FFE];
	[sflag:s6] =	ssyncadd.remote.s32 @!p0 $0x1  }
0xba: {  	s26 =	simm.s32 $execute0_lowered;
	[smem:$0x3FD2] =	sst s25  }
0xbb: {  	s7 =	sshll.u32 s26, $0x1;
	_ =	strace $0x80000064;
	[dreg:$0x1] =	wrdreg $0xFFFFFFFF  }
0xbc: {  	s28 =	simm.s32 $_size_execute0_lowered;
	s5 =	sadd.s32 s5, s7;
	[dreg:$0x0] =	wrdreg $0x0  }
0xbd: {  	s7 =	sshll.u32 s28, $0x1;
	[dreg:$0x2] =	wrdreg s5  }
0xbe: {  	[dreg:$0x3] =	wrdreg s7  }
0xbf: {  	[dreg:$0x4] =	wrdreg $0xC0  }
0xc0: {  	_ =	task [dreg:s22], $0x5FFFF  }
0xc1: {  	[dreg:$0x1] =	wrdreg $0xFFFFFFFF  }
0xc2: {  	[dreg:$0x0] =	wrdreg $0x60  }
0xc3: {  	[dreg:$0x2] =	wrdreg s24  }
0xc4: {  	[dreg:$0x3] =	wrdreg s17  }
0xc5: {  	[dreg:$0x4] =	wrdreg s18  }
0xc6: {  	[dreg:$0x5] =	wrdreg $0xC  }
0xc7: {  	_ =	task.clear_ibuf [dreg:s22], $0x6FFFF;
	_ =	strace $0x90000064  }
0xc8: {  	s29 =	simm.s32 $0xC;
	_ =	strace $0x8000006D  }
0xc9: {  	_ =	swait.ge [sflag:s29], $0x1  }
0xca: {  	[sflag:s29] =	ssyncadd.s32 $0xFFFFFFFF  }
0xcb: {  	_ =	strace $0x9000006D  }
0xcc: {  	_ =	sfence  }
0xcd: {  	s30 =	sld [smem:$0x0];
	_ =	sdelay $0x2  }
0xce: {  	s31 =	sshll.u32 s1, $0xD;
	s1 =	sshrl.u32 s1, $0x2  }
0xcf: {  	s4 =	sand.u32 $0x4000, s31;
	s1 =	sadd.s32 s1, s30  }
0xd0: {  	s0 =	sor.u32 s4, s0;
	s1 =	sshll.u32 s1, $0x11  }
0xd1: {  	s0 =	sor.u32 s1, s0  }
0xd2: {  	s0 =	sadd.s32 $0x8F2B, s0  }
0xd3: {  	[sflag:s0] =	ssyncadd.remote.s32 $0x1  }
0xd4: {  	_ =	sfence.sel $0xFFFF  }
0xd5: {  	[dreg:$0x0] =	wrdreg $0xFFFFFFFF;
	(pc) =	sbr.abs _section_cstart, $3  }
0xd6: {  	[dreg:$0x1] =	wrdreg $0xFFFFFFFF  }
0xd7: {  	_ =	task.clear_ibuf [dreg:s22], $0x2FFFF;
	_ =	strace $0x9FFFFFFF  }
0xd8: {  	(tm) =	ssettm $0x7FFFFFFF  }
0xd9: {  	_ =	shalt  }
tec
execute0_lowered:
.L_overlay_start_1:
0x0: {  	(tag) =	ssettag $0x1  }
0x1: {  	s7 =	rddreg [dreg:$0x0]  }
0x2: {  	s3 =	rddreg [dreg:$0x1];
	s1 =	srdreg.scid  }
0x3: {  	s10 =	rddreg [dreg:$0x2];
	s15 =	sand.u32 $0x1, s1  }
0x4: {  	s2 =	simm.s32 $0x0;
	s1 =	stileid.u32;
	s4 =	sshll.u32 s15, $0x4  }
0x5: {  	[smem:$0x7FF] =	sst s2;
	s11 =	sor.u32 s1, s4  }
0x6: {  	s0 =	rddreg [dreg:$0x3];
	_ =	strace $0x80000065;
	s4 =	sshll.u32 s11, $0x5  }
0x7: {  	_ =	strace $0x80000066;
	s3 =	sadd.s32 s3, s4  }
0x8: {  	[tilespmem:s2], [sflag:$0x1] =	stream.linear.gather [hbm4b:s3+s2], $0x80, $0x200038;
	[tilespmem:$0x8100] =	vst v63  }
0x9: {  	_ =	strace $0x90000066  }
0xa: {  	s5 =	simm.s32 $0x80;
	s4 =	sadd.s32 $0x10, s3;
	_ =	strace $0x80000067  }
0xb: {  	[tilespmem:s5], [sflag:$0x2] =	stream.linear.gather [hbm4b:s4+s2], $0x80, $0x200038;
	[tilespmem:$0x8100] =	vst v63  }
0xc: {  	_ =	strace $0x90000067  }
0xd: {  	s6 =	simm.s32 $0x1;
	_ =	strace $0x80000068  }
0xe: {  	_ =	swait.ge [sflag:s6], $0x80  }
0xf: {  	[sflag:s6] =	ssyncset.done $0x0  }
0x10: {  	[sflag:s6] =	ssyncadd.s32 $0xFFFFFF80  }
0x11: {  	s8 =	simm.s32 $0x100;
	_ =	strace $0x90000068  }
0x12: {  	s9 =	simm.s32 $0x5;
	s7 =	sadd.s32 $0x50A00, s7;
	_ =	strace $0x80000069  }
0x13: {  	[tilespmem:s8], [sflag:$0x5] =	stream.indirect.gather [hbm4b:s7+s5], $0x80, s2, s5, $0x2000b8;
	[tilespmem:$0x8100] =	vst v63  }
0x14: {  	_ =	swait.ge [sflag:s9], $0x4000  }
0x15: {  	[sflag:s9] =	ssyncset.done $0x0  }
0x16: {  	[sflag:s9] =	ssyncadd.s32 $0xFFFFC000  }
0x17: {  	s11 =	sshll.u32 s11, $0xC;
	_ =	strace $0x90000069  }
0x18: {  	s10 =	sadd.s32 s10, s11;
	_ =	strace $0x8000006A  }
0x19: {  	[hbm4b:s10+s2] =	stream.linear.scatter [tilespmem:s8], [sflag:$0x3], $0x4000, $0x200038;
	[tilespmem:$0x8100] =	vst v63  }
0x1a: {  	_ =	strace $0x9000006A  }
0x1b: {  	s11 =	simm.s32 $0x2;
	_ =	strace $0x80000068  }
0x1c: {  	_ =	swait.ge [sflag:s11], $0x80  }
0x1d: {  	[sflag:s11] =	ssyncset.done $0x0  }
0x1e: {  	[sflag:s11] =	ssyncadd.s32 $0xFFFFFF80  }
0x1f: {  	_ =	strace $0x90000068  }
0x20: {  	s12 =	simm.s32 $0x4100;
	_ =	strace $0x80000069  }
0x21: {  	[tilespmem:s12], [sflag:$0x5] =	stream.indirect.gather [hbm4b:s7+s5], $0x80, s5, s5, $0x2000b8;
	[tilespmem:$0x8100] =	vst v63  }
0x22: {  	_ =	swait.ge [sflag:s9], $0x4000  }
0x23: {  	[sflag:s9] =	ssyncset.done $0x0  }
0x24: {  	[sflag:s9] =	ssyncadd.s32 $0xFFFFC000  }
0x25: {  	_ =	strace $0x90000069  }
0x26: {  	s13 =	sadd.s32 $0x800, s10;
	_ =	strace $0x8000006A  }
0x27: {  	[hbm4b:s13+s2] =	stream.linear.scatter [tilespmem:s12], [sflag:$0x4], $0x4000, $0x200038;
	[tilespmem:$0x8100] =	vst v63  }
0x28: {  	s15 =	ssub.s32 $0x2, s15;
	_ =	strace $0x9000006A  }
0x29: {  	s14 =	simm.s32 $0x3;
	s16 =	sshrl.u32 s15, $0x1;
	_ =	strace $0x8000006B  }
0x2a: {  	s16 =	ssub.s32 s15, s16;
	_ =	swait.ge [sflag:s14], $0x4000  }
0x2b: {  	s16 =	smax.u32 s16, $0x1;
	[sflag:s14] =	ssyncset.done $0x0  }
0x2c: {  	p0 =	sne.s32 s16, $0x1;
	[sflag:s14] =	ssyncadd.s32 $0xFFFFC000  }
.Ltmp0:
0x2d: {  	_ =	strace $0x9000006B;
	(pc) =	sbr.rel @!p0 .LBB2_2-.Ltmp0, $4  }
0x2e: {  	s15 =	simm.s32 $0x4;
	_ =	strace $0x8000006C  }
0x2f: {  	_ =	swait.ge [sflag:s15], $0x4000  }
0x30: {  	[sflag:s15] =	ssyncset.done $0x0  }
0x31: {  	s16 =	sadd.s32 $0xFFFFFFFF, s16;
	[sflag:s15] =	ssyncadd.s32 $0xFFFFC000  }
.LBB2_1:
0x32: {  	p0 =	sne.s32 s16, $0x1;
	s16 =	sadd.s32 $0xFFFFFFFF, s16;
	_ =	strace $0x9000006C  }
0x33: {  	_ =	strace $0x80000066  }
0x34: {  	[tilespmem:s2], [sflag:$0x1] =	stream.linear.gather [hbm4b:s3+s2], $0x80, $0x200038;
	[tilespmem:$0x8100] =	vst v63  }
0x35: {  	_ =	strace $0x90000066  }
0x36: {  	_ =	strace $0x80000067  }
0x37: {  	[tilespmem:s5], [sflag:$0x2] =	stream.linear.gather [hbm4b:s4+s2], $0x80, $0x200038;
	[tilespmem:$0x8100] =	vst v63  }
0x38: {  	_ =	strace $0x90000067  }
0x39: {  	_ =	strace $0x80000068  }
0x3a: {  	_ =	swait.ge [sflag:s6], $0x80  }
0x3b: {  	[sflag:s6] =	ssyncset.done $0x0  }
0x3c: {  	[sflag:s6] =	ssyncadd.s32 $0xFFFFFF80  }
0x3d: {  	_ =	strace $0x90000068  }
0x3e: {  	_ =	strace $0x80000069  }
0x3f: {  	[tilespmem:s8], [sflag:$0x5] =	stream.indirect.gather [hbm4b:s7+s5], $0x80, s2, s5, $0x2000b8;
	[tilespmem:$0x8100] =	vst v63  }
0x40: {  	_ =	swait.ge [sflag:s9], $0x4000  }
0x41: {  	[sflag:s9] =	ssyncset.done $0x0  }
0x42: {  	[sflag:s9] =	ssyncadd.s32 $0xFFFFC000  }
0x43: {  	_ =	strace $0x90000069  }
0x44: {  	_ =	strace $0x8000006A  }
0x45: {  	[hbm4b:s10+s2] =	stream.linear.scatter [tilespmem:s8], [sflag:$0x3], $0x4000, $0x200038;
	[tilespmem:$0x8100] =	vst v63  }
0x46: {  	_ =	strace $0x9000006A  }
0x47: {  	_ =	strace $0x80000068  }
0x48: {  	_ =	swait.ge [sflag:s11], $0x80  }
0x49: {  	[sflag:s11] =	ssyncset.done $0x0  }
0x4a: {  	[sflag:s11] =	ssyncadd.s32 $0xFFFFFF80  }
0x4b: {  	_ =	strace $0x90000068  }
0x4c: {  	_ =	strace $0x80000069  }
0x4d: {  	[tilespmem:s12], [sflag:$0x5] =	stream.indirect.gather [hbm4b:s7+s5], $0x80, s5, s5, $0x2000b8;
	[tilespmem:$0x8100] =	vst v63  }
0x4e: {  	_ =	swait.ge [sflag:s9], $0x4000  }
0x4f: {  	[sflag:s9] =	ssyncset.done $0x0  }
0x50: {  	[sflag:s9] =	ssyncadd.s32 $0xFFFFC000  }
0x51: {  	_ =	strace $0x90000069  }
0x52: {  	_ =	strace $0x8000006A  }
0x53: {  	[hbm4b:s13+s2] =	stream.linear.scatter [tilespmem:s12], [sflag:$0x4], $0x4000, $0x200038;
	[tilespmem:$0x8100] =	vst v63  }
0x54: {  	_ =	strace $0x9000006A  }
0x55: {  	_ =	strace $0x8000006B  }
0x56: {  	_ =	swait.ge [sflag:s14], $0x4000  }
0x57: {  	[sflag:s14] =	ssyncset.done $0x0  }
0x58: {  	[sflag:s14] =	ssyncadd.s32 $0xFFFFC000  }
.Ltmp1:
0x59: {  	_ =	strace $0x9000006B;
	(pc) =	sbr.rel @p0 .LBB2_1-.Ltmp1, $4  }
0x5a: {  	_ =	strace $0x8000006C  }
0x5b: {  	_ =	swait.ge [sflag:s15], $0x4000  }
0x5c: {  	[sflag:s15] =	ssyncset.done $0x0  }
0x5d: {  	[sflag:s15] =	ssyncadd.s32 $0xFFFFC000  }
.LBB2_2:
0x5e: {  	_ =	strace $0x9000006C  }
0x5f: {  	_ =	sfence.sel $0x180000  }
0x60: {  	[bflag:$0x0] =	sbarrier.arrive $0xFFFF  }
0x61: {  	p0 =	sne.s32 s1, $0x0;
	_ =	strace $0x90000065  }
0x62: {  	s0 =	sadd.s32 @!p0 $0x100000, s0;
	[bflag:$0x2] =	sbarrier.arrive $0xFFFF  }
0x63: {  	[sflag:s0] =	ssyncadd.tile.s32 @!p0 $0x1;
	_ =	shalt  }
.Lfunc_end2:
_tile_overlayer_lowered:
.L_overlay_start_2:
0x64: {  	(tag) =	ssettag $0x2  }
0x65: {  	s0 =	rddreg [dreg:$0x0];
	s2 =	stileid.u32  }
0x66: {  	s1 =	rddreg [dreg:$0x1];
	p0 =	sne.s32 s2, $0x0  }
0x67: {  	s3 =	rddreg [dreg:$0x2];
	[bflag:$0x3] =	sbarrier.arrive $0xFFFF;
	s2 =	simm.s32 @!p0 $0x1C01  }
0x68: {  	[timem:s3], [sflag:s2] =	dma.local @!p0 [hbm:s0], s1  }
0x69: {  	s0 =	simm.s32 @!p0 $0x1  }
0x6a: {  	_ =	swait.ge @!p0 [sflag:s0], s1  }
0x6b: {  	s1 =	ssub.s32 @!p0 $0x0, s1;
	[sflag:s0] =	ssyncset.done @!p0 $0x0  }
0x6c: {  	[sflag:s0] =	ssyncadd.s32 @!p0 s1  }
0x6d: {  	[bflag:$0x3] =	sbarrier.arrive $0xFFFF  }
0x6e: {  	_ =	shalt  }

</sc_bundles>
